<compile_context>
chip_gen: v7x
topology: tpu7x:2x2x1
jax: 0.10.2.dev20260603
libtpu: 0.0.44.dev20260713+nightly
codegen_flags: <defaults>
</compile_context>

<pallas_src>
import functools

import jax
import jax.numpy as jnp
from jax import lax
from jax.experimental import pallas as pl
from jax.experimental.pallas import tpu as pltpu
from jax.experimental.pallas import tpu_sc as plsc

N = 10000
E = 160000
NFEAT = 256
NHID = 64
NHEADS = 4
ALPHA = 0.2

NC = 2
NT = 16
L = 16

HALF = 2 * NHID
DENW = 16

EPT = E // NT
CHUNK = 80
NCHUNK = EPT // CHUNK

WBCH = 5
WBE = WBCH * CHUNK

CH2 = 80
NCH2 = EPT // CH2
BCH2 = 4
NB2 = (NCH2 - 1) // BCH2
PAIRS = BCH2 // 2
RCH = 16
NRC = N // RCH
RPT = (NRC + NT - 1) // NT
WCH = 80
NWC = N // WCH
WPT = (NWC + NT - 1) // NT

BLKN = 2000

_SC_PARAMS = pltpu.CompilerParams(
    use_tc_tiling_on_sc=False, needs_layout_passes=False)


def _tc_s_body(x_ref, wa2_ref, s_ref):
    s_ref[...] = jnp.dot(x_ref[...], wa2_ref[0],
                         preferred_element_type=jnp.float32)


_tc_s = pl.pallas_call(
    _tc_s_body,
    grid=(NC, N // BLKN),
    in_specs=[
        pl.BlockSpec((BLKN, NFEAT), lambda h, j: (j, 0)),
        pl.BlockSpec((1, NFEAT, 4), lambda h, j: (h, 0, 0)),
    ],
    out_specs=pl.BlockSpec((BLKN, 4), lambda h, j: (h * (N // BLKN) + j, 0)),
    out_shape=jax.ShapeDtypeStruct((NC * N, 4), jnp.float32),
)


def _tc_wh_body(x_ref, w2_ref, wh_ref):
    wh_ref[...] = jnp.dot(x_ref[...], w2_ref[0],
                          preferred_element_type=jnp.float32)


_tc_wh = pl.pallas_call(
    _tc_wh_body,
    grid=(NC, N // BLKN),
    in_specs=[
        pl.BlockSpec((BLKN, NFEAT), lambda h, j: (j, 0)),
        pl.BlockSpec((1, NFEAT, HALF), lambda h, j: (h, 0, 0)),
    ],
    out_specs=pl.BlockSpec((BLKN, HALF), lambda h, j: (h * (N // BLKN) + j, 0)),
    out_shape=jax.ShapeDtypeStruct((NC * N, HALF), jnp.float32),
)


def _norm_body(num_ref, den_ref, out_ref):
    num = num_ref[...]
    den = den_ref[...]
    r0 = 1.0 / jnp.maximum(den[:, 0:1], 1e-9)
    r1 = 1.0 / jnp.maximum(den[:, 1:2], 1e-9)
    out_ref[...] = jnp.concatenate(
        [num[:, :NHID] * r0, num[:, NHID:] * r1], axis=1)


_tc_norm = pl.pallas_call(
    _norm_body,
    grid=(NC, N // BLKN),
    in_specs=[
        pl.BlockSpec((BLKN, HALF), lambda h, j: (h * (N // BLKN) + j, 0)),
        pl.BlockSpec((BLKN, DENW), lambda h, j: (h * (N // BLKN) + j, 0)),
    ],
    out_specs=pl.BlockSpec((BLKN, HALF), lambda h, j: (j, h)),
    out_shape=jax.ShapeDtypeStruct((N, NC * HALF), jnp.float32),
)


_mesh = plsc.VectorSubcoreMesh(core_axis_name="c", subcore_axis_name="s")


@functools.partial(
    pl.kernel,
    out_type=(
        jax.ShapeDtypeStruct((NC * E // CHUNK, CHUNK), jnp.float32),
        jax.ShapeDtypeStruct((NC * E // CHUNK, CHUNK), jnp.float32),
        jax.ShapeDtypeStruct((NC * N, DENW), jnp.float32),
    ),
    mesh=_mesh,
    compiler_params=_SC_PARAMS,
    scratch_types=[
        pltpu.VMEM((N, 4), jnp.float32),
        pltpu.VMEM((WBCH, CHUNK), jnp.int32),
        pltpu.VMEM((WBCH, CHUNK), jnp.int32),
        pltpu.VMEM((WBCH, CHUNK), jnp.float32),
        pltpu.VMEM((WBCH, CHUNK), jnp.float32),
        pltpu.VMEM((WBCH, CHUNK, DENW), jnp.float32),
        pltpu.VMEM((RCH, DENW), jnp.float32),
        pltpu.VMEM_SHARED((N, DENW), jnp.float32),
    ],
)
def _sc_weights(src2_hbm, dst2_hbm, s_hbm, w0_hbm, w1_hbm, den_hbm,
                s_v, si_v, di_v, w0_v, w1_v, den3_v, dout_v, acc_den):
    c = lax.axis_index("c")
    t = lax.axis_index("s")
    lanes = lax.iota(jnp.int32, L)
    zeros16 = jnp.zeros((L,), jnp.float32)

    pltpu.sync_copy(s_hbm.at[pl.ds(c * N, N)], s_v)

    def _dz(i, _):
        def _dzc(j, _):
            den3_v[i, j, pl.ds(0, L)] = zeros16
            return 0
        lax.fori_loop(0, CHUNK, _dzc, 0)
        return 0
    lax.fori_loop(0, WBCH, _dz, 0)

    def _zrow(i, _):
        dout_v[i, pl.ds(0, L)] = zeros16
        return 0
    lax.fori_loop(0, RCH, _zrow, 0)

    def _zcopy(q, _):
        g = q * NT + t
        @pl.when(g < NRC)
        def _():
            pltpu.sync_copy(dout_v, acc_den.at[pl.ds(g * RCH, RCH)])
        return 0
    lax.fori_loop(0, RPT, _zcopy, 0)
    plsc.subcore_barrier()

    col16 = jnp.zeros((L,), jnp.int32)

    def _batch(b, _):
        rbase = t * NCHUNK + b * WBCH
        pltpu.sync_copy(src2_hbm.at[pl.ds(rbase, WBCH)], si_v)
        pltpu.sync_copy(dst2_hbm.at[pl.ds(rbase, WBCH)], di_v)

        def _wchunk(j, _):
            j16 = jnp.full((L,), j, jnp.int32)
            for k in range(CHUNK // L):
                s16 = si_v[j, pl.ds(k * L, L)]
                d16 = di_v[j, pl.ds(k * L, L)]
                z0 = (plsc.load_gather(s_v, [s16, col16])
                      + plsc.load_gather(s_v, [d16, col16 + 2]))
                w0g = jnp.exp(jnp.maximum(z0, ALPHA * z0))
                z1 = (plsc.load_gather(s_v, [s16, col16 + 1])
                      + plsc.load_gather(s_v, [d16, col16 + 3]))
                w1g = jnp.exp(jnp.maximum(z1, ALPHA * z1))
                w0_v[j, pl.ds(k * L, L)] = w0g
                w1_v[j, pl.ds(k * L, L)] = w1g
                e16 = lanes + (k * L)
                plsc.store_scatter(den3_v, [j16, e16, col16], w0g)
                plsc.store_scatter(den3_v, [j16, e16, col16 + 1], w1g)
            pltpu.sync_copy(den3_v.at[j], acc_den.at[di_v.at[j]], add=True)
            return 0
        lax.fori_loop(0, WBCH, _wchunk, 0)

        pltpu.sync_copy(w0_v, w0_hbm.at[pl.ds(c * (E // CHUNK) + rbase, WBCH)])
        pltpu.sync_copy(w1_v, w1_hbm.at[pl.ds(c * (E // CHUNK) + rbase, WBCH)])
        return 0

    lax.fori_loop(0, NCHUNK // WBCH, _batch, 0)
    plsc.subcore_barrier()

    def _dcopy(q, _):
        g = q * NT + t
        @pl.when(g < NWC)
        def _():
            pltpu.sync_copy(acc_den.at[pl.ds(g * WCH, WCH)],
                            den_hbm.at[pl.ds(c * N + g * WCH, WCH)])
        return 0
    lax.fori_loop(0, WPT, _dcopy, 0)


@functools.partial(
    pl.kernel,
    out_type=jax.ShapeDtypeStruct((NC * N, HALF), jnp.float32),
    mesh=_mesh,
    compiler_params=_SC_PARAMS,
    scratch_types=[
        pltpu.VMEM((BCH2 * CH2,), jnp.int32),
        pltpu.VMEM((BCH2, CH2), jnp.int32),
        pltpu.VMEM((BCH2 * CH2,), jnp.float32),
        pltpu.VMEM((BCH2 * CH2,), jnp.float32),
        pltpu.VMEM((CH2, HALF), jnp.float32),
        pltpu.VMEM((CH2, HALF), jnp.float32),
        pltpu.VMEM((RCH, HALF), jnp.float32),
        pltpu.VMEM_SHARED((N, HALF), jnp.float32),
        pltpu.SemaphoreType.DMA,
        pltpu.SemaphoreType.DMA,
        pltpu.SemaphoreType.DMA,
        pltpu.SemaphoreType.DMA,
    ],
)
def _sc_scatter(src_hbm, dst2_hbm, wh_hbm, w0_hbm, w1_hbm, out_hbm,
                gi_v, di_v, w0_v, w1_v, rows_a, rows_b, zin_v,
                acc_num, sem_ga, sem_gb, sem_sa, sem_sb):
    c = lax.axis_index("c")
    t = lax.axis_index("s")
    zeros16 = jnp.zeros((L,), jnp.float32)

    def _zrow(i, _):
        for k in range(HALF // L):
            zin_v[i, pl.ds(k * L, L)] = zeros16
        return 0
    lax.fori_loop(0, RCH, _zrow, 0)

    def _zcopy(q, _):
        g = q * NT + t
        @pl.when(g < NRC)
        def _():
            pltpu.sync_copy(zin_v, acc_num.at[pl.ds(g * RCH, RCH)])
        return 0
    lax.fori_loop(0, RPT, _zcopy, 0)
    plsc.subcore_barrier()

    cbias = c * N
    BE = BCH2 * CH2

    def _batch(b, _):
        ebase = t * EPT + b * BE
        rbase = t * NCH2 + b * BCH2

        @pl.when(b > 0)
        def _():
            pltpu.make_async_copy(
                rows_a, acc_num.at[di_v.at[BCH2 - 2]], sem_sa).wait()
            pltpu.make_async_copy(
                rows_b, acc_num.at[di_v.at[BCH2 - 1]], sem_sb).wait()

        pltpu.sync_copy(src_hbm.at[pl.ds(ebase, BE)], gi_v)
        pltpu.sync_copy(dst2_hbm.at[pl.ds(rbase, BCH2)], di_v)
        pltpu.sync_copy(w0_hbm.at[pl.ds(c * E + ebase, BE)], w0_v)
        pltpu.sync_copy(w1_hbm.at[pl.ds(c * E + ebase, BE)], w1_v)
        def _bias(k, _):
            gi_v[pl.ds(k * L, L)] = gi_v[pl.ds(k * L, L)] + cbias
            return 0
        lax.fori_loop(0, BE // L, _bias, 0)

        bufs = ((rows_a, sem_ga, sem_sa), (rows_b, sem_gb, sem_sb))

        def _pair(q, _):
            for par in range(2):
                rbuf, gsem, ssem = bufs[par]
                ch = q * 2 + par

                @pl.when(q > 0)
                def _():
                    pltpu.make_async_copy(
                        rbuf, acc_num.at[di_v.at[ch]], ssem).wait()
                pltpu.async_copy(
                    wh_hbm.at[gi_v.at[pl.ds(ch * CH2, CH2)]], rbuf, gsem)

            for par in range(2):
                rbuf, gsem, ssem = bufs[par]
                ch = q * 2 + par
                pltpu.make_async_copy(
                    wh_hbm.at[gi_v.at[pl.ds(ch * CH2, CH2)]], rbuf, gsem).wait()

                def _scale(g, _):
                    for u in range(2):
                        e = g * 2 + u
                        we = ch * CH2 + e
                        we16 = jnp.full((L,), we, jnp.int32)
                        w0s = plsc.load_gather(w0_v, [we16])
                        w1s = plsc.load_gather(w1_v, [we16])
                        for k in range(NHID // L):
                            rbuf[e, pl.ds(k * L, L)] = (
                                rbuf[e, pl.ds(k * L, L)] * w0s)
                            rbuf[e, pl.ds(NHID + k * L, L)] = (
                                rbuf[e, pl.ds(NHID + k * L, L)] * w1s)
                    return 0
                lax.fori_loop(0, CH2 // 2, _scale, 0)

                pltpu.async_copy(
                    rbuf, acc_num.at[di_v.at[ch]], ssem, add=True)
            return 0

        lax.fori_loop(0, PAIRS, _pair, 0)
        return 0

    lax.fori_loop(0, NB2, _batch, 0)

    pltpu.make_async_copy(rows_a, acc_num.at[di_v.at[BCH2 - 2]], sem_sa).wait()
    pltpu.make_async_copy(rows_b, acc_num.at[di_v.at[BCH2 - 1]], sem_sb).wait()

    eoff = t * EPT + NB2 * BCH2 * CH2
    pltpu.sync_copy(src_hbm.at[pl.ds(eoff, CH2)], gi_v.at[pl.ds(0, CH2)])
    pltpu.sync_copy(dst2_hbm.at[pl.ds(eoff // CH2, 1)], di_v.at[pl.ds(0, 1)])
    pltpu.sync_copy(w0_hbm.at[pl.ds(c * E + eoff, CH2)], w0_v.at[pl.ds(0, CH2)])
    pltpu.sync_copy(w1_hbm.at[pl.ds(c * E + eoff, CH2)], w1_v.at[pl.ds(0, CH2)])

    def _ebias(k, _):
        gi_v[pl.ds(k * L, L)] = gi_v[pl.ds(k * L, L)] + cbias
        return 0
    lax.fori_loop(0, CH2 // L, _ebias, 0)
    pltpu.async_copy(wh_hbm.at[gi_v.at[pl.ds(0, CH2)]], rows_a, sem_ga).wait()

    def _escale(g, _):
        for u in range(2):
            e = g * 2 + u
            we16 = jnp.full((L,), e, jnp.int32)
            w0s = plsc.load_gather(w0_v, [we16])
            w1s = plsc.load_gather(w1_v, [we16])
            for k in range(NHID // L):
                rows_a[e, pl.ds(k * L, L)] = rows_a[e, pl.ds(k * L, L)] * w0s
                rows_a[e, pl.ds(NHID + k * L, L)] = (
                    rows_a[e, pl.ds(NHID + k * L, L)] * w1s)
        return 0
    lax.fori_loop(0, CH2 // 2, _escale, 0)
    pltpu.sync_copy(rows_a, acc_num.at[di_v.at[0]], add=True)

    plsc.subcore_barrier()

    def _ochunk(q, _):
        g = q * NT + t
        @pl.when(g < NWC)
        def _():
            roff = g * WCH
            pltpu.sync_copy(acc_num.at[pl.ds(roff, WCH)],
                            out_hbm.at[pl.ds(c * N + roff, WCH)])
        return 0
    lax.fori_loop(0, WPT, _ochunk, 0)


def kernel(x, edge_index, W, a):
    src = edge_index[0]
    dst = edge_index[1]
    Wc = W.transpose(1, 0, 2).reshape(NFEAT, NHEADS * NHID)
    W2 = Wc.reshape(NFEAT, NC, HALF).transpose(1, 0, 2)
    u = jnp.einsum("hfk,hk->hf", W, a[:, :NHID])
    v = jnp.einsum("hfk,hk->hf", W, a[:, NHID:])
    wa = jnp.stack([
        jnp.stack([u[0], u[1], v[0], v[1]], axis=1),
        jnp.stack([u[2], u[3], v[2], v[3]], axis=1),
    ])

    s2 = _tc_s(x, wa)
    w0, w1, den = _sc_weights(
        src.reshape(E // CHUNK, CHUNK), dst.reshape(E // CHUNK, CHUNK), s2)
    wh2 = _tc_wh(x, W2)
    num2 = _sc_scatter(src, dst.reshape(E // CH2, CH2), wh2,
                       w0.reshape(NC * E), w1.reshape(NC * E))
    return _tc_norm(num2, den)

# --- scband reference (transcript-rebuilt; emitter-appended) ---
"""Pipeline reference for scband-gat-60232621359631 (READ-ONLY COPY).

The authoritative reference and input builder live on the scoring server;
editing this copy changes nothing except your own understanding.
"""

import jax, jax.numpy as jnp
import numpy as np

N = 10000
E = 160000
NFEAT = 256
NHID = 64
NHEADS = 4
ALPHA = 0.2


def setup_inputs(seed: int = 0) -> dict:
    key = jax.random.key(seed)
    k1, k2, k3, k4 = jax.random.split(key, 4)
    x = jax.random.normal(k1, (N, NFEAT), dtype=jnp.float32)
    edge_index = jax.random.randint(k2, (2, E), 0, N, dtype=jnp.int32)
    # Learned params: per-head projection W [H, nfeat, nhid] (xavier-like scale)
    # and attention vector a [H, 2*nhid]
    W = jax.random.normal(k3, (NHEADS, NFEAT, NHID), dtype=jnp.float32) * (1.414 * np.sqrt(2.0 / (NFEAT + NHID)))
    a = jax.random.normal(k4, (NHEADS, 2 * NHID), dtype=jnp.float32) * (1.414 * np.sqrt(2.0 / (2 * NHID + 1)))
    return {"x": x, "edge_index": edge_index, "W": W, "a": a}


def reference(x, edge_index, W, a):
    # GAT multi-head attention over an edge list (dropout = eval mode / identity).
    src = edge_index[0]
    dst = edge_index[1]
    outs = []
    for h in range(NHEADS):
        Wh = x @ W[h]                                   # [N, nhid]
        e1 = Wh @ a[h, :NHID]                           # src term, [N]
        e2 = Wh @ a[h, NHID:]                           # dst term, [N]
        e = jax.nn.leaky_relu(e1[src] + e2[dst], negative_slope=ALPHA)  # [E]
        # softmax over incoming edges per destination node (numerically stable)
        m = jax.ops.segment_max(e, dst, num_segments=N)
        m = jnp.where(jnp.isfinite(m), m, 0.0)
        ex = jnp.exp(e - m[dst])
        denom = jax.ops.segment_sum(ex, dst, num_segments=N)
        attn = ex / jnp.maximum(denom[dst], 1e-9)
        h_prime = jax.ops.segment_sum(attn[:, None] * Wh[src], dst, num_segments=N)  # [N, nhid]
        outs.append(h_prime)
    return jnp.concatenate(outs, axis=1)                # [N, nheads*nhid]

if __name__ == "__main__":
    import jax
    _d = setup_inputs()
    print(jax.jit(kernel)(*tuple(_d.values())))

</pallas_src>

<mosaic_0001>
#map = affine_map<(d0, d1) -> (0, 0)>
module attributes {stable_mosaic.version = 14 : i64} {
  func.func @_sc_weights(%arg0: i32, %arg1: i32, %arg2: memref<2000x80xi32, #tpu.memory_space<hbm>>, %arg3: memref<2000x80xi32, #tpu.memory_space<hbm>>, %arg4: memref<20000x4xf32, #tpu.memory_space<hbm>>, %arg5: memref<4000x80xf32, #tpu.memory_space<hbm>>, %arg6: memref<4000x80xf32, #tpu.memory_space<hbm>>, %arg7: memref<20000x16xf32, #tpu.memory_space<hbm>>, %arg8: memref<10000x4xf32, #tpu.memory_space<vmem>>, %arg9: memref<5x80xi32, #tpu.memory_space<vmem>>, %arg10: memref<5x80xi32, #tpu.memory_space<vmem>>, %arg11: memref<5x80xf32, #tpu.memory_space<vmem>>, %arg12: memref<5x80xf32, #tpu.memory_space<vmem>>, %arg13: memref<5x80x16xf32, #tpu.memory_space<vmem>>, %arg14: memref<16x16xf32, #tpu.memory_space<vmem>>, %arg15: memref<10000x16xf32, #tpu.memory_space<vmem_shared>>) attributes {dimension_semantics = [#tpu.dimension_semantics<core_parallel>, #tpu.dimension_semantics<subcore_parallel>], iteration_bounds = array<i64: 2, 16>, scalar_prefetch = 0 : i64, scratch_operands = 8 : i64, tpu.core_type = #tpu.core_type<sc_vector_subcore>, window_params = [{transform_indices = #map}, {transform_indices = #map}, {transform_indices = #map}, {transform_indices = #map}, {transform_indices = #map}, {transform_indices = #map}]} {
    %iota3A = tpu.iota {dimensions = array<i32: 0>} : vector<16xi32>
    %broadcast_in_dim3A = arith.constant 0.000000e+00 : f32
    %broadcast_in_dim3A_0 = vector.broadcast %broadcast_in_dim3A : f32 to vector<16xf32>
    %mul3A = arith.constant 10000 : i32
    %mul3A_1 = arith.muli %arg0, %mul3A : i32
    "tpu.region"() ({
      %run_scoped3A = tpu.sem_alloc : memref<!tpu.dma_semaphore, #tpu.memory_space<semaphore_mem>>
      %dma_start3A = arith.constant 0 : i32
      %dma_start3A_39 = tpu.memref_slice %arg4[%mul3A_1, %dma_start3A] : memref<20000x4xf32, #tpu.memory_space<hbm>> -> memref<10000x4xf32, #tpu.memory_space<hbm>>
      %dma_start3A_40 = arith.constant 0 : i32
      %dma_start3A_41 = tpu.memref_slice %arg4[%mul3A_1, %dma_start3A_40] : memref<20000x4xf32, #tpu.memory_space<hbm>> -> memref<10000x4xf32, #tpu.memory_space<hbm>>
      tpu.enqueue_dma source(%dma_start3A_41 : memref<10000x4xf32, #tpu.memory_space<hbm>>) target(%arg8 : memref<10000x4xf32, #tpu.memory_space<vmem>>) target_semaphore(%run_scoped3A : memref<!tpu.dma_semaphore, #tpu.memory_space<semaphore_mem>>)
      %dma_wait3A = arith.constant 0 : i32
      %dma_wait3A_42 = tpu.memref_slice %arg4[%mul3A_1, %dma_wait3A] : memref<20000x4xf32, #tpu.memory_space<hbm>> -> memref<10000x4xf32, #tpu.memory_space<hbm>>
      %dma_wait3A_43 = arith.constant 0 : i32
      %dma_wait3A_44 = tpu.memref_slice %arg4[%mul3A_1, %dma_wait3A_43] : memref<20000x4xf32, #tpu.memory_space<hbm>> -> memref<10000x4xf32, #tpu.memory_space<hbm>>
      tpu.wait_dma2 semaphore(%run_scoped3A : memref<!tpu.dma_semaphore, #tpu.memory_space<semaphore_mem>>) src(%dma_wait3A_44 : memref<10000x4xf32, #tpu.memory_space<hbm>>) dst(%arg8 : memref<10000x4xf32, #tpu.memory_space<vmem>>)
      tpu.yield
    }) : () -> ()
    %scan3A = arith.constant 0 : i32
    %scan3A_2 = arith.constant 0 : i32
    %scan3A_3 = arith.constant 5 : i32
    %scan3A_4 = arith.addi %scan3A_2, %scan3A_3 : i32
    %scan3A_5 = arith.constant 1 : i32
    %scan3A_6 = scf.for %scan3A_39 = %scan3A_2 to %scan3A_4 step %scan3A_5 iter_args(%scan3A_40 = %scan3A) -> (i32)  : i32 {
      %scan3A_41 = arith.constant 0 : i32
      %scan3A_42 = arith.constant 0 : i32
      %scan3A_43 = arith.constant 80 : i32
      %scan3A_44 = arith.addi %scan3A_42, %scan3A_43 : i32
      %scan3A_45 = arith.constant 1 : i32
      %scan3A_46 = scf.for %scan3A_49 = %scan3A_42 to %scan3A_44 step %scan3A_45 iter_args(%scan3A_50 = %scan3A_41) -> (i32)  : i32 {
        %swap3A = arith.index_cast %scan3A_39 : i32 to index
        %swap3A_51 = arith.index_cast %scan3A_49 : i32 to index
        %swap3A_52 = arith.constant 0 : index
        %swap3A_53 = tpu.vector_load %arg13[%swap3A, %swap3A_51, %swap3A_52] {strides = array<i32>} : memref<5x80x16xf32, #tpu.memory_space<vmem>>, vector<16xf32>,
        tpu.vector_store %arg13[%swap3A, %swap3A_51, %swap3A_52], %broadcast_in_dim3A_0 {strides = array<i32>} : memref<5x80x16xf32, #tpu.memory_space<vmem>>, vector<16xf32>,
        %scan3A_54 = arith.constant 0 : i32
        scf.yield %scan3A_54 : i32
      }
      %scan3A_47 = arith.constant 80 : i32
      %scan3A_48 = arith.constant 0 : i32
      scf.yield %scan3A_48 : i32
    }
    %scan3A_7 = arith.constant 5 : i32
    %scan3A_8 = arith.constant 0 : i32
    %scan3A_9 = arith.constant 0 : i32
    %scan3A_10 = arith.constant 16 : i32
    %scan3A_11 = arith.addi %scan3A_9, %scan3A_10 : i32
    %scan3A_12 = arith.constant 1 : i32
    %scan3A_13 = scf.for %scan3A_39 = %scan3A_9 to %scan3A_11 step %scan3A_12 iter_args(%scan3A_40 = %scan3A_8) -> (i32)  : i32 {
      %swap3A = arith.index_cast %scan3A_39 : i32 to index
      %swap3A_41 = arith.constant 0 : index
      %swap3A_42 = tpu.vector_load %arg14[%swap3A, %swap3A_41] {strides = array<i32>} : memref<16x16xf32, #tpu.memory_space<vmem>>, vector<16xf32>,
      tpu.vector_store %arg14[%swap3A, %swap3A_41], %broadcast_in_dim3A_0 {strides = array<i32>} : memref<16x16xf32, #tpu.memory_space<vmem>>, vector<16xf32>,
      %scan3A_43 = arith.constant 0 : i32
      scf.yield %scan3A_43 : i32
    }
    %scan3A_14 = arith.constant 16 : i32
    %scan3A_15 = arith.constant 0 : i32
    %scan3A_16 = arith.constant 0 : i32
    %scan3A_17 = arith.constant 40 : i32
    %scan3A_18 = arith.addi %scan3A_16, %scan3A_17 : i32
    %scan3A_19 = arith.constant 1 : i32
    %scan3A_20 = scf.for %scan3A_39 = %scan3A_16 to %scan3A_18 step %scan3A_19 iter_args(%scan3A_40 = %scan3A_15) -> (i32)  : i32 {
      %mul3A_41 = arith.constant 16 : i32
      %mul3A_42 = arith.muli %scan3A_39, %mul3A_41 : i32
      %add3A = arith.addi %mul3A_42, %arg1 : i32
      %lt3A = arith.constant 625 : i32
      %lt3A_43 = arith.cmpi slt, %add3A, %lt3A : i32
      %convert_element_type3A = arith.extui %lt3A_43 : i1 to i32
      %cond3A = arith.constant 0 : i32
      %cond3A_44 = arith.cmpi ne, %convert_element_type3A, %cond3A : i32
      scf.if %cond3A_44 {
        %mul3A_46 = arith.constant 16 : i32
        %mul3A_47 = arith.muli %add3A, %mul3A_46 : i32
        "tpu.region"() ({
          %run_scoped3A = tpu.sem_alloc : memref<!tpu.dma_semaphore, #tpu.memory_space<semaphore_mem>>
          %dma_start3A = arith.constant 0 : i32
          %dma_start3A_48 = tpu.memref_slice %arg15[%mul3A_47, %dma_start3A] : memref<10000x16xf32, #tpu.memory_space<vmem_shared>> -> memref<16x16xf32, #tpu.memory_space<vmem_shared>>
          %dma_start3A_49 = arith.constant 0 : i32
          %dma_start3A_50 = tpu.memref_slice %arg15[%mul3A_47, %dma_start3A_49] : memref<10000x16xf32, #tpu.memory_space<vmem_shared>> -> memref<16x16xf32, #tpu.memory_space<vmem_shared>>
          tpu.enqueue_dma source(%arg14 : memref<16x16xf32, #tpu.memory_space<vmem>>) target(%dma_start3A_50 : memref<16x16xf32, #tpu.memory_space<vmem_shared>>) target_semaphore(%run_scoped3A : memref<!tpu.dma_semaphore, #tpu.memory_space<semaphore_mem>>)
          %dma_wait3A = arith.constant 0 : i32
          %dma_wait3A_51 = tpu.memref_slice %arg15[%mul3A_47, %dma_wait3A] : memref<10000x16xf32, #tpu.memory_space<vmem_shared>> -> memref<16x16xf32, #tpu.memory_space<vmem_shared>>
          %dma_wait3A_52 = arith.constant 0 : i32
          %dma_wait3A_53 = tpu.memref_slice %arg15[%mul3A_47, %dma_wait3A_52] : memref<10000x16xf32, #tpu.memory_space<vmem_shared>> -> memref<16x16xf32, #tpu.memory_space<vmem_shared>>
          tpu.wait_dma2 semaphore(%run_scoped3A : memref<!tpu.dma_semaphore, #tpu.memory_space<semaphore_mem>>) src(%arg14 : memref<16x16xf32, #tpu.memory_space<vmem>>) dst(%dma_wait3A_53 : memref<16x16xf32, #tpu.memory_space<vmem_shared>>)
          tpu.yield
        }) : () -> ()
      } else {
      }
      %scan3A_45 = arith.constant 0 : i32
      scf.yield %scan3A_45 : i32
    }
    %scan3A_21 = arith.constant 40 : i32
    %barrier3A = arith.constant 0 : index
    tpu.barrier barrier_id(%barrier3A)
    %broadcast_in_dim3A_22 = arith.constant 0 : i32
    %broadcast_in_dim3A_23 = vector.broadcast %broadcast_in_dim3A_22 : i32 to vector<16xi32>
    %scan3A_24 = arith.constant 0 : i32
    %scan3A_25 = arith.constant 0 : i32
    %scan3A_26 = arith.constant 25 : i32
    %scan3A_27 = arith.addi %scan3A_25, %scan3A_26 : i32
    %scan3A_28 = arith.constant 1 : i32
    %scan3A_29 = scf.for %scan3A_39 = %scan3A_25 to %scan3A_27 step %scan3A_28 iter_args(%scan3A_40 = %scan3A_24) -> (i32)  : i32 {
      %mul3A_41 = arith.constant 125 : i32
      %mul3A_42 = arith.muli %arg1, %mul3A_41 : i32
      %mul3A_43 = arith.constant 5 : i32
      %mul3A_44 = arith.muli %scan3A_39, %mul3A_43 : i32
      %add3A = arith.addi %mul3A_42, %mul3A_44 : i32
      "tpu.region"() ({
        %run_scoped3A = tpu.sem_alloc : memref<!tpu.dma_semaphore, #tpu.memory_space<semaphore_mem>>
        %dma_start3A = arith.constant 0 : i32
        %dma_start3A_59 = tpu.memref_slice %arg2[%add3A, %dma_start3A] : memref<2000x80xi32, #tpu.memory_space<hbm>> -> memref<5x80xi32, #tpu.memory_space<hbm>>
        %dma_start3A_60 = arith.constant 0 : i32
        %dma_start3A_61 = tpu.memref_slice %arg2[%add3A, %dma_start3A_60] : memref<2000x80xi32, #tpu.memory_space<hbm>> -> memref<5x80xi32, #tpu.memory_space<hbm>>
        tpu.enqueue_dma source(%dma_start3A_61 : memref<5x80xi32, #tpu.memory_space<hbm>>) target(%arg9 : memref<5x80xi32, #tpu.memory_space<vmem>>) target_semaphore(%run_scoped3A : memref<!tpu.dma_semaphore, #tpu.memory_space<semaphore_mem>>)
        %dma_wait3A = arith.constant 0 : i32
        %dma_wait3A_62 = tpu.memref_slice %arg2[%add3A, %dma_wait3A] : memref<2000x80xi32, #tpu.memory_space<hbm>> -> memref<5x80xi32, #tpu.memory_space<hbm>>
        %dma_wait3A_63 = arith.constant 0 : i32
        %dma_wait3A_64 = tpu.memref_slice %arg2[%add3A, %dma_wait3A_63] : memref<2000x80xi32, #tpu.memory_space<hbm>> -> memref<5x80xi32, #tpu.memory_space<hbm>>
        tpu.wait_dma2 semaphore(%run_scoped3A : memref<!tpu.dma_semaphore, #tpu.memory_space<semaphore_mem>>) src(%dma_wait3A_64 : memref<5x80xi32, #tpu.memory_space<hbm>>) dst(%arg9 : memref<5x80xi32, #tpu.memory_space<vmem>>)
        tpu.yield
      }) : () -> ()
      "tpu.region"() ({
        %run_scoped3A = tpu.sem_alloc : memref<!tpu.dma_semaphore, #tpu.memory_space<semaphore_mem>>
        %dma_start3A = arith.constant 0 : i32
        %dma_start3A_59 = tpu.memref_slice %arg3[%add3A, %dma_start3A] : memref<2000x80xi32, #tpu.memory_space<hbm>> -> memref<5x80xi32, #tpu.memory_space<hbm>>
        %dma_start3A_60 = arith.constant 0 : i32
        %dma_start3A_61 = tpu.memref_slice %arg3[%add3A, %dma_start3A_60] : memref<2000x80xi32, #tpu.memory_space<hbm>> -> memref<5x80xi32, #tpu.memory_space<hbm>>
        tpu.enqueue_dma source(%dma_start3A_61 : memref<5x80xi32, #tpu.memory_space<hbm>>) target(%arg10 : memref<5x80xi32, #tpu.memory_space<vmem>>) target_semaphore(%run_scoped3A : memref<!tpu.dma_semaphore, #tpu.memory_space<semaphore_mem>>)
        %dma_wait3A = arith.constant 0 : i32
        %dma_wait3A_62 = tpu.memref_slice %arg3[%add3A, %dma_wait3A] : memref<2000x80xi32, #tpu.memory_space<hbm>> -> memref<5x80xi32, #tpu.memory_space<hbm>>
        %dma_wait3A_63 = arith.constant 0 : i32
        %dma_wait3A_64 = tpu.memref_slice %arg3[%add3A, %dma_wait3A_63] : memref<2000x80xi32, #tpu.memory_space<hbm>> -> memref<5x80xi32, #tpu.memory_space<hbm>>
        tpu.wait_dma2 semaphore(%run_scoped3A : memref<!tpu.dma_semaphore, #tpu.memory_space<semaphore_mem>>) src(%dma_wait3A_64 : memref<5x80xi32, #tpu.memory_space<hbm>>) dst(%arg10 : memref<5x80xi32, #tpu.memory_space<vmem>>)
        tpu.yield
      }) : () -> ()
      %scan3A_45 = arith.constant 0 : i32
      %scan3A_46 = arith.constant 0 : i32
      %scan3A_47 = arith.constant 5 : i32
      %scan3A_48 = arith.addi %scan3A_46, %scan3A_47 : i32
      %scan3A_49 = arith.constant 1 : i32
      %scan3A_50 = scf.for %scan3A_59 = %scan3A_46 to %scan3A_48 step %scan3A_49 iter_args(%scan3A_60 = %scan3A_45) -> (i32)  : i32 {
        %broadcast_in_dim3A_61 = vector.broadcast %scan3A_59 : i32 to vector<16xi32>
        %get3A = arith.index_cast %scan3A_59 : i32 to index
        %get3A_62 = arith.constant 0 : index
        %get3A_63 = tpu.vector_load %arg9[%get3A, %get3A_62] {strides = array<i32>} : memref<5x80xi32, #tpu.memory_space<vmem>>, vector<16xi32>,
        %get3A_64 = arith.index_cast %scan3A_59 : i32 to index
        %get3A_65 = arith.constant 0 : index
        %get3A_66 = tpu.vector_load %arg10[%get3A_64, %get3A_65] {strides = array<i32>} : memref<5x80xi32, #tpu.memory_space<vmem>>, vector<16xi32>,
        %gather3A = tpu.vector_load_idx %arg8[%get3A_63, %broadcast_in_dim3A_23] : memref<10000x4xf32, #tpu.memory_space<vmem>>[vector<16xi32>, vector<16xi32>], vector<16xf32>,
        %add3A_67 = arith.constant 2 : i32
        %add3A_68 = vector.broadcast %add3A_67 : i32 to vector<16xi32>
        %add3A_69 = arith.addi %broadcast_in_dim3A_23, %add3A_68 : vector<16xi32>
        %gather3A_70 = tpu.vector_load_idx %arg8[%get3A_66, %add3A_69] : memref<10000x4xf32, #tpu.memory_space<vmem>>[vector<16xi32>, vector<16xi32>], vector<16xf32>,
        %add3A_71 = arith.addf %gather3A, %gather3A_70 : vector<16xf32>
        %mul3A_72 = arith.constant 2.000000e-01 : f32
        %mul3A_73 = vector.broadcast %mul3A_72 : f32 to vector<16xf32>
        %mul3A_74 = arith.mulf %mul3A_73, %add3A_71 : vector<16xf32>
        %max3A = arith.maximumf %add3A_71, %mul3A_74 : vector<16xf32>
        %exp3A = math.exp %max3A : vector<16xf32>
        %add3A_75 = arith.constant 1 : i32
        %add3A_76 = vector.broadcast %add3A_75 : i32 to vector<16xi32>
        %add3A_77 = arith.addi %broadcast_in_dim3A_23, %add3A_76 : vector<16xi32>
        %gather3A_78 = tpu.vector_load_idx %arg8[%get3A_63, %add3A_77] : memref<10000x4xf32, #tpu.memory_space<vmem>>[vector<16xi32>, vector<16xi32>], vector<16xf32>,
        %add3A_79 = arith.constant 3 : i32
        %add3A_80 = vector.broadcast %add3A_79 : i32 to vector<16xi32>
        %add3A_81 = arith.addi %broadcast_in_dim3A_23, %add3A_80 : vector<16xi32>
        %gather3A_82 = tpu.vector_load_idx %arg8[%get3A_66, %add3A_81] : memref<10000x4xf32, #tpu.memory_space<vmem>>[vector<16xi32>, vector<16xi32>], vector<16xf32>,
        %add3A_83 = arith.addf %gather3A_78, %gather3A_82 : vector<16xf32>
        %mul3A_84 = arith.constant 2.000000e-01 : f32
        %mul3A_85 = vector.broadcast %mul3A_84 : f32 to vector<16xf32>
        %mul3A_86 = arith.mulf %mul3A_85, %add3A_83 : vector<16xf32>
        %max3A_87 = arith.maximumf %add3A_83, %mul3A_86 : vector<16xf32>
        %exp3A_88 = math.exp %max3A_87 : vector<16xf32>
        %swap3A = arith.index_cast %scan3A_59 : i32 to index
        %swap3A_89 = arith.constant 0 : index
        %swap3A_90 = tpu.vector_load %arg11[%swap3A, %swap3A_89] {strides = array<i32>} : memref<5x80xf32, #tpu.memory_space<vmem>>, vector<16xf32>,
        tpu.vector_store %arg11[%swap3A, %swap3A_89], %exp3A {strides = array<i32>} : memref<5x80xf32, #tpu.memory_space<vmem>>, vector<16xf32>,
        %swap3A_91 = arith.index_cast %scan3A_59 : i32 to index
        %swap3A_92 = arith.constant 0 : index
        %swap3A_93 = tpu.vector_load %arg12[%swap3A_91, %swap3A_92] {strides = array<i32>} : memref<5x80xf32, #tpu.memory_space<vmem>>, vector<16xf32>,
        tpu.vector_store %arg12[%swap3A_91, %swap3A_92], %exp3A_88 {strides = array<i32>} : memref<5x80xf32, #tpu.memory_space<vmem>>, vector<16xf32>,
        %add3A_94 = arith.constant 0 : i32
        %add3A_95 = vector.broadcast %add3A_94 : i32 to vector<16xi32>
        %add3A_96 = arith.addi %iota3A, %add3A_95 : vector<16xi32>
        tpu.vector_store_idx %arg13[%broadcast_in_dim3A_61, %add3A_96, %broadcast_in_dim3A_23], %exp3A : memref<5x80x16xf32, #tpu.memory_space<vmem>>[vector<16xi32>, vector<16xi32>, vector<16xi32>], vector<16xf32>,
        %add3A_97 = arith.constant 1 : i32
        %add3A_98 = vector.broadcast %add3A_97 : i32 to vector<16xi32>
        %add3A_99 = arith.addi %broadcast_in_dim3A_23, %add3A_98 : vector<16xi32>
        tpu.vector_store_idx %arg13[%broadcast_in_dim3A_61, %add3A_96, %add3A_99], %exp3A_88 : memref<5x80x16xf32, #tpu.memory_space<vmem>>[vector<16xi32>, vector<16xi32>, vector<16xi32>], vector<16xf32>,
        %get3A_100 = arith.index_cast %scan3A_59 : i32 to index
        %get3A_101 = arith.constant 16 : index
        %get3A_102 = tpu.vector_load %arg9[%get3A_100, %get3A_101] {strides = array<i32>} : memref<5x80xi32, #tpu.memory_space<vmem>>, vector<16xi32>,
        %get3A_103 = arith.index_cast %scan3A_59 : i32 to index
        %get3A_104 = arith.constant 16 : index
        %get3A_105 = tpu.vector_load %arg10[%get3A_103, %get3A_104] {strides = array<i32>} : memref<5x80xi32, #tpu.memory_space<vmem>>, vector<16xi32>,
        %gather3A_106 = tpu.vector_load_idx %arg8[%get3A_102, %broadcast_in_dim3A_23] : memref<10000x4xf32, #tpu.memory_space<vmem>>[vector<16xi32>, vector<16xi32>], vector<16xf32>,
        %add3A_107 = arith.constant 2 : i32
        %add3A_108 = vector.broadcast %add3A_107 : i32 to vector<16xi32>
        %add3A_109 = arith.addi %broadcast_in_dim3A_23, %add3A_108 : vector<16xi32>
        %gather3A_110 = tpu.vector_load_idx %arg8[%get3A_105, %add3A_109] : memref<10000x4xf32, #tpu.memory_space<vmem>>[vector<16xi32>, vector<16xi32>], vector<16xf32>,
        %add3A_111 = arith.addf %gather3A_106, %gather3A_110 : vector<16xf32>
        %mul3A_112 = arith.constant 2.000000e-01 : f32
        %mul3A_113 = vector.broadcast %mul3A_112 : f32 to vector<16xf32>
        %mul3A_114 = arith.mulf %mul3A_113, %add3A_111 : vector<16xf32>
        %max3A_115 = arith.maximumf %add3A_111, %mul3A_114 : vector<16xf32>
        %exp3A_116 = math.exp %max3A_115 : vector<16xf32>
        %add3A_117 = arith.constant 1 : i32
        %add3A_118 = vector.broadcast %add3A_117 : i32 to vector<16xi32>
        %add3A_119 = arith.addi %broadcast_in_dim3A_23, %add3A_118 : vector<16xi32>
        %gather3A_120 = tpu.vector_load_idx %arg8[%get3A_102, %add3A_119] : memref<10000x4xf32, #tpu.memory_space<vmem>>[vector<16xi32>, vector<16xi32>], vector<16xf32>,
        %add3A_121 = arith.constant 3 : i32
        %add3A_122 = vector.broadcast %add3A_121 : i32 to vector<16xi32>
        %add3A_123 = arith.addi %broadcast_in_dim3A_23, %add3A_122 : vector<16xi32>
        %gather3A_124 = tpu.vector_load_idx %arg8[%get3A_105, %add3A_123] : memref<10000x4xf32, #tpu.memory_space<vmem>>[vector<16xi32>, vector<16xi32>], vector<16xf32>,
        %add3A_125 = arith.addf %gather3A_120, %gather3A_124 : vector<16xf32>
        %mul3A_126 = arith.constant 2.000000e-01 : f32
        %mul3A_127 = vector.broadcast %mul3A_126 : f32 to vector<16xf32>
        %mul3A_128 = arith.mulf %mul3A_127, %add3A_125 : vector<16xf32>
        %max3A_129 = arith.maximumf %add3A_125, %mul3A_128 : vector<16xf32>
        %exp3A_130 = math.exp %max3A_129 : vector<16xf32>
        %swap3A_131 = arith.index_cast %scan3A_59 : i32 to index
        %swap3A_132 = arith.constant 16 : index
        %swap3A_133 = tpu.vector_load %arg11[%swap3A_131, %swap3A_132] {strides = array<i32>} : memref<5x80xf32, #tpu.memory_space<vmem>>, vector<16xf32>,
        tpu.vector_store %arg11[%swap3A_131, %swap3A_132], %exp3A_116 {strides = array<i32>} : memref<5x80xf32, #tpu.memory_space<vmem>>, vector<16xf32>,
        %swap3A_134 = arith.index_cast %scan3A_59 : i32 to index
        %swap3A_135 = arith.constant 16 : index
        %swap3A_136 = tpu.vector_load %arg12[%swap3A_134, %swap3A_135] {strides = array<i32>} : memref<5x80xf32, #tpu.memory_space<vmem>>, vector<16xf32>,
        tpu.vector_store %arg12[%swap3A_134, %swap3A_135], %exp3A_130 {strides = array<i32>} : memref<5x80xf32, #tpu.memory_space<vmem>>, vector<16xf32>,
        %add3A_137 = arith.constant 16 : i32
        %add3A_138 = vector.broadcast %add3A_137 : i32 to vector<16xi32>
        %add3A_139 = arith.addi %iota3A, %add3A_138 : vector<16xi32>
        tpu.vector_store_idx %arg13[%broadcast_in_dim3A_61, %add3A_139, %broadcast_in_dim3A_23], %exp3A_116 : memref<5x80x16xf32, #tpu.memory_space<vmem>>[vector<16xi32>, vector<16xi32>, vector<16xi32>], vector<16xf32>,
        %add3A_140 = arith.constant 1 : i32
        %add3A_141 = vector.broadcast %add3A_140 : i32 to vector<16xi32>
        %add3A_142 = arith.addi %broadcast_in_dim3A_23, %add3A_141 : vector<16xi32>
        tpu.vector_store_idx %arg13[%broadcast_in_dim3A_61, %add3A_139, %add3A_142], %exp3A_130 : memref<5x80x16xf32, #tpu.memory_space<vmem>>[vector<16xi32>, vector<16xi32>, vector<16xi32>], vector<16xf32>,
        %get3A_143 = arith.index_cast %scan3A_59 : i32 to index
        %get3A_144 = arith.constant 32 : index
        %get3A_145 = tpu.vector_load %arg9[%get3A_143, %get3A_144] {strides = array<i32>} : memref<5x80xi32, #tpu.memory_space<vmem>>, vector<16xi32>,
        %get3A_146 = arith.index_cast %scan3A_59 : i32 to index
        %get3A_147 = arith.constant 32 : index
        %get3A_148 = tpu.vector_load %arg10[%get3A_146, %get3A_147] {strides = array<i32>} : memref<5x80xi32, #tpu.memory_space<vmem>>, vector<16xi32>,
        %gather3A_149 = tpu.vector_load_idx %arg8[%get3A_145, %broadcast_in_dim3A_23] : memref<10000x4xf32, #tpu.memory_space<vmem>>[vector<16xi32>, vector<16xi32>], vector<16xf32>,
        %add3A_150 = arith.constant 2 : i32
        %add3A_151 = vector.broadcast %add3A_150 : i32 to vector<16xi32>
        %add3A_152 = arith.addi %broadcast_in_dim3A_23, %add3A_151 : vector<16xi32>
        %gather3A_153 = tpu.vector_load_idx %arg8[%get3A_148, %add3A_152] : memref<10000x4xf32, #tpu.memory_space<vmem>>[vector<16xi32>, vector<16xi32>], vector<16xf32>,
        %add3A_154 = arith.addf %gather3A_149, %gather3A_153 : vector<16xf32>
        %mul3A_155 = arith.constant 2.000000e-01 : f32
        %mul3A_156 = vector.broadcast %mul3A_155 : f32 to vector<16xf32>
        %mul3A_157 = arith.mulf %mul3A_156, %add3A_154 : vector<16xf32>
        %max3A_158 = arith.maximumf %add3A_154, %mul3A_157 : vector<16xf32>
        %exp3A_159 = math.exp %max3A_158 : vector<16xf32>
        %add3A_160 = arith.constant 1 : i32
        %add3A_161 = vector.broadcast %add3A_160 : i32 to vector<16xi32>
        %add3A_162 = arith.addi %broadcast_in_dim3A_23, %add3A_161 : vector<16xi32>
        %gather3A_163 = tpu.vector_load_idx %arg8[%get3A_145, %add3A_162] : memref<10000x4xf32, #tpu.memory_space<vmem>>[vector<16xi32>, vector<16xi32>], vector<16xf32>,
        %add3A_164 = arith.constant 3 : i32
        %add3A_165 = vector.broadcast %add3A_164 : i32 to vector<16xi32>
        %add3A_166 = arith.addi %broadcast_in_dim3A_23, %add3A_165 : vector<16xi32>
        %gather3A_167 = tpu.vector_load_idx %arg8[%get3A_148, %add3A_166] : memref<10000x4xf32, #tpu.memory_space<vmem>>[vector<16xi32>, vector<16xi32>], vector<16xf32>,
        %add3A_168 = arith.addf %gather3A_163, %gather3A_167 : vector<16xf32>
        %mul3A_169 = arith.constant 2.000000e-01 : f32
        %mul3A_170 = vector.broadcast %mul3A_169 : f32 to vector<16xf32>
        %mul3A_171 = arith.mulf %mul3A_170, %add3A_168 : vector<16xf32>
        %max3A_172 = arith.maximumf %add3A_168, %mul3A_171 : vector<16xf32>
        %exp3A_173 = math.exp %max3A_172 : vector<16xf32>
        %swap3A_174 = arith.index_cast %scan3A_59 : i32 to index
        %swap3A_175 = arith.constant 32 : index
        %swap3A_176 = tpu.vector_load %arg11[%swap3A_174, %swap3A_175] {strides = array<i32>} : memref<5x80xf32, #tpu.memory_space<vmem>>, vector<16xf32>,
        tpu.vector_store %arg11[%swap3A_174, %swap3A_175], %exp3A_159 {strides = array<i32>} : memref<5x80xf32, #tpu.memory_space<vmem>>, vector<16xf32>,
        %swap3A_177 = arith.index_cast %scan3A_59 : i32 to index
        %swap3A_178 = arith.constant 32 : index
        %swap3A_179 = tpu.vector_load %arg12[%swap3A_177, %swap3A_178] {strides = array<i32>} : memref<5x80xf32, #tpu.memory_space<vmem>>, vector<16xf32>,
        tpu.vector_store %arg12[%swap3A_177, %swap3A_178], %exp3A_173 {strides = array<i32>} : memref<5x80xf32, #tpu.memory_space<vmem>>, vector<16xf32>,
        %add3A_180 = arith.constant 32 : i32
        %add3A_181 = vector.broadcast %add3A_180 : i32 to vector<16xi32>
        %add3A_182 = arith.addi %iota3A, %add3A_181 : vector<16xi32>
        tpu.vector_store_idx %arg13[%broadcast_in_dim3A_61, %add3A_182, %broadcast_in_dim3A_23], %exp3A_159 : memref<5x80x16xf32, #tpu.memory_space<vmem>>[vector<16xi32>, vector<16xi32>, vector<16xi32>], vector<16xf32>,
        %add3A_183 = arith.constant 1 : i32
        %add3A_184 = vector.broadcast %add3A_183 : i32 to vector<16xi32>
        %add3A_185 = arith.addi %broadcast_in_dim3A_23, %add3A_184 : vector<16xi32>
        tpu.vector_store_idx %arg13[%broadcast_in_dim3A_61, %add3A_182, %add3A_185], %exp3A_173 : memref<5x80x16xf32, #tpu.memory_space<vmem>>[vector<16xi32>, vector<16xi32>, vector<16xi32>], vector<16xf32>,
        %get3A_186 = arith.index_cast %scan3A_59 : i32 to index
        %get3A_187 = arith.constant 48 : index
        %get3A_188 = tpu.vector_load %arg9[%get3A_186, %get3A_187] {strides = array<i32>} : memref<5x80xi32, #tpu.memory_space<vmem>>, vector<16xi32>,
        %get3A_189 = arith.index_cast %scan3A_59 : i32 to index
        %get3A_190 = arith.constant 48 : index
        %get3A_191 = tpu.vector_load %arg10[%get3A_189, %get3A_190] {strides = array<i32>} : memref<5x80xi32, #tpu.memory_space<vmem>>, vector<16xi32>,
        %gather3A_192 = tpu.vector_load_idx %arg8[%get3A_188, %broadcast_in_dim3A_23] : memref<10000x4xf32, #tpu.memory_space<vmem>>[vector<16xi32>, vector<16xi32>], vector<16xf32>,
        %add3A_193 = arith.constant 2 : i32
        %add3A_194 = vector.broadcast %add3A_193 : i32 to vector<16xi32>
        %add3A_195 = arith.addi %broadcast_in_dim3A_23, %add3A_194 : vector<16xi32>
        %gather3A_196 = tpu.vector_load_idx %arg8[%get3A_191, %add3A_195] : memref<10000x4xf32, #tpu.memory_space<vmem>>[vector<16xi32>, vector<16xi32>], vector<16xf32>,
        %add3A_197 = arith.addf %gather3A_192, %gather3A_196 : vector<16xf32>
        %mul3A_198 = arith.constant 2.000000e-01 : f32
        %mul3A_199 = vector.broadcast %mul3A_198 : f32 to vector<16xf32>
        %mul3A_200 = arith.mulf %mul3A_199, %add3A_197 : vector<16xf32>
        %max3A_201 = arith.maximumf %add3A_197, %mul3A_200 : vector<16xf32>
        %exp3A_202 = math.exp %max3A_201 : vector<16xf32>
        %add3A_203 = arith.constant 1 : i32
        %add3A_204 = vector.broadcast %add3A_203 : i32 to vector<16xi32>
        %add3A_205 = arith.addi %broadcast_in_dim3A_23, %add3A_204 : vector<16xi32>
        %gather3A_206 = tpu.vector_load_idx %arg8[%get3A_188, %add3A_205] : memref<10000x4xf32, #tpu.memory_space<vmem>>[vector<16xi32>, vector<16xi32>], vector<16xf32>,
        %add3A_207 = arith.constant 3 : i32
        %add3A_208 = vector.broadcast %add3A_207 : i32 to vector<16xi32>
        %add3A_209 = arith.addi %broadcast_in_dim3A_23, %add3A_208 : vector<16xi32>
        %gather3A_210 = tpu.vector_load_idx %arg8[%get3A_191, %add3A_209] : memref<10000x4xf32, #tpu.memory_space<vmem>>[vector<16xi32>, vector<16xi32>], vector<16xf32>,
        %add3A_211 = arith.addf %gather3A_206, %gather3A_210 : vector<16xf32>
        %mul3A_212 = arith.constant 2.000000e-01 : f32
        %mul3A_213 = vector.broadcast %mul3A_212 : f32 to vector<16xf32>
        %mul3A_214 = arith.mulf %mul3A_213, %add3A_211 : vector<16xf32>
        %max3A_215 = arith.maximumf %add3A_211, %mul3A_214 : vector<16xf32>
        %exp3A_216 = math.exp %max3A_215 : vector<16xf32>
        %swap3A_217 = arith.index_cast %scan3A_59 : i32 to index
        %swap3A_218 = arith.constant 48 : index
        %swap3A_219 = tpu.vector_load %arg11[%swap3A_217, %swap3A_218] {strides = array<i32>} : memref<5x80xf32, #tpu.memory_space<vmem>>, vector<16xf32>,
        tpu.vector_store %arg11[%swap3A_217, %swap3A_218], %exp3A_202 {strides = array<i32>} : memref<5x80xf32, #tpu.memory_space<vmem>>, vector<16xf32>,
        %swap3A_220 = arith.index_cast %scan3A_59 : i32 to index
        %swap3A_221 = arith.constant 48 : index
        %swap3A_222 = tpu.vector_load %arg12[%swap3A_220, %swap3A_221] {strides = array<i32>} : memref<5x80xf32, #tpu.memory_space<vmem>>, vector<16xf32>,
        tpu.vector_store %arg12[%swap3A_220, %swap3A_221], %exp3A_216 {strides = array<i32>} : memref<5x80xf32, #tpu.memory_space<vmem>>, vector<16xf32>,
        %add3A_223 = arith.constant 48 : i32
        %add3A_224 = vector.broadcast %add3A_223 : i32 to vector<16xi32>
        %add3A_225 = arith.addi %iota3A, %add3A_224 : vector<16xi32>
        tpu.vector_store_idx %arg13[%broadcast_in_dim3A_61, %add3A_225, %broadcast_in_dim3A_23], %exp3A_202 : memref<5x80x16xf32, #tpu.memory_space<vmem>>[vector<16xi32>, vector<16xi32>, vector<16xi32>], vector<16xf32>,
        %add3A_226 = arith.constant 1 : i32
        %add3A_227 = vector.broadcast %add3A_226 : i32 to vector<16xi32>
        %add3A_228 = arith.addi %broadcast_in_dim3A_23, %add3A_227 : vector<16xi32>
        tpu.vector_store_idx %arg13[%broadcast_in_dim3A_61, %add3A_225, %add3A_228], %exp3A_216 : memref<5x80x16xf32, #tpu.memory_space<vmem>>[vector<16xi32>, vector<16xi32>, vector<16xi32>], vector<16xf32>,
        %get3A_229 = arith.index_cast %scan3A_59 : i32 to index
        %get3A_230 = arith.constant 64 : index
        %get3A_231 = tpu.vector_load %arg9[%get3A_229, %get3A_230] {strides = array<i32>} : memref<5x80xi32, #tpu.memory_space<vmem>>, vector<16xi32>,
        %get3A_232 = arith.index_cast %scan3A_59 : i32 to index
        %get3A_233 = arith.constant 64 : index
        %get3A_234 = tpu.vector_load %arg10[%get3A_232, %get3A_233] {strides = array<i32>} : memref<5x80xi32, #tpu.memory_space<vmem>>, vector<16xi32>,
        %gather3A_235 = tpu.vector_load_idx %arg8[%get3A_231, %broadcast_in_dim3A_23] : memref<10000x4xf32, #tpu.memory_space<vmem>>[vector<16xi32>, vector<16xi32>], vector<16xf32>,
        %add3A_236 = arith.constant 2 : i32
        %add3A_237 = vector.broadcast %add3A_236 : i32 to vector<16xi32>
        %add3A_238 = arith.addi %broadcast_in_dim3A_23, %add3A_237 : vector<16xi32>
        %gather3A_239 = tpu.vector_load_idx %arg8[%get3A_234, %add3A_238] : memref<10000x4xf32, #tpu.memory_space<vmem>>[vector<16xi32>, vector<16xi32>], vector<16xf32>,
        %add3A_240 = arith.addf %gather3A_235, %gather3A_239 : vector<16xf32>
        %mul3A_241 = arith.constant 2.000000e-01 : f32
        %mul3A_242 = vector.broadcast %mul3A_241 : f32 to vector<16xf32>
        %mul3A_243 = arith.mulf %mul3A_242, %add3A_240 : vector<16xf32>
        %max3A_244 = arith.maximumf %add3A_240, %mul3A_243 : vector<16xf32>
        %exp3A_245 = math.exp %max3A_244 : vector<16xf32>
        %add3A_246 = arith.constant 1 : i32
        %add3A_247 = vector.broadcast %add3A_246 : i32 to vector<16xi32>
        %add3A_248 = arith.addi %broadcast_in_dim3A_23, %add3A_247 : vector<16xi32>
        %gather3A_249 = tpu.vector_load_idx %arg8[%get3A_231, %add3A_248] : memref<10000x4xf32, #tpu.memory_space<vmem>>[vector<16xi32>, vector<16xi32>], vector<16xf32>,
        %add3A_250 = arith.constant 3 : i32
        %add3A_251 = vector.broadcast %add3A_250 : i32 to vector<16xi32>
        %add3A_252 = arith.addi %broadcast_in_dim3A_23, %add3A_251 : vector<16xi32>
        %gather3A_253 = tpu.vector_load_idx %arg8[%get3A_234, %add3A_252] : memref<10000x4xf32, #tpu.memory_space<vmem>>[vector<16xi32>, vector<16xi32>], vector<16xf32>,
        %add3A_254 = arith.addf %gather3A_249, %gather3A_253 : vector<16xf32>
        %mul3A_255 = arith.constant 2.000000e-01 : f32
        %mul3A_256 = vector.broadcast %mul3A_255 : f32 to vector<16xf32>
        %mul3A_257 = arith.mulf %mul3A_256, %add3A_254 : vector<16xf32>
        %max3A_258 = arith.maximumf %add3A_254, %mul3A_257 : vector<16xf32>
        %exp3A_259 = math.exp %max3A_258 : vector<16xf32>
        %swap3A_260 = arith.index_cast %scan3A_59 : i32 to index
        %swap3A_261 = arith.constant 64 : index
        %swap3A_262 = tpu.vector_load %arg11[%swap3A_260, %swap3A_261] {strides = array<i32>} : memref<5x80xf32, #tpu.memory_space<vmem>>, vector<16xf32>,
        tpu.vector_store %arg11[%swap3A_260, %swap3A_261], %exp3A_245 {strides = array<i32>} : memref<5x80xf32, #tpu.memory_space<vmem>>, vector<16xf32>,
        %swap3A_263 = arith.index_cast %scan3A_59 : i32 to index
        %swap3A_264 = arith.constant 64 : index
        %swap3A_265 = tpu.vector_load %arg12[%swap3A_263, %swap3A_264] {strides = array<i32>} : memref<5x80xf32, #tpu.memory_space<vmem>>, vector<16xf32>,
        tpu.vector_store %arg12[%swap3A_263, %swap3A_264], %exp3A_259 {strides = array<i32>} : memref<5x80xf32, #tpu.memory_space<vmem>>, vector<16xf32>,
        %add3A_266 = arith.constant 64 : i32
        %add3A_267 = vector.broadcast %add3A_266 : i32 to vector<16xi32>
        %add3A_268 = arith.addi %iota3A, %add3A_267 : vector<16xi32>
        tpu.vector_store_idx %arg13[%broadcast_in_dim3A_61, %add3A_268, %broadcast_in_dim3A_23], %exp3A_245 : memref<5x80x16xf32, #tpu.memory_space<vmem>>[vector<16xi32>, vector<16xi32>, vector<16xi32>], vector<16xf32>,
        %add3A_269 = arith.constant 1 : i32
        %add3A_270 = vector.broadcast %add3A_269 : i32 to vector<16xi32>
        %add3A_271 = arith.addi %broadcast_in_dim3A_23, %add3A_270 : vector<16xi32>
        tpu.vector_store_idx %arg13[%broadcast_in_dim3A_61, %add3A_268, %add3A_271], %exp3A_259 : memref<5x80x16xf32, #tpu.memory_space<vmem>>[vector<16xi32>, vector<16xi32>, vector<16xi32>], vector<16xf32>,
        "tpu.region"() ({
          %run_scoped3A = tpu.sem_alloc : memref<!tpu.dma_semaphore, #tpu.memory_space<semaphore_mem>>
          %dma_start3A = arith.constant 0 : i32
          %dma_start3A_273 = arith.constant 0 : i32
          %dma_start3A_274 = tpu.memref_slice %arg13[%scan3A_59, %dma_start3A, %dma_start3A_273] : memref<5x80x16xf32, #tpu.memory_space<vmem>> -> memref<1x80x16xf32, #tpu.memory_space<vmem>>
          %dma_start3A_275 = tpu.memref_squeeze %dma_start3A_274 : memref<1x80x16xf32, #tpu.memory_space<vmem>> -> memref<80x16xf32, #tpu.memory_space<vmem>>
          %dma_start3A_276 = arith.constant 0 : i32
          %dma_start3A_277 = tpu.memref_slice %arg10[%scan3A_59, %dma_start3A_276] : memref<5x80xi32, #tpu.memory_space<vmem>> -> memref<1x80xi32, #tpu.memory_space<vmem>>
          %dma_start3A_278 = tpu.memref_squeeze %dma_start3A_277 : memref<1x80xi32, #tpu.memory_space<vmem>> -> memref<80xi32, #tpu.memory_space<vmem>>
          %dma_start3A_279 = arith.constant 0 : i32
          %dma_start3A_280 = arith.constant 0 : i32
          %dma_start3A_281 = tpu.memref_slice %arg15[%dma_start3A_279, %dma_start3A_280] : memref<10000x16xf32, #tpu.memory_space<vmem_shared>> -> memref<10000x16xf32, #tpu.memory_space<vmem_shared>>
          tpu.enqueue_indirect_dma source(%dma_start3A_275 : memref<80x16xf32, #tpu.memory_space<vmem>>) target(%dma_start3A_281 : memref<10000x16xf32, #tpu.memory_space<vmem_shared>>) offsets(%dma_start3A_278 : memref<80xi32, #tpu.memory_space<vmem>>) semaphore(%run_scoped3A : memref<!tpu.dma_semaphore, #tpu.memory_space<semaphore_mem>>) {add = true}
          %dma_wait3A = arith.constant 0 : i32
          %dma_wait3A_282 = arith.constant 0 : i32
          %dma_wait3A_283 = tpu.memref_slice %arg13[%scan3A_59, %dma_wait3A, %dma_wait3A_282] : memref<5x80x16xf32, #tpu.memory_space<vmem>> -> memref<1x80x16xf32, #tpu.memory_space<vmem>>
          %dma_wait3A_284 = tpu.memref_squeeze %dma_wait3A_283 : memref<1x80x16xf32, #tpu.memory_space<vmem>> -> memref<80x16xf32, #tpu.memory_space<vmem>>
          %dma_wait3A_285 = arith.constant 0 : i32
          %dma_wait3A_286 = tpu.memref_slice %arg10[%scan3A_59, %dma_wait3A_285] : memref<5x80xi32, #tpu.memory_space<vmem>> -> memref<1x80xi32, #tpu.memory_space<vmem>>
          %dma_wait3A_287 = tpu.memref_squeeze %dma_wait3A_286 : memref<1x80xi32, #tpu.memory_space<vmem>> -> memref<80xi32, #tpu.memory_space<vmem>>
          %dma_wait3A_288 = arith.constant 0 : i32
          %dma_wait3A_289 = arith.constant 0 : i32
          %dma_wait3A_290 = tpu.memref_slice %arg15[%dma_wait3A_288, %dma_wait3A_289] : memref<10000x16xf32, #tpu.memory_space<vmem_shared>> -> memref<10000x16xf32, #tpu.memory_space<vmem_shared>>
          tpu.wait_indirect_dma semaphore(%run_scoped3A : memref<!tpu.dma_semaphore, #tpu.memory_space<semaphore_mem>>) src(%dma_wait3A_284 : memref<80x16xf32, #tpu.memory_space<vmem>>) dst(%dma_wait3A_290 : memref<10000x16xf32, #tpu.memory_space<vmem_shared>>)
          tpu.yield
        }) : () -> ()
        %scan3A_272 = arith.constant 0 : i32
        scf.yield %scan3A_272 : i32
      }
      %scan3A_51 = arith.constant 5 : i32
      %mul3A_52 = arith.constant 2000 : i32
      %mul3A_53 = arith.muli %arg0, %mul3A_52 : i32
      %add3A_54 = arith.addi %mul3A_53, %add3A : i32
      "tpu.region"() ({
        %run_scoped3A = tpu.sem_alloc : memref<!tpu.dma_semaphore, #tpu.memory_space<semaphore_mem>>
        %dma_start3A = arith.constant 0 : i32
        %dma_start3A_59 = tpu.memref_slice %arg5[%add3A_54, %dma_start3A] : memref<4000x80xf32, #tpu.memory_space<hbm>> -> memref<5x80xf32, #tpu.memory_space<hbm>>
        %dma_start3A_60 = arith.constant 0 : i32
        %dma_start3A_61 = tpu.memref_slice %arg5[%add3A_54, %dma_start3A_60] : memref<4000x80xf32, #tpu.memory_space<hbm>> -> memref<5x80xf32, #tpu.memory_space<hbm>>
        tpu.enqueue_dma source(%arg11 : memref<5x80xf32, #tpu.memory_space<vmem>>) target(%dma_start3A_61 : memref<5x80xf32, #tpu.memory_space<hbm>>) target_semaphore(%run_scoped3A : memref<!tpu.dma_semaphore, #tpu.memory_space<semaphore_mem>>)
        %dma_wait3A = arith.constant 0 : i32
        %dma_wait3A_62 = tpu.memref_slice %arg5[%add3A_54, %dma_wait3A] : memref<4000x80xf32, #tpu.memory_space<hbm>> -> memref<5x80xf32, #tpu.memory_space<hbm>>
        %dma_wait3A_63 = arith.constant 0 : i32
        %dma_wait3A_64 = tpu.memref_slice %arg5[%add3A_54, %dma_wait3A_63] : memref<4000x80xf32, #tpu.memory_space<hbm>> -> memref<5x80xf32, #tpu.memory_space<hbm>>
        tpu.wait_dma2 semaphore(%run_scoped3A : memref<!tpu.dma_semaphore, #tpu.memory_space<semaphore_mem>>) src(%arg11 : memref<5x80xf32, #tpu.memory_space<vmem>>) dst(%dma_wait3A_64 : memref<5x80xf32, #tpu.memory_space<hbm>>)
        tpu.yield
      }) : () -> ()
      %mul3A_55 = arith.constant 2000 : i32
      %mul3A_56 = arith.muli %arg0, %mul3A_55 : i32
      %add3A_57 = arith.addi %mul3A_56, %add3A : i32
      "tpu.region"() ({
        %run_scoped3A = tpu.sem_alloc : memref<!tpu.dma_semaphore, #tpu.memory_space<semaphore_mem>>
        %dma_start3A = arith.constant 0 : i32
        %dma_start3A_59 = tpu.memref_slice %arg6[%add3A_57, %dma_start3A] : memref<4000x80xf32, #tpu.memory_space<hbm>> -> memref<5x80xf32, #tpu.memory_space<hbm>>
        %dma_start3A_60 = arith.constant 0 : i32
        %dma_start3A_61 = tpu.memref_slice %arg6[%add3A_57, %dma_start3A_60] : memref<4000x80xf32, #tpu.memory_space<hbm>> -> memref<5x80xf32, #tpu.memory_space<hbm>>
        tpu.enqueue_dma source(%arg12 : memref<5x80xf32, #tpu.memory_space<vmem>>) target(%dma_start3A_61 : memref<5x80xf32, #tpu.memory_space<hbm>>) target_semaphore(%run_scoped3A : memref<!tpu.dma_semaphore, #tpu.memory_space<semaphore_mem>>)
        %dma_wait3A = arith.constant 0 : i32
        %dma_wait3A_62 = tpu.memref_slice %arg6[%add3A_57, %dma_wait3A] : memref<4000x80xf32, #tpu.memory_space<hbm>> -> memref<5x80xf32, #tpu.memory_space<hbm>>
        %dma_wait3A_63 = arith.constant 0 : i32
        %dma_wait3A_64 = tpu.memref_slice %arg6[%add3A_57, %dma_wait3A_63] : memref<4000x80xf32, #tpu.memory_space<hbm>> -> memref<5x80xf32, #tpu.memory_space<hbm>>
        tpu.wait_dma2 semaphore(%run_scoped3A : memref<!tpu.dma_semaphore, #tpu.memory_space<semaphore_mem>>) src(%arg12 : memref<5x80xf32, #tpu.memory_space<vmem>>) dst(%dma_wait3A_64 : memref<5x80xf32, #tpu.memory_space<hbm>>)
        tpu.yield
      }) : () -> ()
      %scan3A_58 = arith.constant 0 : i32
      scf.yield %scan3A_58 : i32
    }
    %scan3A_30 = arith.constant 25 : i32
    %barrier3A_31 = arith.constant 0 : index
    tpu.barrier barrier_id(%barrier3A_31)
    %scan3A_32 = arith.constant 0 : i32
    %scan3A_33 = arith.constant 0 : i32
    %scan3A_34 = arith.constant 8 : i32
    %scan3A_35 = arith.addi %scan3A_33, %scan3A_34 : i32
    %scan3A_36 = arith.constant 1 : i32
    %scan3A_37 = scf.for %scan3A_39 = %scan3A_33 to %scan3A_35 step %scan3A_36 iter_args(%scan3A_40 = %scan3A_32) -> (i32)  : i32 {
      %mul3A_41 = arith.constant 16 : i32
      %mul3A_42 = arith.muli %scan3A_39, %mul3A_41 : i32
      %add3A = arith.addi %mul3A_42, %arg1 : i32
      %lt3A = arith.constant 125 : i32
      %lt3A_43 = arith.cmpi slt, %add3A, %lt3A : i32
      %convert_element_type3A = arith.extui %lt3A_43 : i1 to i32
      %cond3A = arith.constant 0 : i32
      %cond3A_44 = arith.cmpi ne, %convert_element_type3A, %cond3A : i32
      scf.if %cond3A_44 {
        %mul3A_46 = arith.constant 80 : i32
        %mul3A_47 = arith.muli %add3A, %mul3A_46 : i32
        %mul3A_48 = arith.constant 10000 : i32
        %mul3A_49 = arith.muli %arg0, %mul3A_48 : i32
        %mul3A_50 = arith.constant 80 : i32
        %mul3A_51 = arith.muli %add3A, %mul3A_50 : i32
        %add3A_52 = arith.addi %mul3A_49, %mul3A_51 : i32
        "tpu.region"() ({
          %run_scoped3A = tpu.sem_alloc : memref<!tpu.dma_semaphore, #tpu.memory_space<semaphore_mem>>
          %dma_start3A = arith.constant 0 : i32
          %dma_start3A_53 = tpu.memref_slice %arg7[%add3A_52, %dma_start3A] : memref<20000x16xf32, #tpu.memory_space<hbm>> -> memref<80x16xf32, #tpu.memory_space<hbm>>
          %dma_start3A_54 = arith.constant 0 : i32
          %dma_start3A_55 = tpu.memref_slice %arg15[%mul3A_47, %dma_start3A_54] : memref<10000x16xf32, #tpu.memory_space<vmem_shared>> -> memref<80x16xf32, #tpu.memory_space<vmem_shared>>
          tpu.enqueue_dma source(%dma_start3A_55 : memref<80x16xf32, #tpu.memory_space<vmem_shared>>) target(%dma_start3A_53 : memref<80x16xf32, #tpu.memory_space<hbm>>) target_semaphore(%run_scoped3A : memref<!tpu.dma_semaphore, #tpu.memory_space<semaphore_mem>>)
          %dma_wait3A = arith.constant 0 : i32
          %dma_wait3A_56 = tpu.memref_slice %arg7[%add3A_52, %dma_wait3A] : memref<20000x16xf32, #tpu.memory_space<hbm>> -> memref<80x16xf32, #tpu.memory_space<hbm>>
          %dma_wait3A_57 = arith.constant 0 : i32
          %dma_wait3A_58 = tpu.memref_slice %arg15[%mul3A_47, %dma_wait3A_57] : memref<10000x16xf32, #tpu.memory_space<vmem_shared>> -> memref<80x16xf32, #tpu.memory_space<vmem_shared>>
          tpu.wait_dma2 semaphore(%run_scoped3A : memref<!tpu.dma_semaphore, #tpu.memory_space<semaphore_mem>>) src(%dma_wait3A_58 : memref<80x16xf32, #tpu.memory_space<vmem_shared>>) dst(%dma_wait3A_56 : memref<80x16xf32, #tpu.memory_space<hbm>>)
          tpu.yield
        }) : () -> ()
      } else {
      }
      %scan3A_45 = arith.constant 0 : i32
      scf.yield %scan3A_45 : i32
    }
    %scan3A_38 = arith.constant 8 : i32
    return
  }
}

#map = affine_map<(d0, d1) -> (0)>
#map1 = affine_map<(d0, d1) -> (0, 0)>
module attributes {stable_mosaic.version = 14 : i64} {
  func.func @_sc_scatter(%arg0: i32, %arg1: i32, %arg2: memref<160000xi32, #tpu.memory_space<hbm>>, %arg3: memref<2000x80xi32, #tpu.memory_space<hbm>>, %arg4: memref<20000x128xf32, #tpu.memory_space<hbm>>, %arg5: memref<320000xf32, #tpu.memory_space<hbm>>, %arg6: memref<320000xf32, #tpu.memory_space<hbm>>, %arg7: memref<20000x128xf32, #tpu.memory_space<hbm>>, %arg8: memref<320xi32, #tpu.memory_space<vmem>>, %arg9: memref<4x80xi32, #tpu.memory_space<vmem>>, %arg10: memref<320xf32, #tpu.memory_space<vmem>>, %arg11: memref<320xf32, #tpu.memory_space<vmem>>, %arg12: memref<80x128xf32, #tpu.memory_space<vmem>>, %arg13: memref<80x128xf32, #tpu.memory_space<vmem>>, %arg14: memref<16x128xf32, #tpu.memory_space<vmem>>, %arg15: memref<10000x128xf32, #tpu.memory_space<vmem_shared>>, %arg16: memref<!tpu.dma_semaphore, #tpu.memory_space<semaphore_mem>>, %arg17: memref<!tpu.dma_semaphore, #tpu.memory_space<semaphore_mem>>, %arg18: memref<!tpu.dma_semaphore, #tpu.memory_space<semaphore_mem>>, %arg19: memref<!tpu.dma_semaphore, #tpu.memory_space<semaphore_mem>>) attributes {dimension_semantics = [#tpu.dimension_semantics<core_parallel>, #tpu.dimension_semantics<subcore_parallel>], iteration_bounds = array<i64: 2, 16>, scalar_prefetch = 0 : i64, scratch_operands = 12 : i64, tpu.core_type = #tpu.core_type<sc_vector_subcore>, window_params = [{transform_indices = #map}, {transform_indices = #map1}, {transform_indices = #map1}, {transform_indices = #map}, {transform_indices = #map}, {transform_indices = #map1}]} {
    %broadcast_in_dim3A = arith.constant 0.000000e+00 : f32
    %broadcast_in_dim3A_0 = vector.broadcast %broadcast_in_dim3A : f32 to vector<16xf32>
    %scan3A = arith.constant 0 : i32
    %scan3A_1 = arith.constant 0 : i32
    %scan3A_2 = arith.constant 16 : i32
    %scan3A_3 = arith.addi %scan3A_1, %scan3A_2 : i32
    %scan3A_4 = arith.constant 1 : i32
    %scan3A_5 = scf.for %scan3A_91 = %scan3A_1 to %scan3A_3 step %scan3A_4 iter_args(%scan3A_92 = %scan3A) -> (i32)  : i32 {
      %swap3A = arith.index_cast %scan3A_91 : i32 to index
      %swap3A_93 = arith.constant 0 : index
      %swap3A_94 = tpu.vector_load %arg14[%swap3A, %swap3A_93] {strides = array<i32>} : memref<16x128xf32, #tpu.memory_space<vmem>>, vector<16xf32>,
      tpu.vector_store %arg14[%swap3A, %swap3A_93], %broadcast_in_dim3A_0 {strides = array<i32>} : memref<16x128xf32, #tpu.memory_space<vmem>>, vector<16xf32>,
      %swap3A_95 = arith.index_cast %scan3A_91 : i32 to index
      %swap3A_96 = arith.constant 16 : index
      %swap3A_97 = tpu.vector_load %arg14[%swap3A_95, %swap3A_96] {strides = array<i32>} : memref<16x128xf32, #tpu.memory_space<vmem>>, vector<16xf32>,
      tpu.vector_store %arg14[%swap3A_95, %swap3A_96], %broadcast_in_dim3A_0 {strides = array<i32>} : memref<16x128xf32, #tpu.memory_space<vmem>>, vector<16xf32>,
      %swap3A_98 = arith.index_cast %scan3A_91 : i32 to index
      %swap3A_99 = arith.constant 32 : index
      %swap3A_100 = tpu.vector_load %arg14[%swap3A_98, %swap3A_99] {strides = array<i32>} : memref<16x128xf32, #tpu.memory_space<vmem>>, vector<16xf32>,
      tpu.vector_store %arg14[%swap3A_98, %swap3A_99], %broadcast_in_dim3A_0 {strides = array<i32>} : memref<16x128xf32, #tpu.memory_space<vmem>>, vector<16xf32>,
      %swap3A_101 = arith.index_cast %scan3A_91 : i32 to index
      %swap3A_102 = arith.constant 48 : index
      %swap3A_103 = tpu.vector_load %arg14[%swap3A_101, %swap3A_102] {strides = array<i32>} : memref<16x128xf32, #tpu.memory_space<vmem>>, vector<16xf32>,
      tpu.vector_store %arg14[%swap3A_101, %swap3A_102], %broadcast_in_dim3A_0 {strides = array<i32>} : memref<16x128xf32, #tpu.memory_space<vmem>>, vector<16xf32>,
      %swap3A_104 = arith.index_cast %scan3A_91 : i32 to index
      %swap3A_105 = arith.constant 64 : index
      %swap3A_106 = tpu.vector_load %arg14[%swap3A_104, %swap3A_105] {strides = array<i32>} : memref<16x128xf32, #tpu.memory_space<vmem>>, vector<16xf32>,
      tpu.vector_store %arg14[%swap3A_104, %swap3A_105], %broadcast_in_dim3A_0 {strides = array<i32>} : memref<16x128xf32, #tpu.memory_space<vmem>>, vector<16xf32>,
      %swap3A_107 = arith.index_cast %scan3A_91 : i32 to index
      %swap3A_108 = arith.constant 80 : index
      %swap3A_109 = tpu.vector_load %arg14[%swap3A_107, %swap3A_108] {strides = array<i32>} : memref<16x128xf32, #tpu.memory_space<vmem>>, vector<16xf32>,
      tpu.vector_store %arg14[%swap3A_107, %swap3A_108], %broadcast_in_dim3A_0 {strides = array<i32>} : memref<16x128xf32, #tpu.memory_space<vmem>>, vector<16xf32>,
      %swap3A_110 = arith.index_cast %scan3A_91 : i32 to index
      %swap3A_111 = arith.constant 96 : index
      %swap3A_112 = tpu.vector_load %arg14[%swap3A_110, %swap3A_111] {strides = array<i32>} : memref<16x128xf32, #tpu.memory_space<vmem>>, vector<16xf32>,
      tpu.vector_store %arg14[%swap3A_110, %swap3A_111], %broadcast_in_dim3A_0 {strides = array<i32>} : memref<16x128xf32, #tpu.memory_space<vmem>>, vector<16xf32>,
      %swap3A_113 = arith.index_cast %scan3A_91 : i32 to index
      %swap3A_114 = arith.constant 112 : index
      %swap3A_115 = tpu.vector_load %arg14[%swap3A_113, %swap3A_114] {strides = array<i32>} : memref<16x128xf32, #tpu.memory_space<vmem>>, vector<16xf32>,
      tpu.vector_store %arg14[%swap3A_113, %swap3A_114], %broadcast_in_dim3A_0 {strides = array<i32>} : memref<16x128xf32, #tpu.memory_space<vmem>>, vector<16xf32>,
      %scan3A_116 = arith.constant 0 : i32
      scf.yield %scan3A_116 : i32
    }
    %scan3A_6 = arith.constant 16 : i32
    %scan3A_7 = arith.constant 0 : i32
    %scan3A_8 = arith.constant 0 : i32
    %scan3A_9 = arith.constant 40 : i32
    %scan3A_10 = arith.addi %scan3A_8, %scan3A_9 : i32
    %scan3A_11 = arith.constant 1 : i32
    %scan3A_12 = scf.for %scan3A_91 = %scan3A_8 to %scan3A_10 step %scan3A_11 iter_args(%scan3A_92 = %scan3A_7) -> (i32)  : i32 {
      %mul3A_93 = arith.constant 16 : i32
      %mul3A_94 = arith.muli %scan3A_91, %mul3A_93 : i32
      %add3A_95 = arith.addi %mul3A_94, %arg1 : i32
      %lt3A = arith.constant 625 : i32
      %lt3A_96 = arith.cmpi slt, %add3A_95, %lt3A : i32
      %convert_element_type3A = arith.extui %lt3A_96 : i1 to i32
      %cond3A = arith.constant 0 : i32
      %cond3A_97 = arith.cmpi ne, %convert_element_type3A, %cond3A : i32
      scf.if %cond3A_97 {
        %mul3A_99 = arith.constant 16 : i32
        %mul3A_100 = arith.muli %add3A_95, %mul3A_99 : i32
        "tpu.region"() ({
          %run_scoped3A_101 = tpu.sem_alloc : memref<!tpu.dma_semaphore, #tpu.memory_space<semaphore_mem>>
          %dma_start3A_102 = arith.constant 0 : i32
          %dma_start3A_103 = tpu.memref_slice %arg15[%mul3A_100, %dma_start3A_102] : memref<10000x128xf32, #tpu.memory_space<vmem_shared>> -> memref<16x128xf32, #tpu.memory_space<vmem_shared>>
          %dma_start3A_104 = arith.constant 0 : i32
          %dma_start3A_105 = tpu.memref_slice %arg15[%mul3A_100, %dma_start3A_104] : memref<10000x128xf32, #tpu.memory_space<vmem_shared>> -> memref<16x128xf32, #tpu.memory_space<vmem_shared>>
          tpu.enqueue_dma source(%arg14 : memref<16x128xf32, #tpu.memory_space<vmem>>) target(%dma_start3A_105 : memref<16x128xf32, #tpu.memory_space<vmem_shared>>) target_semaphore(%run_scoped3A_101 : memref<!tpu.dma_semaphore, #tpu.memory_space<semaphore_mem>>)
          %dma_wait3A_106 = arith.constant 0 : i32
          %dma_wait3A_107 = tpu.memref_slice %arg15[%mul3A_100, %dma_wait3A_106] : memref<10000x128xf32, #tpu.memory_space<vmem_shared>> -> memref<16x128xf32, #tpu.memory_space<vmem_shared>>
          %dma_wait3A_108 = arith.constant 0 : i32
          %dma_wait3A_109 = tpu.memref_slice %arg15[%mul3A_100, %dma_wait3A_108] : memref<10000x128xf32, #tpu.memory_space<vmem_shared>> -> memref<16x128xf32, #tpu.memory_space<vmem_shared>>
          tpu.wait_dma2 semaphore(%run_scoped3A_101 : memref<!tpu.dma_semaphore, #tpu.memory_space<semaphore_mem>>) src(%arg14 : memref<16x128xf32, #tpu.memory_space<vmem>>) dst(%dma_wait3A_109 : memref<16x128xf32, #tpu.memory_space<vmem_shared>>)
          tpu.yield
        }) : () -> ()
      } else {
      }
      %scan3A_98 = arith.constant 0 : i32
      scf.yield %scan3A_98 : i32
    }
    %scan3A_13 = arith.constant 40 : i32
    %barrier3A = arith.constant 0 : index
    tpu.barrier barrier_id(%barrier3A)
    %mul3A = arith.constant 10000 : i32
    %mul3A_14 = arith.muli %arg0, %mul3A : i32
    %scan3A_15 = arith.constant 0 : i32
    %scan3A_16 = arith.constant 0 : i32
    %scan3A_17 = arith.constant 31 : i32
    %scan3A_18 = arith.addi %scan3A_16, %scan3A_17 : i32
    %scan3A_19 = arith.constant 1 : i32
    %scan3A_20 = scf.for %scan3A_91 = %scan3A_16 to %scan3A_18 step %scan3A_19 iter_args(%scan3A_92 = %scan3A_15) -> (i32)  : i32 {
      %mul3A_93 = arith.constant 10000 : i32
      %mul3A_94 = arith.muli %arg1, %mul3A_93 : i32
      %mul3A_95 = arith.constant 320 : i32
      %mul3A_96 = arith.muli %scan3A_91, %mul3A_95 : i32
      %add3A_97 = arith.addi %mul3A_94, %mul3A_96 : i32
      %mul3A_98 = arith.constant 125 : i32
      %mul3A_99 = arith.muli %arg1, %mul3A_98 : i32
      %mul3A_100 = arith.constant 4 : i32
      %mul3A_101 = arith.muli %scan3A_91, %mul3A_100 : i32
      %add3A_102 = arith.addi %mul3A_99, %mul3A_101 : i32
      %gt3A = arith.constant 0 : i32
      %gt3A_103 = arith.cmpi sgt, %scan3A_91, %gt3A : i32
      %convert_element_type3A = arith.extui %gt3A_103 : i1 to i32
      %cond3A = arith.constant 0 : i32
      %cond3A_104 = arith.cmpi ne, %convert_element_type3A, %cond3A : i32
      scf.if %cond3A_104 {
        %dma_wait3A_126 = arith.constant 2 : i32
        %dma_wait3A_127 = arith.constant 0 : i32
        %dma_wait3A_128 = tpu.memref_slice %arg9[%dma_wait3A_126, %dma_wait3A_127] : memref<4x80xi32, #tpu.memory_space<vmem>> -> memref<1x80xi32, #tpu.memory_space<vmem>>
        %dma_wait3A_129 = tpu.memref_squeeze %dma_wait3A_128 : memref<1x80xi32, #tpu.memory_space<vmem>> -> memref<80xi32, #tpu.memory_space<vmem>>
        %dma_wait3A_130 = arith.constant 0 : i32
        %dma_wait3A_131 = arith.constant 0 : i32
        %dma_wait3A_132 = tpu.memref_slice %arg15[%dma_wait3A_130, %dma_wait3A_131] : memref<10000x128xf32, #tpu.memory_space<vmem_shared>> -> memref<10000x128xf32, #tpu.memory_space<vmem_shared>>
        tpu.wait_indirect_dma semaphore(%arg18 : memref<!tpu.dma_semaphore, #tpu.memory_space<semaphore_mem>>) src(%arg12 : memref<80x128xf32, #tpu.memory_space<vmem>>) dst(%dma_wait3A_132 : memref<10000x128xf32, #tpu.memory_space<vmem_shared>>)
        %dma_wait3A_133 = arith.constant 3 : i32
        %dma_wait3A_134 = arith.constant 0 : i32
        %dma_wait3A_135 = tpu.memref_slice %arg9[%dma_wait3A_133, %dma_wait3A_134] : memref<4x80xi32, #tpu.memory_space<vmem>> -> memref<1x80xi32, #tpu.memory_space<vmem>>
        %dma_wait3A_136 = tpu.memref_squeeze %dma_wait3A_135 : memref<1x80xi32, #tpu.memory_space<vmem>> -> memref<80xi32, #tpu.memory_space<vmem>>
        %dma_wait3A_137 = arith.constant 0 : i32
        %dma_wait3A_138 = arith.constant 0 : i32
        %dma_wait3A_139 = tpu.memref_slice %arg15[%dma_wait3A_137, %dma_wait3A_138] : memref<10000x128xf32, #tpu.memory_space<vmem_shared>> -> memref<10000x128xf32, #tpu.memory_space<vmem_shared>>
        tpu.wait_indirect_dma semaphore(%arg19 : memref<!tpu.dma_semaphore, #tpu.memory_space<semaphore_mem>>) src(%arg13 : memref<80x128xf32, #tpu.memory_space<vmem>>) dst(%dma_wait3A_139 : memref<10000x128xf32, #tpu.memory_space<vmem_shared>>)
      } else {
      }
      "tpu.region"() ({
        %run_scoped3A_126 = tpu.sem_alloc : memref<!tpu.dma_semaphore, #tpu.memory_space<semaphore_mem>>
        %dma_start3A_127 = tpu.memref_slice %arg2[%add3A_97] : memref<160000xi32, #tpu.memory_space<hbm>> -> memref<320xi32, #tpu.memory_space<hbm>>
        %dma_start3A_128 = tpu.memref_slice %arg2[%add3A_97] : memref<160000xi32, #tpu.memory_space<hbm>> -> memref<320xi32, #tpu.memory_space<hbm>>
        tpu.enqueue_dma source(%dma_start3A_128 : memref<320xi32, #tpu.memory_space<hbm>>) target(%arg8 : memref<320xi32, #tpu.memory_space<vmem>>) target_semaphore(%run_scoped3A_126 : memref<!tpu.dma_semaphore, #tpu.memory_space<semaphore_mem>>)
        %dma_wait3A_129 = tpu.memref_slice %arg2[%add3A_97] : memref<160000xi32, #tpu.memory_space<hbm>> -> memref<320xi32, #tpu.memory_space<hbm>>
        %dma_wait3A_130 = tpu.memref_slice %arg2[%add3A_97] : memref<160000xi32, #tpu.memory_space<hbm>> -> memref<320xi32, #tpu.memory_space<hbm>>
        tpu.wait_dma2 semaphore(%run_scoped3A_126 : memref<!tpu.dma_semaphore, #tpu.memory_space<semaphore_mem>>) src(%dma_wait3A_130 : memref<320xi32, #tpu.memory_space<hbm>>) dst(%arg8 : memref<320xi32, #tpu.memory_space<vmem>>)
        tpu.yield
      }) : () -> ()
      "tpu.region"() ({
        %run_scoped3A_126 = tpu.sem_alloc : memref<!tpu.dma_semaphore, #tpu.memory_space<semaphore_mem>>
        %dma_start3A_127 = arith.constant 0 : i32
        %dma_start3A_128 = tpu.memref_slice %arg3[%add3A_102, %dma_start3A_127] : memref<2000x80xi32, #tpu.memory_space<hbm>> -> memref<4x80xi32, #tpu.memory_space<hbm>>
        %dma_start3A_129 = arith.constant 0 : i32
        %dma_start3A_130 = tpu.memref_slice %arg3[%add3A_102, %dma_start3A_129] : memref<2000x80xi32, #tpu.memory_space<hbm>> -> memref<4x80xi32, #tpu.memory_space<hbm>>
        tpu.enqueue_dma source(%dma_start3A_130 : memref<4x80xi32, #tpu.memory_space<hbm>>) target(%arg9 : memref<4x80xi32, #tpu.memory_space<vmem>>) target_semaphore(%run_scoped3A_126 : memref<!tpu.dma_semaphore, #tpu.memory_space<semaphore_mem>>)
        %dma_wait3A_131 = arith.constant 0 : i32
        %dma_wait3A_132 = tpu.memref_slice %arg3[%add3A_102, %dma_wait3A_131] : memref<2000x80xi32, #tpu.memory_space<hbm>> -> memref<4x80xi32, #tpu.memory_space<hbm>>
        %dma_wait3A_133 = arith.constant 0 : i32
        %dma_wait3A_134 = tpu.memref_slice %arg3[%add3A_102, %dma_wait3A_133] : memref<2000x80xi32, #tpu.memory_space<hbm>> -> memref<4x80xi32, #tpu.memory_space<hbm>>
        tpu.wait_dma2 semaphore(%run_scoped3A_126 : memref<!tpu.dma_semaphore, #tpu.memory_space<semaphore_mem>>) src(%dma_wait3A_134 : memref<4x80xi32, #tpu.memory_space<hbm>>) dst(%arg9 : memref<4x80xi32, #tpu.memory_space<vmem>>)
        tpu.yield
      }) : () -> ()
      %mul3A_105 = arith.constant 160000 : i32
      %mul3A_106 = arith.muli %arg0, %mul3A_105 : i32
      %add3A_107 = arith.addi %mul3A_106, %add3A_97 : i32
      "tpu.region"() ({
        %run_scoped3A_126 = tpu.sem_alloc : memref<!tpu.dma_semaphore, #tpu.memory_space<semaphore_mem>>
        %dma_start3A_127 = tpu.memref_slice %arg5[%add3A_107] : memref<320000xf32, #tpu.memory_space<hbm>> -> memref<320xf32, #tpu.memory_space<hbm>>
        %dma_start3A_128 = tpu.memref_slice %arg5[%add3A_107] : memref<320000xf32, #tpu.memory_space<hbm>> -> memref<320xf32, #tpu.memory_space<hbm>>
        tpu.enqueue_dma source(%dma_start3A_128 : memref<320xf32, #tpu.memory_space<hbm>>) target(%arg10 : memref<320xf32, #tpu.memory_space<vmem>>) target_semaphore(%run_scoped3A_126 : memref<!tpu.dma_semaphore, #tpu.memory_space<semaphore_mem>>)
        %dma_wait3A_129 = tpu.memref_slice %arg5[%add3A_107] : memref<320000xf32, #tpu.memory_space<hbm>> -> memref<320xf32, #tpu.memory_space<hbm>>
        %dma_wait3A_130 = tpu.memref_slice %arg5[%add3A_107] : memref<320000xf32, #tpu.memory_space<hbm>> -> memref<320xf32, #tpu.memory_space<hbm>>
        tpu.wait_dma2 semaphore(%run_scoped3A_126 : memref<!tpu.dma_semaphore, #tpu.memory_space<semaphore_mem>>) src(%dma_wait3A_130 : memref<320xf32, #tpu.memory_space<hbm>>) dst(%arg10 : memref<320xf32, #tpu.memory_space<vmem>>)
        tpu.yield
      }) : () -> ()
      %mul3A_108 = arith.constant 160000 : i32
      %mul3A_109 = arith.muli %arg0, %mul3A_108 : i32
      %add3A_110 = arith.addi %mul3A_109, %add3A_97 : i32
      "tpu.region"() ({
        %run_scoped3A_126 = tpu.sem_alloc : memref<!tpu.dma_semaphore, #tpu.memory_space<semaphore_mem>>
        %dma_start3A_127 = tpu.memref_slice %arg6[%add3A_110] : memref<320000xf32, #tpu.memory_space<hbm>> -> memref<320xf32, #tpu.memory_space<hbm>>
        %dma_start3A_128 = tpu.memref_slice %arg6[%add3A_110] : memref<320000xf32, #tpu.memory_space<hbm>> -> memref<320xf32, #tpu.memory_space<hbm>>
        tpu.enqueue_dma source(%dma_start3A_128 : memref<320xf32, #tpu.memory_space<hbm>>) target(%arg11 : memref<320xf32, #tpu.memory_space<vmem>>) target_semaphore(%run_scoped3A_126 : memref<!tpu.dma_semaphore, #tpu.memory_space<semaphore_mem>>)
        %dma_wait3A_129 = tpu.memref_slice %arg6[%add3A_110] : memref<320000xf32, #tpu.memory_space<hbm>> -> memref<320xf32, #tpu.memory_space<hbm>>
        %dma_wait3A_130 = tpu.memref_slice %arg6[%add3A_110] : memref<320000xf32, #tpu.memory_space<hbm>> -> memref<320xf32, #tpu.memory_space<hbm>>
        tpu.wait_dma2 semaphore(%run_scoped3A_126 : memref<!tpu.dma_semaphore, #tpu.memory_space<semaphore_mem>>) src(%dma_wait3A_130 : memref<320xf32, #tpu.memory_space<hbm>>) dst(%arg11 : memref<320xf32, #tpu.memory_space<vmem>>)
        tpu.yield
      }) : () -> ()
      %scan3A_111 = arith.constant 0 : i32
      %scan3A_112 = arith.constant 0 : i32
      %scan3A_113 = arith.constant 20 : i32
      %scan3A_114 = arith.addi %scan3A_112, %scan3A_113 : i32
      %scan3A_115 = arith.constant 1 : i32
      %scan3A_116 = scf.for %scan3A_126 = %scan3A_112 to %scan3A_114 step %scan3A_115 iter_args(%scan3A_127 = %scan3A_111) -> (i32)  : i32 {
        %mul3A_128 = arith.constant 16 : i32
        %mul3A_129 = arith.muli %scan3A_126, %mul3A_128 : i32
        %get3A = arith.index_cast %mul3A_129 : i32 to index
        %get3A_130 = tpu.vector_load %arg8[%get3A] {strides = array<i32>} : memref<320xi32, #tpu.memory_space<vmem>>, vector<16xi32>,
        %add3A_131 = vector.broadcast %mul3A_14 : i32 to vector<16xi32>
        %add3A_132 = arith.addi %get3A_130, %add3A_131 : vector<16xi32>
        %mul3A_133 = arith.constant 16 : i32
        %mul3A_134 = arith.muli %scan3A_126, %mul3A_133 : i32
        %swap3A = arith.index_cast %mul3A_134 : i32 to index
        %swap3A_135 = tpu.vector_load %arg8[%swap3A] {strides = array<i32>} : memref<320xi32, #tpu.memory_space<vmem>>, vector<16xi32>,
        tpu.vector_store %arg8[%swap3A], %add3A_132 {strides = array<i32>} : memref<320xi32, #tpu.memory_space<vmem>>, vector<16xi32>,
        %scan3A_136 = arith.constant 0 : i32
        scf.yield %scan3A_136 : i32
      }
      %scan3A_117 = arith.constant 20 : i32
      %scan3A_118 = arith.constant 0 : i32
      %scan3A_119 = arith.constant 0 : i32
      %scan3A_120 = arith.constant 2 : i32
      %scan3A_121 = arith.addi %scan3A_119, %scan3A_120 : i32
      %scan3A_122 = arith.constant 1 : i32
      %scan3A_123 = scf.for %scan3A_126 = %scan3A_119 to %scan3A_121 step %scan3A_122 iter_args(%scan3A_127 = %scan3A_118) -> (i32)  : i32 {
        %mul3A_128 = arith.constant 2 : i32
        %mul3A_129 = arith.muli %scan3A_126, %mul3A_128 : i32
        %add3A_130 = arith.constant 0 : i32
        %add3A_131 = arith.addi %mul3A_129, %add3A_130 : i32
        %gt3A_132 = arith.constant 0 : i32
        %gt3A_133 = arith.cmpi sgt, %scan3A_126, %gt3A_132 : i32
        %convert_element_type3A_134 = arith.extui %gt3A_133 : i1 to i32
        %cond3A_135 = arith.constant 0 : i32
        %cond3A_136 = arith.cmpi ne, %convert_element_type3A_134, %cond3A_135 : i32
        scf.if %cond3A_136 {
          %dma_wait3A_205 = arith.constant 0 : i32
          %dma_wait3A_206 = tpu.memref_slice %arg9[%add3A_131, %dma_wait3A_205] : memref<4x80xi32, #tpu.memory_space<vmem>> -> memref<1x80xi32, #tpu.memory_space<vmem>>
          %dma_wait3A_207 = tpu.memref_squeeze %dma_wait3A_206 : memref<1x80xi32, #tpu.memory_space<vmem>> -> memref<80xi32, #tpu.memory_space<vmem>>
          %dma_wait3A_208 = arith.constant 0 : i32
          %dma_wait3A_209 = arith.constant 0 : i32
          %dma_wait3A_210 = tpu.memref_slice %arg15[%dma_wait3A_208, %dma_wait3A_209] : memref<10000x128xf32, #tpu.memory_space<vmem_shared>> -> memref<10000x128xf32, #tpu.memory_space<vmem_shared>>
          tpu.wait_indirect_dma semaphore(%arg18 : memref<!tpu.dma_semaphore, #tpu.memory_space<semaphore_mem>>) src(%arg12 : memref<80x128xf32, #tpu.memory_space<vmem>>) dst(%dma_wait3A_210 : memref<10000x128xf32, #tpu.memory_space<vmem_shared>>)
        } else {
        }
        %mul3A_137 = arith.constant 80 : i32
        %mul3A_138 = arith.muli %add3A_131, %mul3A_137 : i32
        %dma_start3A_139 = tpu.memref_slice %arg8[%mul3A_138] : memref<320xi32, #tpu.memory_space<vmem>> -> memref<80xi32, #tpu.memory_space<vmem>>
        %dma_start3A_140 = arith.constant 0 : i32
        %dma_start3A_141 = arith.constant 0 : i32
        %dma_start3A_142 = tpu.memref_slice %arg4[%dma_start3A_140, %dma_start3A_141] : memref<20000x128xf32, #tpu.memory_space<hbm>> -> memref<20000x128xf32, #tpu.memory_space<hbm>>
        tpu.enqueue_indirect_dma source(%dma_start3A_142 : memref<20000x128xf32, #tpu.memory_space<hbm>>) target(%arg12 : memref<80x128xf32, #tpu.memory_space<vmem>>) offsets(%dma_start3A_139 : memref<80xi32, #tpu.memory_space<vmem>>) semaphore(%arg16 : memref<!tpu.dma_semaphore, #tpu.memory_space<semaphore_mem>>)
        %mul3A_143 = arith.constant 2 : i32
        %mul3A_144 = arith.muli %scan3A_126, %mul3A_143 : i32
        %add3A_145 = arith.constant 1 : i32
        %add3A_146 = arith.addi %mul3A_144, %add3A_145 : i32
        %gt3A_147 = arith.constant 0 : i32
        %gt3A_148 = arith.cmpi sgt, %scan3A_126, %gt3A_147 : i32
        %convert_element_type3A_149 = arith.extui %gt3A_148 : i1 to i32
        %cond3A_150 = arith.constant 0 : i32
        %cond3A_151 = arith.cmpi ne, %convert_element_type3A_149, %cond3A_150 : i32
        scf.if %cond3A_151 {
          %dma_wait3A_205 = arith.constant 0 : i32
          %dma_wait3A_206 = tpu.memref_slice %arg9[%add3A_146, %dma_wait3A_205] : memref<4x80xi32, #tpu.memory_space<vmem>> -> memref<1x80xi32, #tpu.memory_space<vmem>>
          %dma_wait3A_207 = tpu.memref_squeeze %dma_wait3A_206 : memref<1x80xi32, #tpu.memory_space<vmem>> -> memref<80xi32, #tpu.memory_space<vmem>>
          %dma_wait3A_208 = arith.constant 0 : i32
          %dma_wait3A_209 = arith.constant 0 : i32
          %dma_wait3A_210 = tpu.memref_slice %arg15[%dma_wait3A_208, %dma_wait3A_209] : memref<10000x128xf32, #tpu.memory_space<vmem_shared>> -> memref<10000x128xf32, #tpu.memory_space<vmem_shared>>
          tpu.wait_indirect_dma semaphore(%arg19 : memref<!tpu.dma_semaphore, #tpu.memory_space<semaphore_mem>>) src(%arg13 : memref<80x128xf32, #tpu.memory_space<vmem>>) dst(%dma_wait3A_210 : memref<10000x128xf32, #tpu.memory_space<vmem_shared>>)
        } else {
        }
        %mul3A_152 = arith.constant 80 : i32
        %mul3A_153 = arith.muli %add3A_146, %mul3A_152 : i32
        %dma_start3A_154 = tpu.memref_slice %arg8[%mul3A_153] : memref<320xi32, #tpu.memory_space<vmem>> -> memref<80xi32, #tpu.memory_space<vmem>>
        %dma_start3A_155 = arith.constant 0 : i32
        %dma_start3A_156 = arith.constant 0 : i32
        %dma_start3A_157 = tpu.memref_slice %arg4[%dma_start3A_155, %dma_start3A_156] : memref<20000x128xf32, #tpu.memory_space<hbm>> -> memref<20000x128xf32, #tpu.memory_space<hbm>>
        tpu.enqueue_indirect_dma source(%dma_start3A_157 : memref<20000x128xf32, #tpu.memory_space<hbm>>) target(%arg13 : memref<80x128xf32, #tpu.memory_space<vmem>>) offsets(%dma_start3A_154 : memref<80xi32, #tpu.memory_space<vmem>>) semaphore(%arg17 : memref<!tpu.dma_semaphore, #tpu.memory_space<semaphore_mem>>)
        %mul3A_158 = arith.constant 2 : i32
        %mul3A_159 = arith.muli %scan3A_126, %mul3A_158 : i32
        %add3A_160 = arith.constant 0 : i32
        %add3A_161 = arith.addi %mul3A_159, %add3A_160 : i32
        %mul3A_162 = arith.constant 80 : i32
        %mul3A_163 = arith.muli %add3A_161, %mul3A_162 : i32
        %dma_wait3A_164 = tpu.memref_slice %arg8[%mul3A_163] : memref<320xi32, #tpu.memory_space<vmem>> -> memref<80xi32, #tpu.memory_space<vmem>>
        %dma_wait3A_165 = arith.constant 0 : i32
        %dma_wait3A_166 = arith.constant 0 : i32
        %dma_wait3A_167 = tpu.memref_slice %arg4[%dma_wait3A_165, %dma_wait3A_166] : memref<20000x128xf32, #tpu.memory_space<hbm>> -> memref<20000x128xf32, #tpu.memory_space<hbm>>
        tpu.wait_indirect_dma semaphore(%arg16 : memref<!tpu.dma_semaphore, #tpu.memory_space<semaphore_mem>>) src(%dma_wait3A_167 : memref<20000x128xf32, #tpu.memory_space<hbm>>) dst(%arg12 : memref<80x128xf32, #tpu.memory_space<vmem>>)
        %scan3A_168 = arith.constant 0 : i32
        %scan3A_169 = arith.constant 0 : i32
        %scan3A_170 = arith.constant 40 : i32
        %scan3A_171 = arith.addi %scan3A_169, %scan3A_170 : i32
        %scan3A_172 = arith.constant 1 : i32
        %scan3A_173 = scf.for %scan3A_205 = %scan3A_169 to %scan3A_171 step %scan3A_172 iter_args(%scan3A_206 = %scan3A_168) -> (i32)  : i32 {
          %mul3A_207 = arith.constant 2 : i32
          %mul3A_208 = arith.muli %scan3A_205, %mul3A_207 : i32
          %add3A_209 = arith.constant 0 : i32
          %add3A_210 = arith.addi %mul3A_208, %add3A_209 : i32
          %mul3A_211 = arith.constant 80 : i32
          %mul3A_212 = arith.muli %add3A_161, %mul3A_211 : i32
          %add3A_213 = arith.addi %mul3A_212, %add3A_210 : i32
          %broadcast_in_dim3A_214 = vector.broadcast %add3A_213 : i32 to vector<16xi32>
          %gather3A = tpu.vector_load_idx %arg10[%broadcast_in_dim3A_214] : memref<320xf32, #tpu.memory_space<vmem>>[vector<16xi32>], vector<16xf32>,
          %gather3A_215 = tpu.vector_load_idx %arg11[%broadcast_in_dim3A_214] : memref<320xf32, #tpu.memory_space<vmem>>[vector<16xi32>], vector<16xf32>,
          %get3A = arith.index_cast %add3A_210 : i32 to index
          %get3A_216 = arith.constant 0 : index
          %get3A_217 = tpu.vector_load %arg12[%get3A, %get3A_216] {strides = array<i32>} : memref<80x128xf32, #tpu.memory_space<vmem>>, vector<16xf32>,
          %mul3A_218 = arith.mulf %get3A_217, %gather3A : vector<16xf32>
          %swap3A = arith.index_cast %add3A_210 : i32 to index
          %swap3A_219 = arith.constant 0 : index
          %swap3A_220 = tpu.vector_load %arg12[%swap3A, %swap3A_219] {strides = array<i32>} : memref<80x128xf32, #tpu.memory_space<vmem>>, vector<16xf32>,
          tpu.vector_store %arg12[%swap3A, %swap3A_219], %mul3A_218 {strides = array<i32>} : memref<80x128xf32, #tpu.memory_space<vmem>>, vector<16xf32>,
          %get3A_221 = arith.index_cast %add3A_210 : i32 to index
          %get3A_222 = arith.constant 64 : index
          %get3A_223 = tpu.vector_load %arg12[%get3A_221, %get3A_222] {strides = array<i32>} : memref<80x128xf32, #tpu.memory_space<vmem>>, vector<16xf32>,
          %mul3A_224 = arith.mulf %get3A_223, %gather3A_215 : vector<16xf32>
          %swap3A_225 = arith.index_cast %add3A_210 : i32 to index
          %swap3A_226 = arith.constant 64 : index
          %swap3A_227 = tpu.vector_load %arg12[%swap3A_225, %swap3A_226] {strides = array<i32>} : memref<80x128xf32, #tpu.memory_space<vmem>>, vector<16xf32>,
          tpu.vector_store %arg12[%swap3A_225, %swap3A_226], %mul3A_224 {strides = array<i32>} : memref<80x128xf32, #tpu.memory_space<vmem>>, vector<16xf32>,
          %get3A_228 = arith.index_cast %add3A_210 : i32 to index
          %get3A_229 = arith.constant 16 : index
          %get3A_230 = tpu.vector_load %arg12[%get3A_228, %get3A_229] {strides = array<i32>} : memref<80x128xf32, #tpu.memory_space<vmem>>, vector<16xf32>,
          %mul3A_231 = arith.mulf %get3A_230, %gather3A : vector<16xf32>
          %swap3A_232 = arith.index_cast %add3A_210 : i32 to index
          %swap3A_233 = arith.constant 16 : index
          %swap3A_234 = tpu.vector_load %arg12[%swap3A_232, %swap3A_233] {strides = array<i32>} : memref<80x128xf32, #tpu.memory_space<vmem>>, vector<16xf32>,
          tpu.vector_store %arg12[%swap3A_232, %swap3A_233], %mul3A_231 {strides = array<i32>} : memref<80x128xf32, #tpu.memory_space<vmem>>, vector<16xf32>,
          %get3A_235 = arith.index_cast %add3A_210 : i32 to index
          %get3A_236 = arith.constant 80 : index
          %get3A_237 = tpu.vector_load %arg12[%get3A_235, %get3A_236] {strides = array<i32>} : memref<80x128xf32, #tpu.memory_space<vmem>>, vector<16xf32>,
          %mul3A_238 = arith.mulf %get3A_237, %gather3A_215 : vector<16xf32>
          %swap3A_239 = arith.index_cast %add3A_210 : i32 to index
          %swap3A_240 = arith.constant 80 : index
          %swap3A_241 = tpu.vector_load %arg12[%swap3A_239, %swap3A_240] {strides = array<i32>} : memref<80x128xf32, #tpu.memory_space<vmem>>, vector<16xf32>,
          tpu.vector_store %arg12[%swap3A_239, %swap3A_240], %mul3A_238 {strides = array<i32>} : memref<80x128xf32, #tpu.memory_space<vmem>>, vector<16xf32>,
          %get3A_242 = arith.index_cast %add3A_210 : i32 to index
          %get3A_243 = arith.constant 32 : index
          %get3A_244 = tpu.vector_load %arg12[%get3A_242, %get3A_243] {strides = array<i32>} : memref<80x128xf32, #tpu.memory_space<vmem>>, vector<16xf32>,
          %mul3A_245 = arith.mulf %get3A_244, %gather3A : vector<16xf32>
          %swap3A_246 = arith.index_cast %add3A_210 : i32 to index
          %swap3A_247 = arith.constant 32 : index
          %swap3A_248 = tpu.vector_load %arg12[%swap3A_246, %swap3A_247] {strides = array<i32>} : memref<80x128xf32, #tpu.memory_space<vmem>>, vector<16xf32>,
          tpu.vector_store %arg12[%swap3A_246, %swap3A_247], %mul3A_245 {strides = array<i32>} : memref<80x128xf32, #tpu.memory_space<vmem>>, vector<16xf32>,
          %get3A_249 = arith.index_cast %add3A_210 : i32 to index
          %get3A_250 = arith.constant 96 : index
          %get3A_251 = tpu.vector_load %arg12[%get3A_249, %get3A_250] {strides = array<i32>} : memref<80x128xf32, #tpu.memory_space<vmem>>, vector<16xf32>,
          %mul3A_252 = arith.mulf %get3A_251, %gather3A_215 : vector<16xf32>
          %swap3A_253 = arith.index_cast %add3A_210 : i32 to index
          %swap3A_254 = arith.constant 96 : index
          %swap3A_255 = tpu.vector_load %arg12[%swap3A_253, %swap3A_254] {strides = array<i32>} : memref<80x128xf32, #tpu.memory_space<vmem>>, vector<16xf32>,
          tpu.vector_store %arg12[%swap3A_253, %swap3A_254], %mul3A_252 {strides = array<i32>} : memref<80x128xf32, #tpu.memory_space<vmem>>, vector<16xf32>,
          %get3A_256 = arith.index_cast %add3A_210 : i32 to index
          %get3A_257 = arith.constant 48 : index
          %get3A_258 = tpu.vector_load %arg12[%get3A_256, %get3A_257] {strides = array<i32>} : memref<80x128xf32, #tpu.memory_space<vmem>>, vector<16xf32>,
          %mul3A_259 = arith.mulf %get3A_258, %gather3A : vector<16xf32>
          %swap3A_260 = arith.index_cast %add3A_210 : i32 to index
          %swap3A_261 = arith.constant 48 : index
          %swap3A_262 = tpu.vector_load %arg12[%swap3A_260, %swap3A_261] {strides = array<i32>} : memref<80x128xf32, #tpu.memory_space<vmem>>, vector<16xf32>,
          tpu.vector_store %arg12[%swap3A_260, %swap3A_261], %mul3A_259 {strides = array<i32>} : memref<80x128xf32, #tpu.memory_space<vmem>>, vector<16xf32>,
          %get3A_263 = arith.index_cast %add3A_210 : i32 to index
          %get3A_264 = arith.constant 112 : index
          %get3A_265 = tpu.vector_load %arg12[%get3A_263, %get3A_264] {strides = array<i32>} : memref<80x128xf32, #tpu.memory_space<vmem>>, vector<16xf32>,
          %mul3A_266 = arith.mulf %get3A_265, %gather3A_215 : vector<16xf32>
          %swap3A_267 = arith.index_cast %add3A_210 : i32 to index
          %swap3A_268 = arith.constant 112 : index
          %swap3A_269 = tpu.vector_load %arg12[%swap3A_267, %swap3A_268] {strides = array<i32>} : memref<80x128xf32, #tpu.memory_space<vmem>>, vector<16xf32>,
          tpu.vector_store %arg12[%swap3A_267, %swap3A_268], %mul3A_266 {strides = array<i32>} : memref<80x128xf32, #tpu.memory_space<vmem>>, vector<16xf32>,
          %mul3A_270 = arith.constant 2 : i32
          %mul3A_271 = arith.muli %scan3A_205, %mul3A_270 : i32
          %add3A_272 = arith.constant 1 : i32
          %add3A_273 = arith.addi %mul3A_271, %add3A_272 : i32
          %mul3A_274 = arith.constant 80 : i32
          %mul3A_275 = arith.muli %add3A_161, %mul3A_274 : i32
          %add3A_276 = arith.addi %mul3A_275, %add3A_273 : i32
          %broadcast_in_dim3A_277 = vector.broadcast %add3A_276 : i32 to vector<16xi32>
          %gather3A_278 = tpu.vector_load_idx %arg10[%broadcast_in_dim3A_277] : memref<320xf32, #tpu.memory_space<vmem>>[vector<16xi32>], vector<16xf32>,
          %gather3A_279 = tpu.vector_load_idx %arg11[%broadcast_in_dim3A_277] : memref<320xf32, #tpu.memory_space<vmem>>[vector<16xi32>], vector<16xf32>,
          %get3A_280 = arith.index_cast %add3A_273 : i32 to index
          %get3A_281 = arith.constant 0 : index
          %get3A_282 = tpu.vector_load %arg12[%get3A_280, %get3A_281] {strides = array<i32>} : memref<80x128xf32, #tpu.memory_space<vmem>>, vector<16xf32>,
          %mul3A_283 = arith.mulf %get3A_282, %gather3A_278 : vector<16xf32>
          %swap3A_284 = arith.index_cast %add3A_273 : i32 to index
          %swap3A_285 = arith.constant 0 : index
          %swap3A_286 = tpu.vector_load %arg12[%swap3A_284, %swap3A_285] {strides = array<i32>} : memref<80x128xf32, #tpu.memory_space<vmem>>, vector<16xf32>,
          tpu.vector_store %arg12[%swap3A_284, %swap3A_285], %mul3A_283 {strides = array<i32>} : memref<80x128xf32, #tpu.memory_space<vmem>>, vector<16xf32>,
          %get3A_287 = arith.index_cast %add3A_273 : i32 to index
          %get3A_288 = arith.constant 64 : index
          %get3A_289 = tpu.vector_load %arg12[%get3A_287, %get3A_288] {strides = array<i32>} : memref<80x128xf32, #tpu.memory_space<vmem>>, vector<16xf32>,
          %mul3A_290 = arith.mulf %get3A_289, %gather3A_279 : vector<16xf32>
          %swap3A_291 = arith.index_cast %add3A_273 : i32 to index
          %swap3A_292 = arith.constant 64 : index
          %swap3A_293 = tpu.vector_load %arg12[%swap3A_291, %swap3A_292] {strides = array<i32>} : memref<80x128xf32, #tpu.memory_space<vmem>>, vector<16xf32>,
          tpu.vector_store %arg12[%swap3A_291, %swap3A_292], %mul3A_290 {strides = array<i32>} : memref<80x128xf32, #tpu.memory_space<vmem>>, vector<16xf32>,
          %get3A_294 = arith.index_cast %add3A_273 : i32 to index
          %get3A_295 = arith.constant 16 : index
          %get3A_296 = tpu.vector_load %arg12[%get3A_294, %get3A_295] {strides = array<i32>} : memref<80x128xf32, #tpu.memory_space<vmem>>, vector<16xf32>,
          %mul3A_297 = arith.mulf %get3A_296, %gather3A_278 : vector<16xf32>
          %swap3A_298 = arith.index_cast %add3A_273 : i32 to index
          %swap3A_299 = arith.constant 16 : index
          %swap3A_300 = tpu.vector_load %arg12[%swap3A_298, %swap3A_299] {strides = array<i32>} : memref<80x128xf32, #tpu.memory_space<vmem>>, vector<16xf32>,
          tpu.vector_store %arg12[%swap3A_298, %swap3A_299], %mul3A_297 {strides = array<i32>} : memref<80x128xf32, #tpu.memory_space<vmem>>, vector<16xf32>,
          %get3A_301 = arith.index_cast %add3A_273 : i32 to index
          %get3A_302 = arith.constant 80 : index
          %get3A_303 = tpu.vector_load %arg12[%get3A_301, %get3A_302] {strides = array<i32>} : memref<80x128xf32, #tpu.memory_space<vmem>>, vector<16xf32>,
          %mul3A_304 = arith.mulf %get3A_303, %gather3A_279 : vector<16xf32>
          %swap3A_305 = arith.index_cast %add3A_273 : i32 to index
          %swap3A_306 = arith.constant 80 : index
          %swap3A_307 = tpu.vector_load %arg12[%swap3A_305, %swap3A_306] {strides = array<i32>} : memref<80x128xf32, #tpu.memory_space<vmem>>, vector<16xf32>,
          tpu.vector_store %arg12[%swap3A_305, %swap3A_306], %mul3A_304 {strides = array<i32>} : memref<80x128xf32, #tpu.memory_space<vmem>>, vector<16xf32>,
          %get3A_308 = arith.index_cast %add3A_273 : i32 to index
          %get3A_309 = arith.constant 32 : index
          %get3A_310 = tpu.vector_load %arg12[%get3A_308, %get3A_309] {strides = array<i32>} : memref<80x128xf32, #tpu.memory_space<vmem>>, vector<16xf32>,
          %mul3A_311 = arith.mulf %get3A_310, %gather3A_278 : vector<16xf32>
          %swap3A_312 = arith.index_cast %add3A_273 : i32 to index
          %swap3A_313 = arith.constant 32 : index
          %swap3A_314 = tpu.vector_load %arg12[%swap3A_312, %swap3A_313] {strides = array<i32>} : memref<80x128xf32, #tpu.memory_space<vmem>>, vector<16xf32>,
          tpu.vector_store %arg12[%swap3A_312, %swap3A_313], %mul3A_311 {strides = array<i32>} : memref<80x128xf32, #tpu.memory_space<vmem>>, vector<16xf32>,
          %get3A_315 = arith.index_cast %add3A_273 : i32 to index
          %get3A_316 = arith.constant 96 : index
          %get3A_317 = tpu.vector_load %arg12[%get3A_315, %get3A_316] {strides = array<i32>} : memref<80x128xf32, #tpu.memory_space<vmem>>, vector<16xf32>,
          %mul3A_318 = arith.mulf %get3A_317, %gather3A_279 : vector<16xf32>
          %swap3A_319 = arith.index_cast %add3A_273 : i32 to index
          %swap3A_320 = arith.constant 96 : index
          %swap3A_321 = tpu.vector_load %arg12[%swap3A_319, %swap3A_320] {strides = array<i32>} : memref<80x128xf32, #tpu.memory_space<vmem>>, vector<16xf32>,
          tpu.vector_store %arg12[%swap3A_319, %swap3A_320], %mul3A_318 {strides = array<i32>} : memref<80x128xf32, #tpu.memory_space<vmem>>, vector<16xf32>,
          %get3A_322 = arith.index_cast %add3A_273 : i32 to index
          %get3A_323 = arith.constant 48 : index
          %get3A_324 = tpu.vector_load %arg12[%get3A_322, %get3A_323] {strides = array<i32>} : memref<80x128xf32, #tpu.memory_space<vmem>>, vector<16xf32>,
          %mul3A_325 = arith.mulf %get3A_324, %gather3A_278 : vector<16xf32>
          %swap3A_326 = arith.index_cast %add3A_273 : i32 to index
          %swap3A_327 = arith.constant 48 : index
          %swap3A_328 = tpu.vector_load %arg12[%swap3A_326, %swap3A_327] {strides = array<i32>} : memref<80x128xf32, #tpu.memory_space<vmem>>, vector<16xf32>,
          tpu.vector_store %arg12[%swap3A_326, %swap3A_327], %mul3A_325 {strides = array<i32>} : memref<80x128xf32, #tpu.memory_space<vmem>>, vector<16xf32>,
          %get3A_329 = arith.index_cast %add3A_273 : i32 to index
          %get3A_330 = arith.constant 112 : index
          %get3A_331 = tpu.vector_load %arg12[%get3A_329, %get3A_330] {strides = array<i32>} : memref<80x128xf32, #tpu.memory_space<vmem>>, vector<16xf32>,
          %mul3A_332 = arith.mulf %get3A_331, %gather3A_279 : vector<16xf32>
          %swap3A_333 = arith.index_cast %add3A_273 : i32 to index
          %swap3A_334 = arith.constant 112 : index
          %swap3A_335 = tpu.vector_load %arg12[%swap3A_333, %swap3A_334] {strides = array<i32>} : memref<80x128xf32, #tpu.memory_space<vmem>>, vector<16xf32>,
          tpu.vector_store %arg12[%swap3A_333, %swap3A_334], %mul3A_332 {strides = array<i32>} : memref<80x128xf32, #tpu.memory_space<vmem>>, vector<16xf32>,
          %scan3A_336 = arith.constant 0 : i32
          scf.yield %scan3A_336 : i32
        }
        %scan3A_174 = arith.constant 40 : i32
        %dma_start3A_175 = arith.constant 0 : i32
        %dma_start3A_176 = tpu.memref_slice %arg9[%add3A_161, %dma_start3A_175] : memref<4x80xi32, #tpu.memory_space<vmem>> -> memref<1x80xi32, #tpu.memory_space<vmem>>
        %dma_start3A_177 = tpu.memref_squeeze %dma_start3A_176 : memref<1x80xi32, #tpu.memory_space<vmem>> -> memref<80xi32, #tpu.memory_space<vmem>>
        %dma_start3A_178 = arith.constant 0 : i32
        %dma_start3A_179 = arith.constant 0 : i32
        %dma_start3A_180 = tpu.memref_slice %arg15[%dma_start3A_178, %dma_start3A_179] : memref<10000x128xf32, #tpu.memory_space<vmem_shared>> -> memref<10000x128xf32, #tpu.memory_space<vmem_shared>>
        tpu.enqueue_indirect_dma source(%arg12 : memref<80x128xf32, #tpu.memory_space<vmem>>) target(%dma_start3A_180 : memref<10000x128xf32, #tpu.memory_space<vmem_shared>>) offsets(%dma_start3A_177 : memref<80xi32, #tpu.memory_space<vmem>>) semaphore(%arg18 : memref<!tpu.dma_semaphore, #tpu.memory_space<semaphore_mem>>) {add = true}
        %mul3A_181 = arith.constant 2 : i32
        %mul3A_182 = arith.muli %scan3A_126, %mul3A_181 : i32
        %add3A_183 = arith.constant 1 : i32
        %add3A_184 = arith.addi %mul3A_182, %add3A_183 : i32
        %mul3A_185 = arith.constant 80 : i32
        %mul3A_186 = arith.muli %add3A_184, %mul3A_185 : i32
        %dma_wait3A_187 = tpu.memref_slice %arg8[%mul3A_186] : memref<320xi32, #tpu.memory_space<vmem>> -> memref<80xi32, #tpu.memory_space<vmem>>
        %dma_wait3A_188 = arith.constant 0 : i32
        %dma_wait3A_189 = arith.constant 0 : i32
        %dma_wait3A_190 = tpu.memref_slice %arg4[%dma_wait3A_188, %dma_wait3A_189] : memref<20000x128xf32, #tpu.memory_space<hbm>> -> memref<20000x128xf32, #tpu.memory_space<hbm>>
        tpu.wait_indirect_dma semaphore(%arg17 : memref<!tpu.dma_semaphore, #tpu.memory_space<semaphore_mem>>) src(%dma_wait3A_190 : memref<20000x128xf32, #tpu.memory_space<hbm>>) dst(%arg13 : memref<80x128xf32, #tpu.memory_space<vmem>>)
        %scan3A_191 = arith.constant 0 : i32
        %scan3A_192 = arith.constant 0 : i32
        %scan3A_193 = arith.constant 40 : i32
        %scan3A_194 = arith.addi %scan3A_192, %scan3A_193 : i32
        %scan3A_195 = arith.constant 1 : i32
        %scan3A_196 = scf.for %scan3A_205 = %scan3A_192 to %scan3A_194 step %scan3A_195 iter_args(%scan3A_206 = %scan3A_191) -> (i32)  : i32 {
          %mul3A_207 = arith.constant 2 : i32
          %mul3A_208 = arith.muli %scan3A_205, %mul3A_207 : i32
          %add3A_209 = arith.constant 0 : i32
          %add3A_210 = arith.addi %mul3A_208, %add3A_209 : i32
          %mul3A_211 = arith.constant 80 : i32
          %mul3A_212 = arith.muli %add3A_184, %mul3A_211 : i32
          %add3A_213 = arith.addi %mul3A_212, %add3A_210 : i32
          %broadcast_in_dim3A_214 = vector.broadcast %add3A_213 : i32 to vector<16xi32>
          %gather3A = tpu.vector_load_idx %arg10[%broadcast_in_dim3A_214] : memref<320xf32, #tpu.memory_space<vmem>>[vector<16xi32>], vector<16xf32>,
          %gather3A_215 = tpu.vector_load_idx %arg11[%broadcast_in_dim3A_214] : memref<320xf32, #tpu.memory_space<vmem>>[vector<16xi32>], vector<16xf32>,
          %get3A = arith.index_cast %add3A_210 : i32 to index
          %get3A_216 = arith.constant 0 : index
          %get3A_217 = tpu.vector_load %arg13[%get3A, %get3A_216] {strides = array<i32>} : memref<80x128xf32, #tpu.memory_space<vmem>>, vector<16xf32>,
          %mul3A_218 = arith.mulf %get3A_217, %gather3A : vector<16xf32>
          %swap3A = arith.index_cast %add3A_210 : i32 to index
          %swap3A_219 = arith.constant 0 : index
          %swap3A_220 = tpu.vector_load %arg13[%swap3A, %swap3A_219] {strides = array<i32>} : memref<80x128xf32, #tpu.memory_space<vmem>>, vector<16xf32>,
          tpu.vector_store %arg13[%swap3A, %swap3A_219], %mul3A_218 {strides = array<i32>} : memref<80x128xf32, #tpu.memory_space<vmem>>, vector<16xf32>,
          %get3A_221 = arith.index_cast %add3A_210 : i32 to index
          %get3A_222 = arith.constant 64 : index
          %get3A_223 = tpu.vector_load %arg13[%get3A_221, %get3A_222] {strides = array<i32>} : memref<80x128xf32, #tpu.memory_space<vmem>>, vector<16xf32>,
          %mul3A_224 = arith.mulf %get3A_223, %gather3A_215 : vector<16xf32>
          %swap3A_225 = arith.index_cast %add3A_210 : i32 to index
          %swap3A_226 = arith.constant 64 : index
          %swap3A_227 = tpu.vector_load %arg13[%swap3A_225, %swap3A_226] {strides = array<i32>} : memref<80x128xf32, #tpu.memory_space<vmem>>, vector<16xf32>,
          tpu.vector_store %arg13[%swap3A_225, %swap3A_226], %mul3A_224 {strides = array<i32>} : memref<80x128xf32, #tpu.memory_space<vmem>>, vector<16xf32>,
          %get3A_228 = arith.index_cast %add3A_210 : i32 to index
          %get3A_229 = arith.constant 16 : index
          %get3A_230 = tpu.vector_load %arg13[%get3A_228, %get3A_229] {strides = array<i32>} : memref<80x128xf32, #tpu.memory_space<vmem>>, vector<16xf32>,
          %mul3A_231 = arith.mulf %get3A_230, %gather3A : vector<16xf32>
          %swap3A_232 = arith.index_cast %add3A_210 : i32 to index
          %swap3A_233 = arith.constant 16 : index
          %swap3A_234 = tpu.vector_load %arg13[%swap3A_232, %swap3A_233] {strides = array<i32>} : memref<80x128xf32, #tpu.memory_space<vmem>>, vector<16xf32>,
          tpu.vector_store %arg13[%swap3A_232, %swap3A_233], %mul3A_231 {strides = array<i32>} : memref<80x128xf32, #tpu.memory_space<vmem>>, vector<16xf32>,
          %get3A_235 = arith.index_cast %add3A_210 : i32 to index
          %get3A_236 = arith.constant 80 : index
          %get3A_237 = tpu.vector_load %arg13[%get3A_235, %get3A_236] {strides = array<i32>} : memref<80x128xf32, #tpu.memory_space<vmem>>, vector<16xf32>,
          %mul3A_238 = arith.mulf %get3A_237, %gather3A_215 : vector<16xf32>
          %swap3A_239 = arith.index_cast %add3A_210 : i32 to index
          %swap3A_240 = arith.constant 80 : index
          %swap3A_241 = tpu.vector_load %arg13[%swap3A_239, %swap3A_240] {strides = array<i32>} : memref<80x128xf32, #tpu.memory_space<vmem>>, vector<16xf32>,
          tpu.vector_store %arg13[%swap3A_239, %swap3A_240], %mul3A_238 {strides = array<i32>} : memref<80x128xf32, #tpu.memory_space<vmem>>, vector<16xf32>,
          %get3A_242 = arith.index_cast %add3A_210 : i32 to index
          %get3A_243 = arith.constant 32 : index
          %get3A_244 = tpu.vector_load %arg13[%get3A_242, %get3A_243] {strides = array<i32>} : memref<80x128xf32, #tpu.memory_space<vmem>>, vector<16xf32>,
          %mul3A_245 = arith.mulf %get3A_244, %gather3A : vector<16xf32>
          %swap3A_246 = arith.index_cast %add3A_210 : i32 to index
          %swap3A_247 = arith.constant 32 : index
          %swap3A_248 = tpu.vector_load %arg13[%swap3A_246, %swap3A_247] {strides = array<i32>} : memref<80x128xf32, #tpu.memory_space<vmem>>, vector<16xf32>,
          tpu.vector_store %arg13[%swap3A_246, %swap3A_247], %mul3A_245 {strides = array<i32>} : memref<80x128xf32, #tpu.memory_space<vmem>>, vector<16xf32>,
          %get3A_249 = arith.index_cast %add3A_210 : i32 to index
          %get3A_250 = arith.constant 96 : index
          %get3A_251 = tpu.vector_load %arg13[%get3A_249, %get3A_250] {strides = array<i32>} : memref<80x128xf32, #tpu.memory_space<vmem>>, vector<16xf32>,
          %mul3A_252 = arith.mulf %get3A_251, %gather3A_215 : vector<16xf32>
          %swap3A_253 = arith.index_cast %add3A_210 : i32 to index
          %swap3A_254 = arith.constant 96 : index
          %swap3A_255 = tpu.vector_load %arg13[%swap3A_253, %swap3A_254] {strides = array<i32>} : memref<80x128xf32, #tpu.memory_space<vmem>>, vector<16xf32>,
          tpu.vector_store %arg13[%swap3A_253, %swap3A_254], %mul3A_252 {strides = array<i32>} : memref<80x128xf32, #tpu.memory_space<vmem>>, vector<16xf32>,
          %get3A_256 = arith.index_cast %add3A_210 : i32 to index
          %get3A_257 = arith.constant 48 : index
          %get3A_258 = tpu.vector_load %arg13[%get3A_256, %get3A_257] {strides = array<i32>} : memref<80x128xf32, #tpu.memory_space<vmem>>, vector<16xf32>,
          %mul3A_259 = arith.mulf %get3A_258, %gather3A : vector<16xf32>
          %swap3A_260 = arith.index_cast %add3A_210 : i32 to index
          %swap3A_261 = arith.constant 48 : index
          %swap3A_262 = tpu.vector_load %arg13[%swap3A_260, %swap3A_261] {strides = array<i32>} : memref<80x128xf32, #tpu.memory_space<vmem>>, vector<16xf32>,
          tpu.vector_store %arg13[%swap3A_260, %swap3A_261], %mul3A_259 {strides = array<i32>} : memref<80x128xf32, #tpu.memory_space<vmem>>, vector<16xf32>,
          %get3A_263 = arith.index_cast %add3A_210 : i32 to index
          %get3A_264 = arith.constant 112 : index
          %get3A_265 = tpu.vector_load %arg13[%get3A_263, %get3A_264] {strides = array<i32>} : memref<80x128xf32, #tpu.memory_space<vmem>>, vector<16xf32>,
          %mul3A_266 = arith.mulf %get3A_265, %gather3A_215 : vector<16xf32>
          %swap3A_267 = arith.index_cast %add3A_210 : i32 to index
          %swap3A_268 = arith.constant 112 : index
          %swap3A_269 = tpu.vector_load %arg13[%swap3A_267, %swap3A_268] {strides = array<i32>} : memref<80x128xf32, #tpu.memory_space<vmem>>, vector<16xf32>,
          tpu.vector_store %arg13[%swap3A_267, %swap3A_268], %mul3A_266 {strides = array<i32>} : memref<80x128xf32, #tpu.memory_space<vmem>>, vector<16xf32>,
          %mul3A_270 = arith.constant 2 : i32
          %mul3A_271 = arith.muli %scan3A_205, %mul3A_270 : i32
          %add3A_272 = arith.constant 1 : i32
          %add3A_273 = arith.addi %mul3A_271, %add3A_272 : i32
          %mul3A_274 = arith.constant 80 : i32
          %mul3A_275 = arith.muli %add3A_184, %mul3A_274 : i32
          %add3A_276 = arith.addi %mul3A_275, %add3A_273 : i32
          %broadcast_in_dim3A_277 = vector.broadcast %add3A_276 : i32 to vector<16xi32>
          %gather3A_278 = tpu.vector_load_idx %arg10[%broadcast_in_dim3A_277] : memref<320xf32, #tpu.memory_space<vmem>>[vector<16xi32>], vector<16xf32>,
          %gather3A_279 = tpu.vector_load_idx %arg11[%broadcast_in_dim3A_277] : memref<320xf32, #tpu.memory_space<vmem>>[vector<16xi32>], vector<16xf32>,
          %get3A_280 = arith.index_cast %add3A_273 : i32 to index
          %get3A_281 = arith.constant 0 : index
          %get3A_282 = tpu.vector_load %arg13[%get3A_280, %get3A_281] {strides = array<i32>} : memref<80x128xf32, #tpu.memory_space<vmem>>, vector<16xf32>,
          %mul3A_283 = arith.mulf %get3A_282, %gather3A_278 : vector<16xf32>
          %swap3A_284 = arith.index_cast %add3A_273 : i32 to index
          %swap3A_285 = arith.constant 0 : index
          %swap3A_286 = tpu.vector_load %arg13[%swap3A_284, %swap3A_285] {strides = array<i32>} : memref<80x128xf32, #tpu.memory_space<vmem>>, vector<16xf32>,
          tpu.vector_store %arg13[%swap3A_284, %swap3A_285], %mul3A_283 {strides = array<i32>} : memref<80x128xf32, #tpu.memory_space<vmem>>, vector<16xf32>,
          %get3A_287 = arith.index_cast %add3A_273 : i32 to index
          %get3A_288 = arith.constant 64 : index
          %get3A_289 = tpu.vector_load %arg13[%get3A_287, %get3A_288] {strides = array<i32>} : memref<80x128xf32, #tpu.memory_space<vmem>>, vector<16xf32>,
          %mul3A_290 = arith.mulf %get3A_289, %gather3A_279 : vector<16xf32>
          %swap3A_291 = arith.index_cast %add3A_273 : i32 to index
          %swap3A_292 = arith.constant 64 : index
          %swap3A_293 = tpu.vector_load %arg13[%swap3A_291, %swap3A_292] {strides = array<i32>} : memref<80x128xf32, #tpu.memory_space<vmem>>, vector<16xf32>,
          tpu.vector_store %arg13[%swap3A_291, %swap3A_292], %mul3A_290 {strides = array<i32>} : memref<80x128xf32, #tpu.memory_space<vmem>>, vector<16xf32>,
          %get3A_294 = arith.index_cast %add3A_273 : i32 to index
          %get3A_295 = arith.constant 16 : index
          %get3A_296 = tpu.vector_load %arg13[%get3A_294, %get3A_295] {strides = array<i32>} : memref<80x128xf32, #tpu.memory_space<vmem>>, vector<16xf32>,
          %mul3A_297 = arith.mulf %get3A_296, %gather3A_278 : vector<16xf32>
          %swap3A_298 = arith.index_cast %add3A_273 : i32 to index
          %swap3A_299 = arith.constant 16 : index
          %swap3A_300 = tpu.vector_load %arg13[%swap3A_298, %swap3A_299] {strides = array<i32>} : memref<80x128xf32, #tpu.memory_space<vmem>>, vector<16xf32>,
          tpu.vector_store %arg13[%swap3A_298, %swap3A_299], %mul3A_297 {strides = array<i32>} : memref<80x128xf32, #tpu.memory_space<vmem>>, vector<16xf32>,
          %get3A_301 = arith.index_cast %add3A_273 : i32 to index
          %get3A_302 = arith.constant 80 : index
          %get3A_303 = tpu.vector_load %arg13[%get3A_301, %get3A_302] {strides = array<i32>} : memref<80x128xf32, #tpu.memory_space<vmem>>, vector<16xf32>,
          %mul3A_304 = arith.mulf %get3A_303, %gather3A_279 : vector<16xf32>
          %swap3A_305 = arith.index_cast %add3A_273 : i32 to index
          %swap3A_306 = arith.constant 80 : index
          %swap3A_307 = tpu.vector_load %arg13[%swap3A_305, %swap3A_306] {strides = array<i32>} : memref<80x128xf32, #tpu.memory_space<vmem>>, vector<16xf32>,
          tpu.vector_store %arg13[%swap3A_305, %swap3A_306], %mul3A_304 {strides = array<i32>} : memref<80x128xf32, #tpu.memory_space<vmem>>, vector<16xf32>,
          %get3A_308 = arith.index_cast %add3A_273 : i32 to index
          %get3A_309 = arith.constant 32 : index
          %get3A_310 = tpu.vector_load %arg13[%get3A_308, %get3A_309] {strides = array<i32>} : memref<80x128xf32, #tpu.memory_space<vmem>>, vector<16xf32>,
          %mul3A_311 = arith.mulf %get3A_310, %gather3A_278 : vector<16xf32>
          %swap3A_312 = arith.index_cast %add3A_273 : i32 to index
          %swap3A_313 = arith.constant 32 : index
          %swap3A_314 = tpu.vector_load %arg13[%swap3A_312, %swap3A_313] {strides = array<i32>} : memref<80x128xf32, #tpu.memory_space<vmem>>, vector<16xf32>,
          tpu.vector_store %arg13[%swap3A_312, %swap3A_313], %mul3A_311 {strides = array<i32>} : memref<80x128xf32, #tpu.memory_space<vmem>>, vector<16xf32>,
          %get3A_315 = arith.index_cast %add3A_273 : i32 to index
          %get3A_316 = arith.constant 96 : index
          %get3A_317 = tpu.vector_load %arg13[%get3A_315, %get3A_316] {strides = array<i32>} : memref<80x128xf32, #tpu.memory_space<vmem>>, vector<16xf32>,
          %mul3A_318 = arith.mulf %get3A_317, %gather3A_279 : vector<16xf32>
          %swap3A_319 = arith.index_cast %add3A_273 : i32 to index
          %swap3A_320 = arith.constant 96 : index
          %swap3A_321 = tpu.vector_load %arg13[%swap3A_319, %swap3A_320] {strides = array<i32>} : memref<80x128xf32, #tpu.memory_space<vmem>>, vector<16xf32>,
          tpu.vector_store %arg13[%swap3A_319, %swap3A_320], %mul3A_318 {strides = array<i32>} : memref<80x128xf32, #tpu.memory_space<vmem>>, vector<16xf32>,
          %get3A_322 = arith.index_cast %add3A_273 : i32 to index
          %get3A_323 = arith.constant 48 : index
          %get3A_324 = tpu.vector_load %arg13[%get3A_322, %get3A_323] {strides = array<i32>} : memref<80x128xf32, #tpu.memory_space<vmem>>, vector<16xf32>,
          %mul3A_325 = arith.mulf %get3A_324, %gather3A_278 : vector<16xf32>
          %swap3A_326 = arith.index_cast %add3A_273 : i32 to index
          %swap3A_327 = arith.constant 48 : index
          %swap3A_328 = tpu.vector_load %arg13[%swap3A_326, %swap3A_327] {strides = array<i32>} : memref<80x128xf32, #tpu.memory_space<vmem>>, vector<16xf32>,
          tpu.vector_store %arg13[%swap3A_326, %swap3A_327], %mul3A_325 {strides = array<i32>} : memref<80x128xf32, #tpu.memory_space<vmem>>, vector<16xf32>,
          %get3A_329 = arith.index_cast %add3A_273 : i32 to index
          %get3A_330 = arith.constant 112 : index
          %get3A_331 = tpu.vector_load %arg13[%get3A_329, %get3A_330] {strides = array<i32>} : memref<80x128xf32, #tpu.memory_space<vmem>>, vector<16xf32>,
          %mul3A_332 = arith.mulf %get3A_331, %gather3A_279 : vector<16xf32>
          %swap3A_333 = arith.index_cast %add3A_273 : i32 to index
          %swap3A_334 = arith.constant 112 : index
          %swap3A_335 = tpu.vector_load %arg13[%swap3A_333, %swap3A_334] {strides = array<i32>} : memref<80x128xf32, #tpu.memory_space<vmem>>, vector<16xf32>,
          tpu.vector_store %arg13[%swap3A_333, %swap3A_334], %mul3A_332 {strides = array<i32>} : memref<80x128xf32, #tpu.memory_space<vmem>>, vector<16xf32>,
          %scan3A_336 = arith.constant 0 : i32
          scf.yield %scan3A_336 : i32
        }
        %scan3A_197 = arith.constant 40 : i32
        %dma_start3A_198 = arith.constant 0 : i32
        %dma_start3A_199 = tpu.memref_slice %arg9[%add3A_184, %dma_start3A_198] : memref<4x80xi32, #tpu.memory_space<vmem>> -> memref<1x80xi32, #tpu.memory_space<vmem>>
        %dma_start3A_200 = tpu.memref_squeeze %dma_start3A_199 : memref<1x80xi32, #tpu.memory_space<vmem>> -> memref<80xi32, #tpu.memory_space<vmem>>
        %dma_start3A_201 = arith.constant 0 : i32
        %dma_start3A_202 = arith.constant 0 : i32
        %dma_start3A_203 = tpu.memref_slice %arg15[%dma_start3A_201, %dma_start3A_202] : memref<10000x128xf32, #tpu.memory_space<vmem_shared>> -> memref<10000x128xf32, #tpu.memory_space<vmem_shared>>
        tpu.enqueue_indirect_dma source(%arg13 : memref<80x128xf32, #tpu.memory_space<vmem>>) target(%dma_start3A_203 : memref<10000x128xf32, #tpu.memory_space<vmem_shared>>) offsets(%dma_start3A_200 : memref<80xi32, #tpu.memory_space<vmem>>) semaphore(%arg19 : memref<!tpu.dma_semaphore, #tpu.memory_space<semaphore_mem>>) {add = true}
        %scan3A_204 = arith.constant 0 : i32
        scf.yield %scan3A_204 : i32
      }
      %scan3A_124 = arith.constant 2 : i32
      %scan3A_125 = arith.constant 0 : i32
      scf.yield %scan3A_125 : i32
    }
    %scan3A_21 = arith.constant 31 : i32
    %dma_wait3A = arith.constant 2 : i32
    %dma_wait3A_22 = arith.constant 0 : i32
    %dma_wait3A_23 = tpu.memref_slice %arg9[%dma_wait3A, %dma_wait3A_22] : memref<4x80xi32, #tpu.memory_space<vmem>> -> memref<1x80xi32, #tpu.memory_space<vmem>>
    %dma_wait3A_24 = tpu.memref_squeeze %dma_wait3A_23 : memref<1x80xi32, #tpu.memory_space<vmem>> -> memref<80xi32, #tpu.memory_space<vmem>>
    %dma_wait3A_25 = arith.constant 0 : i32
    %dma_wait3A_26 = arith.constant 0 : i32
    %dma_wait3A_27 = tpu.memref_slice %arg15[%dma_wait3A_25, %dma_wait3A_26] : memref<10000x128xf32, #tpu.memory_space<vmem_shared>> -> memref<10000x128xf32, #tpu.memory_space<vmem_shared>>
    tpu.wait_indirect_dma semaphore(%arg18 : memref<!tpu.dma_semaphore, #tpu.memory_space<semaphore_mem>>) src(%arg12 : memref<80x128xf32, #tpu.memory_space<vmem>>) dst(%dma_wait3A_27 : memref<10000x128xf32, #tpu.memory_space<vmem_shared>>)
    %dma_wait3A_28 = arith.constant 3 : i32
    %dma_wait3A_29 = arith.constant 0 : i32
    %dma_wait3A_30 = tpu.memref_slice %arg9[%dma_wait3A_28, %dma_wait3A_29] : memref<4x80xi32, #tpu.memory_space<vmem>> -> memref<1x80xi32, #tpu.memory_space<vmem>>
    %dma_wait3A_31 = tpu.memref_squeeze %dma_wait3A_30 : memref<1x80xi32, #tpu.memory_space<vmem>> -> memref<80xi32, #tpu.memory_space<vmem>>
    %dma_wait3A_32 = arith.constant 0 : i32
    %dma_wait3A_33 = arith.constant 0 : i32
    %dma_wait3A_34 = tpu.memref_slice %arg15[%dma_wait3A_32, %dma_wait3A_33] : memref<10000x128xf32, #tpu.memory_space<vmem_shared>> -> memref<10000x128xf32, #tpu.memory_space<vmem_shared>>
    tpu.wait_indirect_dma semaphore(%arg19 : memref<!tpu.dma_semaphore, #tpu.memory_space<semaphore_mem>>) src(%arg13 : memref<80x128xf32, #tpu.memory_space<vmem>>) dst(%dma_wait3A_34 : memref<10000x128xf32, #tpu.memory_space<vmem_shared>>)
    %mul3A_35 = arith.constant 10000 : i32
    %mul3A_36 = arith.muli %arg1, %mul3A_35 : i32
    %add3A = arith.constant 9920 : i32
    %add3A_37 = arith.addi %mul3A_36, %add3A : i32
    "tpu.region"() ({
      %run_scoped3A_91 = tpu.sem_alloc : memref<!tpu.dma_semaphore, #tpu.memory_space<semaphore_mem>>
      %dma_start3A_92 = arith.constant 0 : i32
      %dma_start3A_93 = tpu.memref_slice %arg8[%dma_start3A_92] : memref<320xi32, #tpu.memory_space<vmem>> -> memref<80xi32, #tpu.memory_space<vmem>>
      %dma_start3A_94 = tpu.memref_slice %arg2[%add3A_37] : memref<160000xi32, #tpu.memory_space<hbm>> -> memref<80xi32, #tpu.memory_space<hbm>>
      %dma_start3A_95 = arith.constant 0 : i32
      %dma_start3A_96 = tpu.memref_slice %arg8[%dma_start3A_95] : memref<320xi32, #tpu.memory_space<vmem>> -> memref<80xi32, #tpu.memory_space<vmem>>
      %dma_start3A_97 = tpu.memref_slice %arg2[%add3A_37] : memref<160000xi32, #tpu.memory_space<hbm>> -> memref<80xi32, #tpu.memory_space<hbm>>
      tpu.enqueue_dma source(%dma_start3A_97 : memref<80xi32, #tpu.memory_space<hbm>>) target(%dma_start3A_96 : memref<80xi32, #tpu.memory_space<vmem>>) target_semaphore(%run_scoped3A_91 : memref<!tpu.dma_semaphore, #tpu.memory_space<semaphore_mem>>)
      %dma_wait3A_98 = arith.constant 0 : i32
      %dma_wait3A_99 = tpu.memref_slice %arg8[%dma_wait3A_98] : memref<320xi32, #tpu.memory_space<vmem>> -> memref<80xi32, #tpu.memory_space<vmem>>
      %dma_wait3A_100 = tpu.memref_slice %arg2[%add3A_37] : memref<160000xi32, #tpu.memory_space<hbm>> -> memref<80xi32, #tpu.memory_space<hbm>>
      %dma_wait3A_101 = arith.constant 0 : i32
      %dma_wait3A_102 = tpu.memref_slice %arg8[%dma_wait3A_101] : memref<320xi32, #tpu.memory_space<vmem>> -> memref<80xi32, #tpu.memory_space<vmem>>
      %dma_wait3A_103 = tpu.memref_slice %arg2[%add3A_37] : memref<160000xi32, #tpu.memory_space<hbm>> -> memref<80xi32, #tpu.memory_space<hbm>>
      tpu.wait_dma2 semaphore(%run_scoped3A_91 : memref<!tpu.dma_semaphore, #tpu.memory_space<semaphore_mem>>) src(%dma_wait3A_103 : memref<80xi32, #tpu.memory_space<hbm>>) dst(%dma_wait3A_102 : memref<80xi32, #tpu.memory_space<vmem>>)
      tpu.yield
    }) : () -> ()
    %jit3A = arith.constant 80 : i32
    %div3A = arith.divsi %add3A_37, %jit3A : i32
    %sign3A = arith.constant 0 : i32
    %sign3A_38 = arith.cmpi sgt, %add3A_37, %sign3A : i32
    %sign3A_39 = arith.extui %sign3A_38 : i1 to i32
    %sign3A_40 = arith.constant 0 : i32
    %sign3A_41 = arith.cmpi slt, %add3A_37, %sign3A_40 : i32
    %sign3A_42 = arith.extui %sign3A_41 : i1 to i32
    %sign3A_43 = arith.subi %sign3A_39, %sign3A_42 : i32
    %sign3A_44 = arith.constant 0 : i32
    %sign3A_45 = arith.cmpi sgt, %jit3A, %sign3A_44 : i32
    %sign3A_46 = arith.extui %sign3A_45 : i1 to i32
    %sign3A_47 = arith.constant 0 : i32
    %sign3A_48 = arith.cmpi slt, %jit3A, %sign3A_47 : i32
    %sign3A_49 = arith.extui %sign3A_48 : i1 to i32
    %sign3A_50 = arith.subi %sign3A_46, %sign3A_49 : i32
    %ne3A = arith.cmpi ne, %sign3A_43, %sign3A_50 : i32
    %rem3A = arith.remsi %add3A_37, %jit3A : i32
    %ne3A_51 = arith.constant 0 : i32
    %ne3A_52 = arith.cmpi ne, %rem3A, %ne3A_51 : i32
    %and3A = arith.andi %ne3A, %ne3A_52 : i1
    %sub3A = arith.constant 1 : i32
    %sub3A_53 = arith.subi %div3A, %sub3A : i32
    %select_n3A = arith.select %and3A, %sub3A_53, %div3A : i32
    "tpu.region"() ({
      %run_scoped3A_91 = tpu.sem_alloc : memref<!tpu.dma_semaphore, #tpu.memory_space<semaphore_mem>>
      %dma_start3A_92 = arith.constant 0 : i32
      %dma_start3A_93 = arith.constant 0 : i32
      %dma_start3A_94 = tpu.memref_slice %arg9[%dma_start3A_92, %dma_start3A_93] : memref<4x80xi32, #tpu.memory_space<vmem>> -> memref<1x80xi32, #tpu.memory_space<vmem>>
      %dma_start3A_95 = arith.constant 0 : i32
      %dma_start3A_96 = tpu.memref_slice %arg3[%select_n3A, %dma_start3A_95] : memref<2000x80xi32, #tpu.memory_space<hbm>> -> memref<1x80xi32, #tpu.memory_space<hbm>>
      %dma_start3A_97 = arith.constant 0 : i32
      %dma_start3A_98 = arith.constant 0 : i32
      %dma_start3A_99 = tpu.memref_slice %arg9[%dma_start3A_97, %dma_start3A_98] : memref<4x80xi32, #tpu.memory_space<vmem>> -> memref<1x80xi32, #tpu.memory_space<vmem>>
      %dma_start3A_100 = arith.constant 0 : i32
      %dma_start3A_101 = tpu.memref_slice %arg3[%select_n3A, %dma_start3A_100] : memref<2000x80xi32, #tpu.memory_space<hbm>> -> memref<1x80xi32, #tpu.memory_space<hbm>>
      tpu.enqueue_dma source(%dma_start3A_101 : memref<1x80xi32, #tpu.memory_space<hbm>>) target(%dma_start3A_99 : memref<1x80xi32, #tpu.memory_space<vmem>>) target_semaphore(%run_scoped3A_91 : memref<!tpu.dma_semaphore, #tpu.memory_space<semaphore_mem>>)
      %dma_wait3A_102 = arith.constant 0 : i32
      %dma_wait3A_103 = arith.constant 0 : i32
      %dma_wait3A_104 = tpu.memref_slice %arg9[%dma_wait3A_102, %dma_wait3A_103] : memref<4x80xi32, #tpu.memory_space<vmem>> -> memref<1x80xi32, #tpu.memory_space<vmem>>
      %dma_wait3A_105 = arith.constant 0 : i32
      %dma_wait3A_106 = tpu.memref_slice %arg3[%select_n3A, %dma_wait3A_105] : memref<2000x80xi32, #tpu.memory_space<hbm>> -> memref<1x80xi32, #tpu.memory_space<hbm>>
      %dma_wait3A_107 = arith.constant 0 : i32
      %dma_wait3A_108 = arith.constant 0 : i32
      %dma_wait3A_109 = tpu.memref_slice %arg9[%dma_wait3A_107, %dma_wait3A_108] : memref<4x80xi32, #tpu.memory_space<vmem>> -> memref<1x80xi32, #tpu.memory_space<vmem>>
      %dma_wait3A_110 = arith.constant 0 : i32
      %dma_wait3A_111 = tpu.memref_slice %arg3[%select_n3A, %dma_wait3A_110] : memref<2000x80xi32, #tpu.memory_space<hbm>> -> memref<1x80xi32, #tpu.memory_space<hbm>>
      tpu.wait_dma2 semaphore(%run_scoped3A_91 : memref<!tpu.dma_semaphore, #tpu.memory_space<semaphore_mem>>) src(%dma_wait3A_111 : memref<1x80xi32, #tpu.memory_space<hbm>>) dst(%dma_wait3A_109 : memref<1x80xi32, #tpu.memory_space<vmem>>)
      tpu.yield
    }) : () -> ()
    %mul3A_54 = arith.constant 160000 : i32
    %mul3A_55 = arith.muli %arg0, %mul3A_54 : i32
    %add3A_56 = arith.addi %mul3A_55, %add3A_37 : i32
    "tpu.region"() ({
      %run_scoped3A_91 = tpu.sem_alloc : memref<!tpu.dma_semaphore, #tpu.memory_space<semaphore_mem>>
      %dma_start3A_92 = arith.constant 0 : i32
      %dma_start3A_93 = tpu.memref_slice %arg10[%dma_start3A_92] : memref<320xf32, #tpu.memory_space<vmem>> -> memref<80xf32, #tpu.memory_space<vmem>>
      %dma_start3A_94 = tpu.memref_slice %arg5[%add3A_56] : memref<320000xf32, #tpu.memory_space<hbm>> -> memref<80xf32, #tpu.memory_space<hbm>>
      %dma_start3A_95 = arith.constant 0 : i32
      %dma_start3A_96 = tpu.memref_slice %arg10[%dma_start3A_95] : memref<320xf32, #tpu.memory_space<vmem>> -> memref<80xf32, #tpu.memory_space<vmem>>
      %dma_start3A_97 = tpu.memref_slice %arg5[%add3A_56] : memref<320000xf32, #tpu.memory_space<hbm>> -> memref<80xf32, #tpu.memory_space<hbm>>
      tpu.enqueue_dma source(%dma_start3A_97 : memref<80xf32, #tpu.memory_space<hbm>>) target(%dma_start3A_96 : memref<80xf32, #tpu.memory_space<vmem>>) target_semaphore(%run_scoped3A_91 : memref<!tpu.dma_semaphore, #tpu.memory_space<semaphore_mem>>)
      %dma_wait3A_98 = arith.constant 0 : i32
      %dma_wait3A_99 = tpu.memref_slice %arg10[%dma_wait3A_98] : memref<320xf32, #tpu.memory_space<vmem>> -> memref<80xf32, #tpu.memory_space<vmem>>
      %dma_wait3A_100 = tpu.memref_slice %arg5[%add3A_56] : memref<320000xf32, #tpu.memory_space<hbm>> -> memref<80xf32, #tpu.memory_space<hbm>>
      %dma_wait3A_101 = arith.constant 0 : i32
      %dma_wait3A_102 = tpu.memref_slice %arg10[%dma_wait3A_101] : memref<320xf32, #tpu.memory_space<vmem>> -> memref<80xf32, #tpu.memory_space<vmem>>
      %dma_wait3A_103 = tpu.memref_slice %arg5[%add3A_56] : memref<320000xf32, #tpu.memory_space<hbm>> -> memref<80xf32, #tpu.memory_space<hbm>>
      tpu.wait_dma2 semaphore(%run_scoped3A_91 : memref<!tpu.dma_semaphore, #tpu.memory_space<semaphore_mem>>) src(%dma_wait3A_103 : memref<80xf32, #tpu.memory_space<hbm>>) dst(%dma_wait3A_102 : memref<80xf32, #tpu.memory_space<vmem>>)
      tpu.yield
    }) : () -> ()
    %mul3A_57 = arith.constant 160000 : i32
    %mul3A_58 = arith.muli %arg0, %mul3A_57 : i32
    %add3A_59 = arith.addi %mul3A_58, %add3A_37 : i32
    "tpu.region"() ({
      %run_scoped3A_91 = tpu.sem_alloc : memref<!tpu.dma_semaphore, #tpu.memory_space<semaphore_mem>>
      %dma_start3A_92 = arith.constant 0 : i32
      %dma_start3A_93 = tpu.memref_slice %arg11[%dma_start3A_92] : memref<320xf32, #tpu.memory_space<vmem>> -> memref<80xf32, #tpu.memory_space<vmem>>
      %dma_start3A_94 = tpu.memref_slice %arg6[%add3A_59] : memref<320000xf32, #tpu.memory_space<hbm>> -> memref<80xf32, #tpu.memory_space<hbm>>
      %dma_start3A_95 = arith.constant 0 : i32
      %dma_start3A_96 = tpu.memref_slice %arg11[%dma_start3A_95] : memref<320xf32, #tpu.memory_space<vmem>> -> memref<80xf32, #tpu.memory_space<vmem>>
      %dma_start3A_97 = tpu.memref_slice %arg6[%add3A_59] : memref<320000xf32, #tpu.memory_space<hbm>> -> memref<80xf32, #tpu.memory_space<hbm>>
      tpu.enqueue_dma source(%dma_start3A_97 : memref<80xf32, #tpu.memory_space<hbm>>) target(%dma_start3A_96 : memref<80xf32, #tpu.memory_space<vmem>>) target_semaphore(%run_scoped3A_91 : memref<!tpu.dma_semaphore, #tpu.memory_space<semaphore_mem>>)
      %dma_wait3A_98 = arith.constant 0 : i32
      %dma_wait3A_99 = tpu.memref_slice %arg11[%dma_wait3A_98] : memref<320xf32, #tpu.memory_space<vmem>> -> memref<80xf32, #tpu.memory_space<vmem>>
      %dma_wait3A_100 = tpu.memref_slice %arg6[%add3A_59] : memref<320000xf32, #tpu.memory_space<hbm>> -> memref<80xf32, #tpu.memory_space<hbm>>
      %dma_wait3A_101 = arith.constant 0 : i32
      %dma_wait3A_102 = tpu.memref_slice %arg11[%dma_wait3A_101] : memref<320xf32, #tpu.memory_space<vmem>> -> memref<80xf32, #tpu.memory_space<vmem>>
      %dma_wait3A_103 = tpu.memref_slice %arg6[%add3A_59] : memref<320000xf32, #tpu.memory_space<hbm>> -> memref<80xf32, #tpu.memory_space<hbm>>
      tpu.wait_dma2 semaphore(%run_scoped3A_91 : memref<!tpu.dma_semaphore, #tpu.memory_space<semaphore_mem>>) src(%dma_wait3A_103 : memref<80xf32, #tpu.memory_space<hbm>>) dst(%dma_wait3A_102 : memref<80xf32, #tpu.memory_space<vmem>>)
      tpu.yield
    }) : () -> ()
    %scan3A_60 = arith.constant 0 : i32
    %scan3A_61 = arith.constant 0 : i32
    %scan3A_62 = arith.constant 5 : i32
    %scan3A_63 = arith.addi %scan3A_61, %scan3A_62 : i32
    %scan3A_64 = arith.constant 1 : i32
    %scan3A_65 = scf.for %scan3A_91 = %scan3A_61 to %scan3A_63 step %scan3A_64 iter_args(%scan3A_92 = %scan3A_60) -> (i32)  : i32 {
      %mul3A_93 = arith.constant 16 : i32
      %mul3A_94 = arith.muli %scan3A_91, %mul3A_93 : i32
      %get3A = arith.index_cast %mul3A_94 : i32 to index
      %get3A_95 = tpu.vector_load %arg8[%get3A] {strides = array<i32>} : memref<320xi32, #tpu.memory_space<vmem>>, vector<16xi32>,
      %add3A_96 = vector.broadcast %mul3A_14 : i32 to vector<16xi32>
      %add3A_97 = arith.addi %get3A_95, %add3A_96 : vector<16xi32>
      %mul3A_98 = arith.constant 16 : i32
      %mul3A_99 = arith.muli %scan3A_91, %mul3A_98 : i32
      %swap3A = arith.index_cast %mul3A_99 : i32 to index
      %swap3A_100 = tpu.vector_load %arg8[%swap3A] {strides = array<i32>} : memref<320xi32, #tpu.memory_space<vmem>>, vector<16xi32>,
      tpu.vector_store %arg8[%swap3A], %add3A_97 {strides = array<i32>} : memref<320xi32, #tpu.memory_space<vmem>>, vector<16xi32>,
      %scan3A_101 = arith.constant 0 : i32
      scf.yield %scan3A_101 : i32
    }
    %scan3A_66 = arith.constant 5 : i32
    %dma_start3A = arith.constant 0 : i32
    %dma_start3A_67 = tpu.memref_slice %arg8[%dma_start3A] : memref<320xi32, #tpu.memory_space<vmem>> -> memref<80xi32, #tpu.memory_space<vmem>>
    %dma_start3A_68 = arith.constant 0 : i32
    %dma_start3A_69 = arith.constant 0 : i32
    %dma_start3A_70 = tpu.memref_slice %arg4[%dma_start3A_68, %dma_start3A_69] : memref<20000x128xf32, #tpu.memory_space<hbm>> -> memref<20000x128xf32, #tpu.memory_space<hbm>>
    tpu.enqueue_indirect_dma source(%dma_start3A_70 : memref<20000x128xf32, #tpu.memory_space<hbm>>) target(%arg12 : memref<80x128xf32, #tpu.memory_space<vmem>>) offsets(%dma_start3A_67 : memref<80xi32, #tpu.memory_space<vmem>>) semaphore(%arg16 : memref<!tpu.dma_semaphore, #tpu.memory_space<semaphore_mem>>)
    %dma_wait3A_71 = arith.constant 0 : i32
    %dma_wait3A_72 = tpu.memref_slice %arg8[%dma_wait3A_71] : memref<320xi32, #tpu.memory_space<vmem>> -> memref<80xi32, #tpu.memory_space<vmem>>
    %dma_wait3A_73 = arith.constant 0 : i32
    %dma_wait3A_74 = arith.constant 0 : i32
    %dma_wait3A_75 = tpu.memref_slice %arg4[%dma_wait3A_73, %dma_wait3A_74] : memref<20000x128xf32, #tpu.memory_space<hbm>> -> memref<20000x128xf32, #tpu.memory_space<hbm>>
    tpu.wait_indirect_dma semaphore(%arg16 : memref<!tpu.dma_semaphore, #tpu.memory_space<semaphore_mem>>) src(%dma_wait3A_75 : memref<20000x128xf32, #tpu.memory_space<hbm>>) dst(%arg12 : memref<80x128xf32, #tpu.memory_space<vmem>>)
    %scan3A_76 = arith.constant 0 : i32
    %scan3A_77 = arith.constant 0 : i32
    %scan3A_78 = arith.constant 40 : i32
    %scan3A_79 = arith.addi %scan3A_77, %scan3A_78 : i32
    %scan3A_80 = arith.constant 1 : i32
    %scan3A_81 = scf.for %scan3A_91 = %scan3A_77 to %scan3A_79 step %scan3A_80 iter_args(%scan3A_92 = %scan3A_76) -> (i32)  : i32 {
      %mul3A_93 = arith.constant 2 : i32
      %mul3A_94 = arith.muli %scan3A_91, %mul3A_93 : i32
      %add3A_95 = arith.constant 0 : i32
      %add3A_96 = arith.addi %mul3A_94, %add3A_95 : i32
      %broadcast_in_dim3A_97 = vector.broadcast %add3A_96 : i32 to vector<16xi32>
      %gather3A = tpu.vector_load_idx %arg10[%broadcast_in_dim3A_97] : memref<320xf32, #tpu.memory_space<vmem>>[vector<16xi32>], vector<16xf32>,
      %gather3A_98 = tpu.vector_load_idx %arg11[%broadcast_in_dim3A_97] : memref<320xf32, #tpu.memory_space<vmem>>[vector<16xi32>], vector<16xf32>,
      %get3A = arith.index_cast %add3A_96 : i32 to index
      %get3A_99 = arith.constant 0 : index
      %get3A_100 = tpu.vector_load %arg12[%get3A, %get3A_99] {strides = array<i32>} : memref<80x128xf32, #tpu.memory_space<vmem>>, vector<16xf32>,
      %mul3A_101 = arith.mulf %get3A_100, %gather3A : vector<16xf32>
      %swap3A = arith.index_cast %add3A_96 : i32 to index
      %swap3A_102 = arith.constant 0 : index
      %swap3A_103 = tpu.vector_load %arg12[%swap3A, %swap3A_102] {strides = array<i32>} : memref<80x128xf32, #tpu.memory_space<vmem>>, vector<16xf32>,
      tpu.vector_store %arg12[%swap3A, %swap3A_102], %mul3A_101 {strides = array<i32>} : memref<80x128xf32, #tpu.memory_space<vmem>>, vector<16xf32>,
      %get3A_104 = arith.index_cast %add3A_96 : i32 to index
      %get3A_105 = arith.constant 64 : index
      %get3A_106 = tpu.vector_load %arg12[%get3A_104, %get3A_105] {strides = array<i32>} : memref<80x128xf32, #tpu.memory_space<vmem>>, vector<16xf32>,
      %mul3A_107 = arith.mulf %get3A_106, %gather3A_98 : vector<16xf32>
      %swap3A_108 = arith.index_cast %add3A_96 : i32 to index
      %swap3A_109 = arith.constant 64 : index
      %swap3A_110 = tpu.vector_load %arg12[%swap3A_108, %swap3A_109] {strides = array<i32>} : memref<80x128xf32, #tpu.memory_space<vmem>>, vector<16xf32>,
      tpu.vector_store %arg12[%swap3A_108, %swap3A_109], %mul3A_107 {strides = array<i32>} : memref<80x128xf32, #tpu.memory_space<vmem>>, vector<16xf32>,
      %get3A_111 = arith.index_cast %add3A_96 : i32 to index
      %get3A_112 = arith.constant 16 : index
      %get3A_113 = tpu.vector_load %arg12[%get3A_111, %get3A_112] {strides = array<i32>} : memref<80x128xf32, #tpu.memory_space<vmem>>, vector<16xf32>,
      %mul3A_114 = arith.mulf %get3A_113, %gather3A : vector<16xf32>
      %swap3A_115 = arith.index_cast %add3A_96 : i32 to index
      %swap3A_116 = arith.constant 16 : index
      %swap3A_117 = tpu.vector_load %arg12[%swap3A_115, %swap3A_116] {strides = array<i32>} : memref<80x128xf32, #tpu.memory_space<vmem>>, vector<16xf32>,
      tpu.vector_store %arg12[%swap3A_115, %swap3A_116], %mul3A_114 {strides = array<i32>} : memref<80x128xf32, #tpu.memory_space<vmem>>, vector<16xf32>,
      %get3A_118 = arith.index_cast %add3A_96 : i32 to index
      %get3A_119 = arith.constant 80 : index
      %get3A_120 = tpu.vector_load %arg12[%get3A_118, %get3A_119] {strides = array<i32>} : memref<80x128xf32, #tpu.memory_space<vmem>>, vector<16xf32>,
      %mul3A_121 = arith.mulf %get3A_120, %gather3A_98 : vector<16xf32>
      %swap3A_122 = arith.index_cast %add3A_96 : i32 to index
      %swap3A_123 = arith.constant 80 : index
      %swap3A_124 = tpu.vector_load %arg12[%swap3A_122, %swap3A_123] {strides = array<i32>} : memref<80x128xf32, #tpu.memory_space<vmem>>, vector<16xf32>,
      tpu.vector_store %arg12[%swap3A_122, %swap3A_123], %mul3A_121 {strides = array<i32>} : memref<80x128xf32, #tpu.memory_space<vmem>>, vector<16xf32>,
      %get3A_125 = arith.index_cast %add3A_96 : i32 to index
      %get3A_126 = arith.constant 32 : index
      %get3A_127 = tpu.vector_load %arg12[%get3A_125, %get3A_126] {strides = array<i32>} : memref<80x128xf32, #tpu.memory_space<vmem>>, vector<16xf32>,
      %mul3A_128 = arith.mulf %get3A_127, %gather3A : vector<16xf32>
      %swap3A_129 = arith.index_cast %add3A_96 : i32 to index
      %swap3A_130 = arith.constant 32 : index
      %swap3A_131 = tpu.vector_load %arg12[%swap3A_129, %swap3A_130] {strides = array<i32>} : memref<80x128xf32, #tpu.memory_space<vmem>>, vector<16xf32>,
      tpu.vector_store %arg12[%swap3A_129, %swap3A_130], %mul3A_128 {strides = array<i32>} : memref<80x128xf32, #tpu.memory_space<vmem>>, vector<16xf32>,
      %get3A_132 = arith.index_cast %add3A_96 : i32 to index
      %get3A_133 = arith.constant 96 : index
      %get3A_134 = tpu.vector_load %arg12[%get3A_132, %get3A_133] {strides = array<i32>} : memref<80x128xf32, #tpu.memory_space<vmem>>, vector<16xf32>,
      %mul3A_135 = arith.mulf %get3A_134, %gather3A_98 : vector<16xf32>
      %swap3A_136 = arith.index_cast %add3A_96 : i32 to index
      %swap3A_137 = arith.constant 96 : index
      %swap3A_138 = tpu.vector_load %arg12[%swap3A_136, %swap3A_137] {strides = array<i32>} : memref<80x128xf32, #tpu.memory_space<vmem>>, vector<16xf32>,
      tpu.vector_store %arg12[%swap3A_136, %swap3A_137], %mul3A_135 {strides = array<i32>} : memref<80x128xf32, #tpu.memory_space<vmem>>, vector<16xf32>,
      %get3A_139 = arith.index_cast %add3A_96 : i32 to index
      %get3A_140 = arith.constant 48 : index
      %get3A_141 = tpu.vector_load %arg12[%get3A_139, %get3A_140] {strides = array<i32>} : memref<80x128xf32, #tpu.memory_space<vmem>>, vector<16xf32>,
      %mul3A_142 = arith.mulf %get3A_141, %gather3A : vector<16xf32>
      %swap3A_143 = arith.index_cast %add3A_96 : i32 to index
      %swap3A_144 = arith.constant 48 : index
      %swap3A_145 = tpu.vector_load %arg12[%swap3A_143, %swap3A_144] {strides = array<i32>} : memref<80x128xf32, #tpu.memory_space<vmem>>, vector<16xf32>,
      tpu.vector_store %arg12[%swap3A_143, %swap3A_144], %mul3A_142 {strides = array<i32>} : memref<80x128xf32, #tpu.memory_space<vmem>>, vector<16xf32>,
      %get3A_146 = arith.index_cast %add3A_96 : i32 to index
      %get3A_147 = arith.constant 112 : index
      %get3A_148 = tpu.vector_load %arg12[%get3A_146, %get3A_147] {strides = array<i32>} : memref<80x128xf32, #tpu.memory_space<vmem>>, vector<16xf32>,
      %mul3A_149 = arith.mulf %get3A_148, %gather3A_98 : vector<16xf32>
      %swap3A_150 = arith.index_cast %add3A_96 : i32 to index
      %swap3A_151 = arith.constant 112 : index
      %swap3A_152 = tpu.vector_load %arg12[%swap3A_150, %swap3A_151] {strides = array<i32>} : memref<80x128xf32, #tpu.memory_space<vmem>>, vector<16xf32>,
      tpu.vector_store %arg12[%swap3A_150, %swap3A_151], %mul3A_149 {strides = array<i32>} : memref<80x128xf32, #tpu.memory_space<vmem>>, vector<16xf32>,
      %mul3A_153 = arith.constant 2 : i32
      %mul3A_154 = arith.muli %scan3A_91, %mul3A_153 : i32
      %add3A_155 = arith.constant 1 : i32
      %add3A_156 = arith.addi %mul3A_154, %add3A_155 : i32
      %broadcast_in_dim3A_157 = vector.broadcast %add3A_156 : i32 to vector<16xi32>
      %gather3A_158 = tpu.vector_load_idx %arg10[%broadcast_in_dim3A_157] : memref<320xf32, #tpu.memory_space<vmem>>[vector<16xi32>], vector<16xf32>,
      %gather3A_159 = tpu.vector_load_idx %arg11[%broadcast_in_dim3A_157] : memref<320xf32, #tpu.memory_space<vmem>>[vector<16xi32>], vector<16xf32>,
      %get3A_160 = arith.index_cast %add3A_156 : i32 to index
      %get3A_161 = arith.constant 0 : index
      %get3A_162 = tpu.vector_load %arg12[%get3A_160, %get3A_161] {strides = array<i32>} : memref<80x128xf32, #tpu.memory_space<vmem>>, vector<16xf32>,
      %mul3A_163 = arith.mulf %get3A_162, %gather3A_158 : vector<16xf32>
      %swap3A_164 = arith.index_cast %add3A_156 : i32 to index
      %swap3A_165 = arith.constant 0 : index
      %swap3A_166 = tpu.vector_load %arg12[%swap3A_164, %swap3A_165] {strides = array<i32>} : memref<80x128xf32, #tpu.memory_space<vmem>>, vector<16xf32>,
      tpu.vector_store %arg12[%swap3A_164, %swap3A_165], %mul3A_163 {strides = array<i32>} : memref<80x128xf32, #tpu.memory_space<vmem>>, vector<16xf32>,
      %get3A_167 = arith.index_cast %add3A_156 : i32 to index
      %get3A_168 = arith.constant 64 : index
      %get3A_169 = tpu.vector_load %arg12[%get3A_167, %get3A_168] {strides = array<i32>} : memref<80x128xf32, #tpu.memory_space<vmem>>, vector<16xf32>,
      %mul3A_170 = arith.mulf %get3A_169, %gather3A_159 : vector<16xf32>
      %swap3A_171 = arith.index_cast %add3A_156 : i32 to index
      %swap3A_172 = arith.constant 64 : index
      %swap3A_173 = tpu.vector_load %arg12[%swap3A_171, %swap3A_172] {strides = array<i32>} : memref<80x128xf32, #tpu.memory_space<vmem>>, vector<16xf32>,
      tpu.vector_store %arg12[%swap3A_171, %swap3A_172], %mul3A_170 {strides = array<i32>} : memref<80x128xf32, #tpu.memory_space<vmem>>, vector<16xf32>,
      %get3A_174 = arith.index_cast %add3A_156 : i32 to index
      %get3A_175 = arith.constant 16 : index
      %get3A_176 = tpu.vector_load %arg12[%get3A_174, %get3A_175] {strides = array<i32>} : memref<80x128xf32, #tpu.memory_space<vmem>>, vector<16xf32>,
      %mul3A_177 = arith.mulf %get3A_176, %gather3A_158 : vector<16xf32>
      %swap3A_178 = arith.index_cast %add3A_156 : i32 to index
      %swap3A_179 = arith.constant 16 : index
      %swap3A_180 = tpu.vector_load %arg12[%swap3A_178, %swap3A_179] {strides = array<i32>} : memref<80x128xf32, #tpu.memory_space<vmem>>, vector<16xf32>,
      tpu.vector_store %arg12[%swap3A_178, %swap3A_179], %mul3A_177 {strides = array<i32>} : memref<80x128xf32, #tpu.memory_space<vmem>>, vector<16xf32>,
      %get3A_181 = arith.index_cast %add3A_156 : i32 to index
      %get3A_182 = arith.constant 80 : index
      %get3A_183 = tpu.vector_load %arg12[%get3A_181, %get3A_182] {strides = array<i32>} : memref<80x128xf32, #tpu.memory_space<vmem>>, vector<16xf32>,
      %mul3A_184 = arith.mulf %get3A_183, %gather3A_159 : vector<16xf32>
      %swap3A_185 = arith.index_cast %add3A_156 : i32 to index
      %swap3A_186 = arith.constant 80 : index
      %swap3A_187 = tpu.vector_load %arg12[%swap3A_185, %swap3A_186] {strides = array<i32>} : memref<80x128xf32, #tpu.memory_space<vmem>>, vector<16xf32>,
      tpu.vector_store %arg12[%swap3A_185, %swap3A_186], %mul3A_184 {strides = array<i32>} : memref<80x128xf32, #tpu.memory_space<vmem>>, vector<16xf32>,
      %get3A_188 = arith.index_cast %add3A_156 : i32 to index
      %get3A_189 = arith.constant 32 : index
      %get3A_190 = tpu.vector_load %arg12[%get3A_188, %get3A_189] {strides = array<i32>} : memref<80x128xf32, #tpu.memory_space<vmem>>, vector<16xf32>,
      %mul3A_191 = arith.mulf %get3A_190, %gather3A_158 : vector<16xf32>
      %swap3A_192 = arith.index_cast %add3A_156 : i32 to index
      %swap3A_193 = arith.constant 32 : index
      %swap3A_194 = tpu.vector_load %arg12[%swap3A_192, %swap3A_193] {strides = array<i32>} : memref<80x128xf32, #tpu.memory_space<vmem>>, vector<16xf32>,
      tpu.vector_store %arg12[%swap3A_192, %swap3A_193], %mul3A_191 {strides = array<i32>} : memref<80x128xf32, #tpu.memory_space<vmem>>, vector<16xf32>,
      %get3A_195 = arith.index_cast %add3A_156 : i32 to index
      %get3A_196 = arith.constant 96 : index
      %get3A_197 = tpu.vector_load %arg12[%get3A_195, %get3A_196] {strides = array<i32>} : memref<80x128xf32, #tpu.memory_space<vmem>>, vector<16xf32>,
      %mul3A_198 = arith.mulf %get3A_197, %gather3A_159 : vector<16xf32>
      %swap3A_199 = arith.index_cast %add3A_156 : i32 to index
      %swap3A_200 = arith.constant 96 : index
      %swap3A_201 = tpu.vector_load %arg12[%swap3A_199, %swap3A_200] {strides = array<i32>} : memref<80x128xf32, #tpu.memory_space<vmem>>, vector<16xf32>,
      tpu.vector_store %arg12[%swap3A_199, %swap3A_200], %mul3A_198 {strides = array<i32>} : memref<80x128xf32, #tpu.memory_space<vmem>>, vector<16xf32>,
      %get3A_202 = arith.index_cast %add3A_156 : i32 to index
      %get3A_203 = arith.constant 48 : index
      %get3A_204 = tpu.vector_load %arg12[%get3A_202, %get3A_203] {strides = array<i32>} : memref<80x128xf32, #tpu.memory_space<vmem>>, vector<16xf32>,
      %mul3A_205 = arith.mulf %get3A_204, %gather3A_158 : vector<16xf32>
      %swap3A_206 = arith.index_cast %add3A_156 : i32 to index
      %swap3A_207 = arith.constant 48 : index
      %swap3A_208 = tpu.vector_load %arg12[%swap3A_206, %swap3A_207] {strides = array<i32>} : memref<80x128xf32, #tpu.memory_space<vmem>>, vector<16xf32>,
      tpu.vector_store %arg12[%swap3A_206, %swap3A_207], %mul3A_205 {strides = array<i32>} : memref<80x128xf32, #tpu.memory_space<vmem>>, vector<16xf32>,
      %get3A_209 = arith.index_cast %add3A_156 : i32 to index
      %get3A_210 = arith.constant 112 : index
      %get3A_211 = tpu.vector_load %arg12[%get3A_209, %get3A_210] {strides = array<i32>} : memref<80x128xf32, #tpu.memory_space<vmem>>, vector<16xf32>,
      %mul3A_212 = arith.mulf %get3A_211, %gather3A_159 : vector<16xf32>
      %swap3A_213 = arith.index_cast %add3A_156 : i32 to index
      %swap3A_214 = arith.constant 112 : index
      %swap3A_215 = tpu.vector_load %arg12[%swap3A_213, %swap3A_214] {strides = array<i32>} : memref<80x128xf32, #tpu.memory_space<vmem>>, vector<16xf32>,
      tpu.vector_store %arg12[%swap3A_213, %swap3A_214], %mul3A_212 {strides = array<i32>} : memref<80x128xf32, #tpu.memory_space<vmem>>, vector<16xf32>,
      %scan3A_216 = arith.constant 0 : i32
      scf.yield %scan3A_216 : i32
    }
    %scan3A_82 = arith.constant 40 : i32
    %run_scoped3A = arith.constant 0 : i32
    "tpu.region"() ({
      %run_scoped3A_91 = tpu.sem_alloc : memref<!tpu.dma_semaphore, #tpu.memory_space<semaphore_mem>>
      %dma_start3A_92 = arith.constant 0 : i32
      %dma_start3A_93 = tpu.memref_slice %arg9[%run_scoped3A, %dma_start3A_92] : memref<4x80xi32, #tpu.memory_space<vmem>> -> memref<1x80xi32, #tpu.memory_space<vmem>>
      %dma_start3A_94 = tpu.memref_squeeze %dma_start3A_93 : memref<1x80xi32, #tpu.memory_space<vmem>> -> memref<80xi32, #tpu.memory_space<vmem>>
      %dma_start3A_95 = arith.constant 0 : i32
      %dma_start3A_96 = arith.constant 0 : i32
      %dma_start3A_97 = tpu.memref_slice %arg15[%dma_start3A_95, %dma_start3A_96] : memref<10000x128xf32, #tpu.memory_space<vmem_shared>> -> memref<10000x128xf32, #tpu.memory_space<vmem_shared>>
      tpu.enqueue_indirect_dma source(%arg12 : memref<80x128xf32, #tpu.memory_space<vmem>>) target(%dma_start3A_97 : memref<10000x128xf32, #tpu.memory_space<vmem_shared>>) offsets(%dma_start3A_94 : memref<80xi32, #tpu.memory_space<vmem>>) semaphore(%run_scoped3A_91 : memref<!tpu.dma_semaphore, #tpu.memory_space<semaphore_mem>>) {add = true}
      %dma_wait3A_98 = arith.constant 0 : i32
      %dma_wait3A_99 = tpu.memref_slice %arg9[%run_scoped3A, %dma_wait3A_98] : memref<4x80xi32, #tpu.memory_space<vmem>> -> memref<1x80xi32, #tpu.memory_space<vmem>>
      %dma_wait3A_100 = tpu.memref_squeeze %dma_wait3A_99 : memref<1x80xi32, #tpu.memory_space<vmem>> -> memref<80xi32, #tpu.memory_space<vmem>>
      %dma_wait3A_101 = arith.constant 0 : i32
      %dma_wait3A_102 = arith.constant 0 : i32
      %dma_wait3A_103 = tpu.memref_slice %arg15[%dma_wait3A_101, %dma_wait3A_102] : memref<10000x128xf32, #tpu.memory_space<vmem_shared>> -> memref<10000x128xf32, #tpu.memory_space<vmem_shared>>
      tpu.wait_indirect_dma semaphore(%run_scoped3A_91 : memref<!tpu.dma_semaphore, #tpu.memory_space<semaphore_mem>>) src(%arg12 : memref<80x128xf32, #tpu.memory_space<vmem>>) dst(%dma_wait3A_103 : memref<10000x128xf32, #tpu.memory_space<vmem_shared>>)
      tpu.yield
    }) : () -> ()
    %barrier3A_83 = arith.constant 0 : index
    tpu.barrier barrier_id(%barrier3A_83)
    %scan3A_84 = arith.constant 0 : i32
    %scan3A_85 = arith.constant 0 : i32
    %scan3A_86 = arith.constant 8 : i32
    %scan3A_87 = arith.addi %scan3A_85, %scan3A_86 : i32
    %scan3A_88 = arith.constant 1 : i32
    %scan3A_89 = scf.for %scan3A_91 = %scan3A_85 to %scan3A_87 step %scan3A_88 iter_args(%scan3A_92 = %scan3A_84) -> (i32)  : i32 {
      %mul3A_93 = arith.constant 16 : i32
      %mul3A_94 = arith.muli %scan3A_91, %mul3A_93 : i32
      %add3A_95 = arith.addi %mul3A_94, %arg1 : i32
      %lt3A = arith.constant 125 : i32
      %lt3A_96 = arith.cmpi slt, %add3A_95, %lt3A : i32
      %convert_element_type3A = arith.extui %lt3A_96 : i1 to i32
      %cond3A = arith.constant 0 : i32
      %cond3A_97 = arith.cmpi ne, %convert_element_type3A, %cond3A : i32
      scf.if %cond3A_97 {
        %mul3A_99 = arith.constant 80 : i32
        %mul3A_100 = arith.muli %add3A_95, %mul3A_99 : i32
        %mul3A_101 = arith.constant 10000 : i32
        %mul3A_102 = arith.muli %arg0, %mul3A_101 : i32
        %add3A_103 = arith.addi %mul3A_102, %mul3A_100 : i32
        "tpu.region"() ({
          %run_scoped3A_104 = tpu.sem_alloc : memref<!tpu.dma_semaphore, #tpu.memory_space<semaphore_mem>>
          %dma_start3A_105 = arith.constant 0 : i32
          %dma_start3A_106 = tpu.memref_slice %arg7[%add3A_103, %dma_start3A_105] : memref<20000x128xf32, #tpu.memory_space<hbm>> -> memref<80x128xf32, #tpu.memory_space<hbm>>
          %dma_start3A_107 = arith.constant 0 : i32
          %dma_start3A_108 = tpu.memref_slice %arg15[%mul3A_100, %dma_start3A_107] : memref<10000x128xf32, #tpu.memory_space<vmem_shared>> -> memref<80x128xf32, #tpu.memory_space<vmem_shared>>
          tpu.enqueue_dma source(%dma_start3A_108 : memref<80x128xf32, #tpu.memory_space<vmem_shared>>) target(%dma_start3A_106 : memref<80x128xf32, #tpu.memory_space<hbm>>) target_semaphore(%run_scoped3A_104 : memref<!tpu.dma_semaphore, #tpu.memory_space<semaphore_mem>>)
          %dma_wait3A_109 = arith.constant 0 : i32
          %dma_wait3A_110 = tpu.memref_slice %arg7[%add3A_103, %dma_wait3A_109] : memref<20000x128xf32, #tpu.memory_space<hbm>> -> memref<80x128xf32, #tpu.memory_space<hbm>>
          %dma_wait3A_111 = arith.constant 0 : i32
          %dma_wait3A_112 = tpu.memref_slice %arg15[%mul3A_100, %dma_wait3A_111] : memref<10000x128xf32, #tpu.memory_space<vmem_shared>> -> memref<80x128xf32, #tpu.memory_space<vmem_shared>>
          tpu.wait_dma2 semaphore(%run_scoped3A_104 : memref<!tpu.dma_semaphore, #tpu.memory_space<semaphore_mem>>) src(%dma_wait3A_112 : memref<80x128xf32, #tpu.memory_space<vmem_shared>>) dst(%dma_wait3A_110 : memref<80x128xf32, #tpu.memory_space<hbm>>)
          tpu.yield
        }) : () -> ()
      } else {
      }
      %scan3A_98 = arith.constant 0 : i32
      scf.yield %scan3A_98 : i32
    }
    %scan3A_90 = arith.constant 8 : i32
    return
  }
}

module attributes {stable_mosaic.version = 14 : i64} {
  func.func @_tc_s_body(%arg0: i32, %arg1: i32, %arg2: memref<2000x256xf32, #tpu.memory_space<vmem>>, %arg3: memref<1x256x4xf32, #tpu.memory_space<vmem>>, %arg4: memref<2000x4xf32, #tpu.memory_space<vmem>>) attributes {dimension_semantics = [#tpu.dimension_semantics<arbitrary>, #tpu.dimension_semantics<arbitrary>], iteration_bounds = array<i64: 2, 5>, scalar_prefetch = 0 : i64, scratch_operands = 0 : i64, tpu.core_type = #tpu.core_type<tc>, window_params = [{transform_indices = @transform_0, window_bounds = array<i64: 2000, 256>}, {transform_indices = @transform_1, window_bounds = array<i64: 1, 256, 4>}, {transform_indices = @transform_2, window_bounds = array<i64: 2000, 4>}]} {
    %get3A = arith.constant 0 : index
    %get3A_0 = arith.constant 0 : index
    %get3A_1 = vector.load %arg2[%get3A, %get3A_0] : memref<2000x256xf32, #tpu.memory_space<vmem>>, vector<2000x256xf32>
    %get3A_2 = arith.constant 0 : index
    %get3A_3 = arith.constant 0 : index
    %get3A_4 = arith.constant 0 : index
    %get3A_5 = vector.load %arg3[%get3A_2, %get3A_3, %get3A_4] : memref<1x256x4xf32, #tpu.memory_space<vmem>>, vector<1x256x4xf32>
    %get3A_6 = vector.shape_cast %get3A_5 : vector<1x256x4xf32> to vector<256x4xf32>
    %dot_general3A = arith.constant dense<0.000000e+00> : vector<2000x4xf32>
    %dot_general3A_7 = tpu.matmul %get3A_1, %get3A_6, %dot_general3A {dimension_numbers = #tpu.dot_dimension_numbers<[1], [0], [0], [1], [0, 0, 1, 1], [], []>, transpose_lhs_hint = false} : vector<2000x256xf32>, vector<256x4xf32>, vector<2000x4xf32> -> vector<2000x4xf32>
    %swap3A = arith.constant 0 : index
    %swap3A_8 = arith.constant 0 : index
    %swap3A_9 = vector.load %arg4[%swap3A, %swap3A_8] : memref<2000x4xf32, #tpu.memory_space<vmem>>, vector<2000x4xf32>
    tpu.vector_store %arg4[%swap3A, %swap3A_8], %dot_general3A_7 {strides = array<i32>} : memref<2000x4xf32, #tpu.memory_space<vmem>>, vector<2000x4xf32>,
    return
  }
  func.func @transform_0(%arg0: i32, %arg1: i32) -> (i32, i32) {
    %c0_i32 = arith.constant 0 : i32
    %c0_i32_0 = arith.constant 0 : i32
    return %arg1, %c0_i32 : i32, i32
  }
  func.func @transform_1(%arg0: i32, %arg1: i32) -> (i32, i32, i32) {
    %c0_i32 = arith.constant 0 : i32
    %c0_i32_0 = arith.constant 0 : i32
    %c0_i32_1 = arith.constant 0 : i32
    return %arg0, %c0_i32, %c0_i32_0 : i32, i32, i32
  }
  func.func @transform_2(%arg0: i32, %arg1: i32) -> (i32, i32) {
    %mul3A = arith.constant 5 : i32
    %mul3A_0 = arith.muli %arg0, %mul3A : i32
    %add3A = arith.addi %mul3A_0, %arg1 : i32
    %c0_i32 = arith.constant 0 : i32
    %c0_i32_1 = arith.constant 0 : i32
    return %add3A, %c0_i32 : i32, i32
  }
}

module attributes {stable_mosaic.version = 14 : i64} {
  func.func @_tc_wh_body(%arg0: i32, %arg1: i32, %arg2: memref<2000x256xf32, #tpu.memory_space<vmem>>, %arg3: memref<1x256x128xf32, #tpu.memory_space<vmem>>, %arg4: memref<2000x128xf32, #tpu.memory_space<vmem>>) attributes {dimension_semantics = [#tpu.dimension_semantics<arbitrary>, #tpu.dimension_semantics<arbitrary>], iteration_bounds = array<i64: 2, 5>, scalar_prefetch = 0 : i64, scratch_operands = 0 : i64, tpu.core_type = #tpu.core_type<tc>, window_params = [{transform_indices = @transform_0, window_bounds = array<i64: 2000, 256>}, {transform_indices = @transform_1, window_bounds = array<i64: 1, 256, 128>}, {transform_indices = @transform_2, window_bounds = array<i64: 2000, 128>}]} {
    %get3A = arith.constant 0 : index
    %get3A_0 = arith.constant 0 : index
    %get3A_1 = vector.load %arg2[%get3A, %get3A_0] : memref<2000x256xf32, #tpu.memory_space<vmem>>, vector<2000x256xf32>
    %get3A_2 = arith.constant 0 : index
    %get3A_3 = arith.constant 0 : index
    %get3A_4 = arith.constant 0 : index
    %get3A_5 = vector.load %arg3[%get3A_2, %get3A_3, %get3A_4] : memref<1x256x128xf32, #tpu.memory_space<vmem>>, vector<1x256x128xf32>
    %get3A_6 = vector.shape_cast %get3A_5 : vector<1x256x128xf32> to vector<256x128xf32>
    %dot_general3A = arith.constant dense<0.000000e+00> : vector<2000x128xf32>
    %dot_general3A_7 = tpu.matmul %get3A_1, %get3A_6, %dot_general3A {dimension_numbers = #tpu.dot_dimension_numbers<[1], [0], [0], [1], [0, 0, 1, 1], [], []>, transpose_lhs_hint = false} : vector<2000x256xf32>, vector<256x128xf32>, vector<2000x128xf32> -> vector<2000x128xf32>
    %swap3A = arith.constant 0 : index
    %swap3A_8 = arith.constant 0 : index
    %swap3A_9 = vector.load %arg4[%swap3A, %swap3A_8] : memref<2000x128xf32, #tpu.memory_space<vmem>>, vector<2000x128xf32>
    tpu.vector_store %arg4[%swap3A, %swap3A_8], %dot_general3A_7 {strides = array<i32>} : memref<2000x128xf32, #tpu.memory_space<vmem>>, vector<2000x128xf32>,
    return
  }
  func.func @transform_0(%arg0: i32, %arg1: i32) -> (i32, i32) {
    %c0_i32 = arith.constant 0 : i32
    %c0_i32_0 = arith.constant 0 : i32
    return %arg1, %c0_i32 : i32, i32
  }
  func.func @transform_1(%arg0: i32, %arg1: i32) -> (i32, i32, i32) {
    %c0_i32 = arith.constant 0 : i32
    %c0_i32_0 = arith.constant 0 : i32
    %c0_i32_1 = arith.constant 0 : i32
    return %arg0, %c0_i32, %c0_i32_0 : i32, i32, i32
  }
  func.func @transform_2(%arg0: i32, %arg1: i32) -> (i32, i32) {
    %mul3A = arith.constant 5 : i32
    %mul3A_0 = arith.muli %arg0, %mul3A : i32
    %add3A = arith.addi %mul3A_0, %arg1 : i32
    %c0_i32 = arith.constant 0 : i32
    %c0_i32_1 = arith.constant 0 : i32
    return %add3A, %c0_i32 : i32, i32
  }
}

module attributes {stable_mosaic.version = 14 : i64} {
  func.func @_norm_body(%arg0: i32, %arg1: i32, %arg2: memref<2000x128xf32, #tpu.memory_space<vmem>>, %arg3: memref<2000x16xf32, #tpu.memory_space<vmem>>, %arg4: memref<2000x128xf32, #tpu.memory_space<vmem>>) attributes {dimension_semantics = [#tpu.dimension_semantics<arbitrary>, #tpu.dimension_semantics<arbitrary>], iteration_bounds = array<i64: 2, 5>, scalar_prefetch = 0 : i64, scratch_operands = 0 : i64, tpu.core_type = #tpu.core_type<tc>, window_params = [{transform_indices = @transform_0, window_bounds = array<i64: 2000, 128>}, {transform_indices = @transform_1, window_bounds = array<i64: 2000, 16>}, {transform_indices = @transform_2, window_bounds = array<i64: 2000, 128>}]} {
    %get3A = arith.constant 0 : index
    %get3A_0 = arith.constant 0 : index
    %get3A_1 = vector.load %arg2[%get3A, %get3A_0] : memref<2000x128xf32, #tpu.memory_space<vmem>>, vector<2000x128xf32>
    %get3A_2 = arith.constant 0 : index
    %get3A_3 = arith.constant 0 : index
    %get3A_4 = vector.load %arg3[%get3A_2, %get3A_3] : memref<2000x16xf32, #tpu.memory_space<vmem>>, vector<2000x16xf32>
    %slice3A = vector.extract_strided_slice %get3A_4 {offsets = [0, 0], sizes = [2000, 1], strides = [1, 1]} : vector<2000x16xf32> to vector<2000x1xf32>
    %max3A = arith.constant 9.99999971E-10 : f32
    %max3A_5 = vector.broadcast %max3A : f32 to vector<2000x1xf32>
    %max3A_6 = arith.maximumf %slice3A, %max3A_5 : vector<2000x1xf32>
    %div3A = arith.constant 1.000000e+00 : f32
    %div3A_7 = vector.broadcast %div3A : f32 to vector<2000x1xf32>
    %div3A_8 = arith.divf %div3A_7, %max3A_6 : vector<2000x1xf32>
    %slice3A_9 = vector.extract_strided_slice %get3A_4 {offsets = [0, 1], sizes = [2000, 1], strides = [1, 1]} : vector<2000x16xf32> to vector<2000x1xf32>
    %max3A_10 = arith.constant 9.99999971E-10 : f32
    %max3A_11 = vector.broadcast %max3A_10 : f32 to vector<2000x1xf32>
    %max3A_12 = arith.maximumf %slice3A_9, %max3A_11 : vector<2000x1xf32>
    %div3A_13 = arith.constant 1.000000e+00 : f32
    %div3A_14 = vector.broadcast %div3A_13 : f32 to vector<2000x1xf32>
    %div3A_15 = arith.divf %div3A_14, %max3A_12 : vector<2000x1xf32>
    %slice3A_16 = vector.extract_strided_slice %get3A_1 {offsets = [0, 0], sizes = [2000, 64], strides = [1, 1]} : vector<2000x128xf32> to vector<2000x64xf32>
    %mul3A = vector.broadcast %div3A_8 : vector<2000x1xf32> to vector<2000x64xf32>
    %mul3A_17 = arith.mulf %slice3A_16, %mul3A : vector<2000x64xf32>
    %slice3A_18 = vector.extract_strided_slice %get3A_1 {offsets = [0, 64], sizes = [2000, 64], strides = [1, 1]} : vector<2000x128xf32> to vector<2000x64xf32>
    %mul3A_19 = vector.broadcast %div3A_15 : vector<2000x1xf32> to vector<2000x64xf32>
    %mul3A_20 = arith.mulf %slice3A_18, %mul3A_19 : vector<2000x64xf32>
    %concatenate3A = tpu.concatenate %mul3A_17, %mul3A_20 in 1 : vector<2000x64xf32>, vector<2000x64xf32> -> vector<2000x128xf32>
    %swap3A = arith.constant 0 : index
    %swap3A_21 = arith.constant 0 : index
    %swap3A_22 = vector.load %arg4[%swap3A, %swap3A_21] : memref<2000x128xf32, #tpu.memory_space<vmem>>, vector<2000x128xf32>
    tpu.vector_store %arg4[%swap3A, %swap3A_21], %concatenate3A {strides = array<i32>} : memref<2000x128xf32, #tpu.memory_space<vmem>>, vector<2000x128xf32>,
    return
  }
  func.func @transform_0(%arg0: i32, %arg1: i32) -> (i32, i32) {
    %mul3A = arith.constant 5 : i32
    %mul3A_0 = arith.muli %arg0, %mul3A : i32
    %add3A = arith.addi %mul3A_0, %arg1 : i32
    %c0_i32 = arith.constant 0 : i32
    %c0_i32_1 = arith.constant 0 : i32
    return %add3A, %c0_i32 : i32, i32
  }
  func.func @transform_1(%arg0: i32, %arg1: i32) -> (i32, i32) {
    %mul3A = arith.constant 5 : i32
    %mul3A_0 = arith.muli %arg0, %mul3A : i32
    %add3A = arith.addi %mul3A_0, %arg1 : i32
    %c0_i32 = arith.constant 0 : i32
    %c0_i32_1 = arith.constant 0 : i32
    return %add3A, %c0_i32 : i32, i32
  }
  func.func @transform_2(%arg0: i32, %arg1: i32) -> (i32, i32) {
    %c0_i32 = arith.constant 0 : i32
    return %arg1, %arg0 : i32, i32
  }
}

</mosaic_0001>

<sc_bundles>
// kernel: kernel.10.cloned.1.call-start
scs
__scs_entry_jumppad:
0x0: {  	(pc) =	sbr.rel $0x88, $3  }
0x1: {  	(tag) =	ssettag $0x0;
	lr =	simm.s32 $0x1  }
0x2: {  	[smem:$0x3F9D] =	sst lr;
	_ =	strace $0xD0000000  }
0x3: {  	_ = 	snop  }
0x4: {  	_ = 	snop  }
0x5: {  	_ = 	snop  }
0x6: {  	_ = 	snop  }
0x7: {  	_ = 	snop  }
__scs_overlays_trampoline_lowered:
0x8: {  	[smem:$0x3FAC] =	sst s0  }
0x9: {  	[smem:$0x3FAD] =	sst s1  }
0xa: {  	[smem:$0x3FAE] =	sst s2  }
0xb: {  	[smem:$0x3FAF] =	sst s3  }
0xc: {  	[smem:$0x3FB0] =	sst s4  }
0xd: {  	[smem:$0x3FB1] =	sst s5  }
0xe: {  	[smem:$0x3FB2] =	sst s6  }
0xf: {  	[smem:$0x3FB3] =	sst s7  }
0x10: {  	[smem:$0x3FB4] =	sst s8  }
0x11: {  	[smem:$0x3FB5] =	sst s9;
	s0 =	simm.s32 @!p0 $0x0  }
0x12: {  	s1 =	sld [smem:$0x3F9B];
	s0 =	simm.s32 @p0 $0x1  }
0x13: {  	[smem:$0x3FB6] =	sst s0;
	s0 =	simm.s32 @!p1 $0x0  }
0x14: {  	s2 =	sld [smem:$0x3F9A];
	s0 =	simm.s32 @p1 $0x1  }
0x15: {  	[smem:$0x3FB7] =	sst s0;
	s0 =	simm.s32 @!p2 $0x0  }
0x16: {  	s3 =	sld [smem:$0x3FDB];
	s0 =	simm.s32 @p2 $0x1  }
0x17: {  	s4 =	simm.s32 $0x1BF5;
	[smem:$0x3FB9] =	sst s0  }
0x18: {  	s0 =	sld [smem:$0x3F9C];
	_ =	swait.ge [sflag:s4], $0x0  }
0x19: {  	s7 =	sld [smem:$0x3F9D]  }
0x1a: {  	s8 =	sadd.s32 $0xFFFFE003, lr  }
0x1b: {  	s9 =	sadd.s32 $0xFFFFFEF7, lr;
	s5 =	simm.s32 $0xFFFFFFFF;
	p2 =	slt.u32 s8, $0xFFFFF086  }
0x1c: {  	p1 =	slt.u32 s9, $0xF7A;
	s5 =	simm.s32 @!p2 $0x0  }
0x1d: {  	s5 =	simm.s32 @p1 $0x1;
	p0 =	seq.s32 s7, s2  }
0x1e: {  	s7 =	smul.u32 @!p0 $0xF7A, s2;
	p2 =	seq.s32 @!p0 s5, $0x0  }
0x1f: {  	s9 =	smul.u32 $0xF7A, s1;
	s8 =	simm.s32 @!p0 $0x1BF5;
	p2 =	por !p2, p0  }
0x20: {  	[sflag:s8] =	ssyncset.s32 @!p0 $0xFFFFF086;
	s6 =	sadd.s32 @!p0 s3, s7;
	s7 =	simm.s32 @!p0 $0x108  }
0x21: {  	s3 =	sadd.s32 s3, s9;
	s6 =	sadd.s32 @!p0 $0x88, s6;
	s7 =	simm.s32 @p2 $0x1082  }
0x22: {  	[simem:s7], [sflag:s8] =	dma.local @!p0 [hbm:s6], $0xF7A  }
0x23: {  	s9 =	sor.u32 $0xD0000000, s2;
	s6 =	simm.s32 $0x108;
	_ =	swait.ge @!p0 [sflag:s8], $0x0  }
0x24: {  	s3 =	sadd.s32 $0x88, s3;
	s6 =	simm.s32 @!p1 $0x1082;
	[sflag:s4] =	ssyncset.s32 $0xFFFFF086  }
0x25: {  	[simem:s6], [sflag:s4] =	dma.local [hbm:s3], $0xF7A  }
0x26: {  	[smem:$0x3F9D] =	sst s1;
	(tag) =	ssettag s2;
	_ =	strace s9  }
0x27: {  	s1 =	sld [smem:$0x3FAD]  }
0x28: {  	s2 =	sld [smem:$0x3FAE]  }
0x29: {  	s4 =	sld [smem:$0x3FB0]  }
0x2a: {  	p0 =	seq.s32 s5, $0x0;
	s5 =	sld [smem:$0x3FB1]  }
0x2b: {  	s6 =	sld [smem:$0x3FB2]  }
0x2c: {  	s7 =	sld [smem:$0x3FB3]  }
0x2d: {  	s3 =	simm.s32 $0x108;
	s8 =	sld [smem:$0x3FB4]  }
0x2e: {  	s3 =	simm.s32 @!p0 $0x1082;
	s9 =	sld [smem:$0x3FB5]  }
0x2f: {  	lr =	sadd.s32 s0, s3;
	s0 =	sld [smem:$0x3FAC]  }
0x30: {  	s3 =	sld [smem:$0x3FAF]  }
0x31: {  	[smem:$0x3FB8] =	sst s10  }
0x32: {  	s10 =	sld [smem:$0x3FB6];
	_ =	sdelay $0x3  }
0x33: {  	p0 =	seq.s32 s10, $0x1;
	s10 =	sld [smem:$0x3FB8];
	_ =	sdelay $0x3  }
0x34: {  	[smem:$0x3FB8] =	sst s10  }
0x35: {  	s10 =	sld [smem:$0x3FB7];
	_ =	sdelay $0x3  }
0x36: {  	p1 =	seq.s32 s10, $0x1;
	s10 =	sld [smem:$0x3FB8];
	_ =	sdelay $0x3  }
0x37: {  	[smem:$0x3FB8] =	sst s10  }
0x38: {  	s10 =	sld [smem:$0x3FB9]  }
0x39: {  	_ = 	snop;
	(pc) =	sbr.ind lr, $3  }
0x3a: {  	_ = 	snop  }
0x3b: {  	_ = 	snop  }
0x3c: {  	p2 =	seq.s32 s10, $0x1;
	s10 =	sld [smem:$0x3FB8]  }
0x3d: {  	_ =	shalt  }
0x3e: {  	_ =	shalt  }
0x3f: {  	_ =	shalt  }
0x40: {  	_ =	shalt  }
0x41: {  	_ =	shalt  }
0x42: {  	_ =	shalt  }
0x43: {  	_ =	shalt  }
0x44: {  	_ =	shalt  }
0x45: {  	_ =	shalt  }
0x46: {  	_ =	shalt  }
0x47: {  	_ =	shalt  }
0x48: {  	_ =	shalt  }
0x49: {  	_ =	shalt  }
0x4a: {  	_ =	shalt  }
0x4b: {  	_ =	shalt  }
0x4c: {  	_ =	shalt  }
0x4d: {  	_ =	shalt  }
0x4e: {  	_ =	shalt  }
0x4f: {  	_ =	shalt  }
0x50: {  	_ =	shalt  }
0x51: {  	_ =	shalt  }
0x52: {  	_ =	shalt  }
0x53: {  	_ =	shalt  }
0x54: {  	_ =	shalt  }
0x55: {  	_ =	shalt  }
0x56: {  	_ =	shalt  }
0x57: {  	_ =	shalt  }
0x58: {  	_ =	shalt  }
0x59: {  	_ =	shalt  }
0x5a: {  	_ =	shalt  }
0x5b: {  	_ =	shalt  }
0x5c: {  	_ =	shalt  }
0x5d: {  	_ =	shalt  }
0x5e: {  	_ =	shalt  }
0x5f: {  	_ =	shalt  }
0x60: {  	_ =	shalt  }
0x61: {  	_ =	shalt  }
0x62: {  	_ =	shalt  }
0x63: {  	_ =	shalt  }
0x64: {  	_ =	shalt  }
0x65: {  	_ =	shalt  }
0x66: {  	_ =	shalt  }
0x67: {  	_ =	shalt  }
0x68: {  	_ =	shalt  }
0x69: {  	_ =	shalt  }
0x6a: {  	_ =	shalt  }
0x6b: {  	_ =	shalt  }
0x6c: {  	_ =	shalt  }
0x6d: {  	_ =	shalt  }
0x6e: {  	_ =	shalt  }
0x6f: {  	_ =	shalt  }
0x70: {  	_ =	shalt  }
0x71: {  	_ =	shalt  }
0x72: {  	_ =	shalt  }
0x73: {  	_ =	shalt  }
0x74: {  	_ =	shalt  }
0x75: {  	_ =	shalt  }
0x76: {  	_ =	shalt  }
0x77: {  	_ =	shalt  }
0x78: {  	_ =	shalt  }
0x79: {  	_ =	shalt  }
0x7a: {  	_ =	shalt  }
0x7b: {  	_ =	shalt  }
0x7c: {  	_ =	shalt  }
0x7d: {  	_ =	shalt  }
0x7e: {  	_ =	shalt  }
0x7f: {  	_ =	shalt  }
0x80: {  	_ =	shalt  }
0x81: {  	_ =	shalt  }
0x82: {  	_ =	shalt  }
0x83: {  	_ =	shalt  }
0x84: {  	_ =	shalt  }
0x85: {  	_ =	shalt  }
0x86: {  	_ =	shalt  }
0x87: {  	_ =	shalt  }
.Lfunc_end0:
.L_simem_size_0:
called_computation.1_lowered:
.L_overlay_start_0:
0x88: {  	s2 =	sld [smem:$0x3FD9]  }
0x89: {  	s3 =	sld [smem:$0x3FFE];
	_ =	sdelay $0x1  }
0x8a: {  	s1 =	srdreg.scid  }
0x8b: {  	s0 =	sand.u32 $0x1, s1  }
0x8c: {  	s17 =	sshll.u32 s0, $0xA;
	s2 =	sadd.s32 s3, s2  }
0x8d: {  	s2 =	sadd.s32 s2, s17  }
0x8e: {  	[smem:$0x3FC4] =	sst s2  }
0x8f: {  	_ = 	snop  }
0x90: {  	s2 =	sld [smem:$0x3FD0];
	(tm) =	ssettm $0x1  }
0x91: {  	s18 =	sld [smem:$0x3FFB];
	_ =	sdelay $0x3  }
0x92: {  	_ =	strace s18  }
0x93: {  	s3 =	sld [smem:$0x3FFC];
	_ =	sdelay $0x3  }
0x94: {  	_ =	strace s3  }
0x95: {  	s3 =	sld [smem:$0x3FFD];
	_ =	sdelay $0x3  }
0x96: {  	_ =	strace s3  }
0x97: {  	_ =	strace $0x8FFFFFFF  }
0x98: {  	s19 =	sld [smem:$0x3FDB];
	_ =	sdelay $0x1  }
0x99: {  	s4 =	simm.s32 $_scs_section_size  }
0x9a: {  	s5 =	simm.s32 $_size__tile_overlayer_lowered;
	s6 =	simm.s32 $_tile_overlayer_lowered  }
0x9b: {  	s22 =	simm.s32 $0x1BFF;
	s21 =	sshll.u32 s6, $0x1;
	s3 =	sadd.s32 s4, s19  }
0x9c: {  	s7 =	simm.s32 $0x0;
	s20 =	sshll.u32 s5, $0x1;
	s5 =	sadd.s32 s21, s3  }
0x9d: {  	[timem:s7], [sflag:s22] =	dma.local [hbm:s5], s20  }
0x9e: {  	_ =	swait.ge [sflag:s22], s20  }
0x9f: {  	s4 =	ssub.s32 $0x0, s20;
	[sflag:s22] =	ssyncset.done $0x0  }
0xa0: {  	[sflag:s22] =	ssyncadd.s32 s4;
	_ =	sdelay $0x1  }
0xa1: {  	s23 =	simm.s32 $0x1B8B  }
0xa2: {  	_ =	swait.ge [sflag:s23], $0x1  }
0xa3: {  	[sflag:s23] =	ssyncset.done $0x0  }
0xa4: {  	s25 =	simm.s32 $0x1B8E;
	s24 =	sld [smem:$0x3FFE];
	[sflag:s23] =	ssyncadd.s32 $0xFFFFFFFF  }
0xa5: {  	s26 =	simm.s32 $execute0_lowered;
	[smem:$0x3FD2] =	sst s25  }
0xa6: {  	s5 =	sshll.u32 s26, $0x1;
	_ =	strace $0x80000049;
	[dreg:$0x1] =	wrdreg $0xFFFFFFFF  }
0xa7: {  	s28 =	simm.s32 $_size_execute0_lowered;
	s3 =	sadd.s32 s3, s5;
	[dreg:$0x0] =	wrdreg $0x0  }
0xa8: {  	s5 =	sshll.u32 s28, $0x1;
	[dreg:$0x2] =	wrdreg s3  }
0xa9: {  	[dreg:$0x3] =	wrdreg s5  }
0xaa: {  	[dreg:$0x4] =	wrdreg $0xC0  }
0xab: {  	_ =	task [dreg:s7], $0x5FFFF  }
0xac: {  	[dreg:$0x1] =	wrdreg $0xFFFFFFFF  }
0xad: {  	[dreg:$0x0] =	wrdreg $0x60  }
0xae: {  	[dreg:$0x2] =	wrdreg s24  }
0xaf: {  	[dreg:$0x3] =	wrdreg s2  }
0xb0: {  	[dreg:$0x4] =	wrdreg $0x5D000  }
0xb1: {  	[dreg:$0x5] =	wrdreg $0x9  }
0xb2: {  	_ =	task.clear_ibuf [dreg:s7], $0x6FFFF;
	_ =	strace $0x90000049  }
0xb3: {  	s29 =	simm.s32 $0x9;
	_ =	strace $0x8000004B  }
0xb4: {  	_ =	swait.ge [sflag:s29], $0x1  }
0xb5: {  	[sflag:s29] =	ssyncadd.s32 $0xFFFFFFFF  }
0xb6: {  	_ =	strace $0x9000004B  }
0xb7: {  	_ =	sfence  }
0xb8: {  	s30 =	sld [smem:$0x0];
	_ =	sdelay $0x2  }
0xb9: {  	s31 =	sshll.u32 s1, $0xD;
	s1 =	sshrl.u32 s1, $0x2  }
0xba: {  	s3 =	sand.u32 $0x4000, s31;
	s1 =	sadd.s32 s1, s30  }
0xbb: {  	s0 =	sor.u32 s3, s0;
	s1 =	sshll.u32 s1, $0x11  }
0xbc: {  	s0 =	sor.u32 s1, s0  }
0xbd: {  	s0 =	sadd.s32 $0x8F2B, s0  }
0xbe: {  	[sflag:s0] =	ssyncadd.remote.s32 $0x1  }
0xbf: {  	_ =	sfence.sel $0xFFFF  }
0xc0: {  	[dreg:$0x0] =	wrdreg $0xFFFFFFFF;
	(pc) =	sbr.abs _section_cstart, $3  }
0xc1: {  	[dreg:$0x1] =	wrdreg $0xFFFFFFFF  }
0xc2: {  	_ =	task.clear_ibuf [dreg:s7], $0x2FFFF;
	_ =	strace $0x9FFFFFFF  }
0xc3: {  	(tm) =	ssettm $0x7FFFFFFF  }
tec
execute0_lowered:
.L_overlay_start_1:
0x0: {  	(tag) =	ssettag $0x1  }
0x1: {  	s10 =	rddreg [dreg:$0x0]  }
0x2: {  	s2 =	rddreg [dreg:$0x1];
	s0 =	stileid.u32  }
0x3: {  	s3 =	rddreg [dreg:$0x2];
	s5 =	simm.s32 $0x0;
	s1 =	srdreg.scid  }
0x4: {  	s4 =	smul.u32 $0x2710, s0;
	[smem:$0x7FF] =	sst s5  }
0x5: {  	s6 =	sadd.s32 $0x7200, s10;
	s7 =	sadd.s32 $0x2200, s10;
	s12 =	sand.u32 $0x1, s1  }
0x6: {  	s8 =	sadd.s32 $0x1B000, s10;
	s15 =	sadd.s32 $0x2EC00, s10;
	s16 =	smul.u32 $0x50, s0  }
0x7: {  	s23 =	sadd.s32 $0x10, s0;
	s31 =	sadd.s32 $0x20, s0;
	_ =	strace $0x8000004A  }
0x8: {  	s1 =	smul.u32 $0x2710, s12;
	s14 =	ssub.s32 $0x2, s12;
	p1 =	sgt.s32 s23, $0x7C  }
0x9: {  	p0 =	sgt.s32 s31, $0x7C;
	s11 =	sadd.s32 $0x26C0, s4;
	s17 =	sshrl.u32 s14, $0x1  }
0xa: {  	s9 =	smulhi.u32 $0xCCCCCCCD, s11;
	s14 =	ssub.s32 s14, s17;
	s20 =	sadd.s32 s1, s16  }
0xb: {  	s18 =	sshrl.u32 s11, $0x3;
	s21 =	sshll.u32 s20, $0x4;
	s20 =	smul.u32 $0xA000, s0  }
0xc: {  	s13 =	sshrl.u32 s9, $0x6;
	s9 =	sadd.s32 $0x24E00, s10;
	s10 =	smul.u32 $0x27100, s12  }
0xd: {  	s12 =	sadd.s32 s6, s18;
	s22 =	sadd.s32 $0x5000, s21;
	s24 =	sadd.s32 $0xA000, s21  }
0xe: {  	s17 =	sadd.s32 $0xF000, s21;
	s18 =	sadd.s32 $0x14000, s21;
	s28 =	sadd.s32 $0x19000, s21  }
0xf: {  	s29 =	sadd.s32 $0x1E000, s21;
	s13 =	smul.u32 $0x50, s13;
	[dreg:$0x4] =	wrdreg s12  }
0x10: {  	s16 =	sand.u32 $0x1FFFFF00, s22;
	s17 =	sand.u32 $0x1FFFFF00, s17;
	s26 =	sand.u32 $0x1FFFFF00, s18  }
0x11: {  	s18 =	sadd.s32 $0x60, s0;
	s22 =	smax.u32 s14, $0x1;
	s23 =	sshra.s32 s20, $0x2  }
0x12: {  	s11 =	sadd.s32 s10, s11;
	s16 =	sadd.s32 s15, s16;
	s25 =	sadd.s32 s15, s17  }
0x13: {  	s17 =	sand.u32 $0x1FFFFF00, s29;
	p5 =	sgt.s32 s18, $0x7C;
	[dreg:$0x10] =	wrdreg s22  }
0x14: {  	s29 =	sadd.s32 $0x320000, s20;
	s19 =	sshrl.u32 s13, $0x3;
	s11 =	sshrl.u32 s11, $0x3  }
0x15: {  	s13 =	sand.u32 $0x1FFFFF00, s21;
	[dreg:$0x7] =	wrdreg s16;
	s16 =	sand.u32 $0x1FFFFF00, s24  }
0x16: {  	[dreg:$0x9] =	wrdreg s25;
	s30 =	sadd.s32 s15, s17;
	s17 =	sadd.s32 $0x50, s0  }
0x17: {  	s24 =	sadd.s32 $0xA0000, s20;
	s25 =	sadd.s32 $0x140000, s20;
	s12 =	sadd.s32 s7, s19  }
0x18: {  	s13 =	sadd.s32 s15, s13;
	s16 =	sadd.s32 s15, s16;
	[dreg:$0xc] =	wrdreg s30  }
0x19: {  	p4 =	sgt.s32 s17, $0x7C;
	s19 =	sadd.s32 $0x70, s0;
	[dreg:$0x5] =	wrdreg s12  }
0x1a: {  	s14 =	sshra.s32 s25, $0x2;
	s17 =	sshra.s32 s29, $0x2;
	[dreg:$0x6] =	wrdreg s13  }
0x1b: {  	s30 =	sadd.s32 $0x3C0000, s20;
	s25 =	simm.s32 $0x0;
	[dreg:$0x8] =	wrdreg s16  }
0x1c: {  	s16 =	sadd.s32 s15, s26;
	s12 =	sadd.s32 $0x23000, s21;
	p6 =	sgt.s32 s19, $0x7C  }
0x1d: {  	s21 =	sadd.s32 s8, s11;
	s11 =	sadd.s32 s9, s11;
	s13 =	sshra.s32 s24, $0x2  }
0x1e: {  	s14 =	sadd.s32 s14, s3;
	s26 =	sadd.s32 $0x1E0000, s20;
	s17 =	sadd.s32 s17, s3  }
0x1f: {  	s18 =	sshra.s32 s30, $0x2;
	s19 =	sshll.u32 s0, $0xD;
	[dreg:$0xa] =	wrdreg s16  }
0x20: {  	s16 =	sand.u32 $0x1FFFFF00, s28;
	s12 =	sand.u32 $0x1FFFFF00, s12;
	[dreg:$0xe] =	wrdreg s21  }
0x21: {  	[dreg:$0xf] =	wrdreg s11;
	s11 =	sadd.s32 s23, s3;
	s13 =	sadd.s32 s13, s3  }
0x22: {  	s28 =	sadd.s32 $0x280000, s20;
	s18 =	sadd.s32 s18, s3;
	s19 =	sshra.s32 s19, $0x2  }
0x23: {  	s21 =	simm.s32 $0x2;
	s16 =	sadd.s32 s15, s16;
	s12 =	sadd.s32 s15, s12  }
0x24: {  	s15 =	sadd.s32 $0x30, s0;
	[dreg:$0xd] =	wrdreg s12;
	s12 =	simm.s32 @!p0 $0x0  }
0x25: {  	s24 =	sadd.s32 s19, s3;
	[dreg:$0xb] =	wrdreg s16;
	s12 =	simm.s32 @p0 $0x1  }
0x26: {  	s19 =	simm.s32 $0x1;
	p0 =	sgt.s32 s0, $0x7C;
	[smem:$0x7FB] =	sst s12  }
0x27: {  	s16 =	sadd.s32 $0x40, s0;
	s11 =	sshrl.u32 @!p0 s11, $0x3;
	s31 =	sld [smem:$0x7FB]  }
0x28: {  	p3 =	sgt.s32 s15, $0x7C;
	[dreg:$0x11] =	wrdreg s11;
	s11 =	simm.s32 @!p1 $0x0  }
0x29: {  	s15 =	sshra.s32 s26, $0x2;
	p2 =	sgt.s32 s16, $0x7C;
	s11 =	simm.s32 @p1 $0x1  }
0x2a: {  	[smem:$0x7FA] =	sst s11;
	s11 =	sshrl.u32 @!p1 s13, $0x3;
	p1 =	seq.s32 s31, $0x1  }
0x2b: {  	s15 =	sadd.s32 s15, s3;
	[dreg:$0x12] =	wrdreg s11;
	s11 =	sshrl.u32 @!p1 s14, $0x3  }
0x2c: {  	s16 =	sshra.s32 s28, $0x2;
	[dreg:$0x13] =	wrdreg s11;
	s11 =	simm.s32 @!p3 $0x0  }
0x2d: {  	s16 =	sadd.s32 s16, s3;
	s12 =	sadd.s32 $0x460000, s20;
	s11 =	simm.s32 @p3 $0x1  }
0x2e: {  	s20 =	simm.s32 $0x500;
	[smem:$0x7FC] =	sst s11;
	s11 =	sshrl.u32 @!p3 s15, $0x3  }
0x2f: {  	s12 =	sshra.s32 s12, $0x2;
	[dreg:$0x14] =	wrdreg s11;
	s11 =	simm.s32 @!p2 $0x0  }
0x30: {  	s12 =	sadd.s32 s12, s3;
	s13 =	simm.s32 $0x5;
	s11 =	simm.s32 @p2 $0x1  }
0x31: {  	s14 =	simm.s32 $0x140;
	[smem:$0x7FD] =	sst s11;
	s11 =	sshrl.u32 @!p2 s16, $0x3  }
0x32: {  	s15 =	simm.s32 $0x280;
	[dreg:$0x15] =	wrdreg s11;
	s11 =	sshrl.u32 @!p4 s17, $0x3  }
0x33: {  	s16 =	simm.s32 $0x3C0;
	[dreg:$0x16] =	wrdreg s11;
	s11 =	sshrl.u32 @!p5 s18, $0x3  }
0x34: {  	s17 =	simm.s32 $0x50;
	[dreg:$0x17] =	wrdreg s11;
	s11 =	sshrl.u32 @!p6 s12, $0x3  }
0x35: {  	v1 =	vimm.f32 $0.0e+00;
	v0 =	vmov s1;
	s18 =	simm.s32 $0x2D00;
	s12 =	smul.u32 $0x7D, s0;
	[dreg:$0x18] =	wrdreg s11  }
.LBB2_1:
0x36: {  	s1 =	simm.s32 $0x0;
	s11 =	simm.s32 $0x200  }
.LBB2_2:
0x37: {  	p1 =	sne.s32 s11, $0x1E00;
	[tilespmem:s1+$0x5570] =	vst v1  }
0x38: {  	[tilespmem:s1+$0x5500] =	vst v1  }
0x39: {  	[tilespmem:s1+$0x5510] =	vst v1  }
.Ltmp0:
0x3a: {  	[tilespmem:s1+$0x5520] =	vst v1;
	(pc) =	sbr.rel @p1 .LBB2_2-.Ltmp0, $4  }
0x3b: {  	[tilespmem:s1+$0x5530] =	vst v1  }
0x3c: {  	[tilespmem:s1+$0x5540] =	vst v1  }
0x3d: {  	[tilespmem:s1+$0x5550] =	vst v1  }
0x3e: {  	[tilespmem:s1+$0x5560] =	vst v1;
	s1 =	sshra.s32 s11, $0x2;
	s11 =	sadd.s32 $0x200, s11  }
0x3f: {  	[tilespmem:s1+$0x5570] =	vst v1  }
0x40: {  	[tilespmem:s1+$0x5500] =	vst v1  }
0x41: {  	[tilespmem:s1+$0x5510] =	vst v1  }
0x42: {  	[tilespmem:s1+$0x5520] =	vst v1  }
0x43: {  	[tilespmem:s1+$0x5530] =	vst v1  }
0x44: {  	[tilespmem:s1+$0x5540] =	vst v1;
	s11 =	sadd.s32 $0x0, s0  }
0x45: {  	[tilespmem:s1+$0x5550] =	vst v1;
	p1 =	sgt.s32 s11, $0x270  }
0x46: {  	[tilespmem:s1+$0x5560] =	vst v1;
	s1 =	simm.s32 @!p1 $0x5500;
	s26 =	simm.s32 @!p1 $0x5  }
0x47: {  	[spmem:s24] =	stream.linear.scatter @!p1 [tilespmem:s1], [sflag:$0x5], $0x800, $0x38;
	[tilespmem:$0x19580] =	vst v63  }
0x48: {  	s22 =	simm.s32 $0x20;
	_ =	swait.ge @!p1 [sflag:s26], $0x800  }
0x49: {  	s11 =	simm.s32 $0x10;
	s1 =	sadd.s32 $0x8000, s24;
	[sflag:s26] =	ssyncset.done @!p1 $0x0  }
.LBB2_4:
0x4a: {  	s28 =	sadd.s32 s11, s0;
	s11 =	smov.u32 s22;
	s22 =	sadd.s32 $0x10, s22  }
0x4b: {  	[sflag:s26] =	ssyncadd.s32 @!p1 $0xFFFFF800;
	p2 =	sne.s32 s22, $0x280  }
.Ltmp1:
0x4c: {  	p1 =	sgt.s32 s28, $0x270;
	(pc) =	sbr.rel @p2 .LBB2_4-.Ltmp1, $4  }
0x4d: {  	s28 =	simm.s32 @!p1 $0x5500;
	s26 =	simm.s32 @!p1 $0x5  }
0x4e: {  	[spmem:s1] =	stream.linear.scatter @!p1 [tilespmem:s28], [sflag:$0x5], $0x800, $0x38;
	[tilespmem:$0x19580] =	vst v63  }
0x4f: {  	_ =	swait.ge @!p1 [sflag:s26], $0x800  }
0x50: {  	s1 =	sadd.s32 $0x8000, s1;
	[sflag:s26] =	ssyncset.done @!p1 $0x0  }
0x51: {  	s11 =	sadd.s32 s11, s0  }
0x52: {  	p2 =	sgt.s32 s11, $0x270  }
0x53: {  	[sflag:s26] =	ssyncadd.s32 @!p1 $0xFFFFF800;
	s11 =	simm.s32 @!p2 $0x5500;
	s22 =	simm.s32 @!p2 $0x5  }
0x54: {  	[spmem:s1] =	stream.linear.scatter @!p2 [tilespmem:s11], [sflag:$0x5], $0x800, $0x38;
	[tilespmem:$0x19580] =	vst v63  }
0x55: {  	_ =	swait.ge @!p2 [sflag:s22], $0x800  }
0x56: {  	[sflag:s22] =	ssyncset.done @!p2 $0x0  }
0x57: {  	[sflag:s22] =	ssyncadd.s32 @!p2 $0xFFFFF800  }
0x58: {  	s26 =	simm.s32 $0x0;
	s28 =	simm.s32 $0x0;
	[bflag:$0x0] =	sbarrier.arrive $0xFFFF  }
.LBB2_6:
0x59: {  	p1 =	seq.s32 s28, $0x0  }
0x5a: {  	s1 =	simm.s32 @!p1 $0x3  }
0x5b: {  	_ =	swait.ge @!p1 [sflag:s1], $0x2800  }
0x5c: {  	s11 =	smul.u32 $0x140, s28;
	[sflag:s1] =	ssyncset.done @!p1 $0x0  }
0x5d: {  	[sflag:s1] =	ssyncadd.s32 @!p1 $0xFFFFD800;
	s1 =	simm.s32 @!p1 $0x4  }
0x5e: {  	s22 =	sshll.u32 s28, $0x2;
	s11 =	sadd.s32 s4, s11;
	_ =	swait.ge @!p1 [sflag:s1], $0x2800  }
0x5f: {  	s30 =	sadd.s32 s12, s22;
	s29 =	sshrl.u32 s11, $0x3;
	[sflag:s1] =	ssyncset.done @!p1 $0x0  }
0x60: {  	s23 =	sadd.s32 s6, s29;
	[sflag:s1] =	ssyncadd.s32 @!p1 $0xFFFFD800;
	s1 =	smul.u32 $0x50, s30  }
0x61: {  	[tilespmem:s26], [sflag:$0x5] =	stream.linear.gather [hbm4b:s23+s26], $0x140, $0x38;
	[tilespmem:$0x19580] =	vst v63  }
0x62: {  	_ =	swait.ge [sflag:s13], $0x140  }
0x63: {  	s1 =	sshrl.u32 s1, $0x3;
	[sflag:s13] =	ssyncset.done $0x0  }
0x64: {  	s1 =	sadd.s32 s7, s1;
	[sflag:s13] =	ssyncadd.s32 $0xFFFFFEC0  }
0x65: {  	[tilespmem:s14], [sflag:$0x5] =	stream.linear.gather [hbm4b:s1+s26], $0x140, $0x38;
	[tilespmem:$0x19580] =	vst v63  }
0x66: {  	s29 =	sadd.s32 s10, s11;
	_ =	swait.ge [sflag:s13], $0x140  }
0x67: {  	s1 =	sshrl.u32 s29, $0x3;
	[sflag:s13] =	ssyncset.done $0x0  }
0x68: {  	s30 =	sadd.s32 s8, s1;
	[sflag:s13] =	ssyncadd.s32 $0xFFFFFEC0  }
0x69: {  	[tilespmem:s15], [sflag:$0x5] =	stream.linear.gather [hbm4b:s30+s26], $0x140, $0x38;
	[tilespmem:$0x19580] =	vst v63  }
0x6a: {  	_ =	swait.ge [sflag:s13], $0x140  }
0x6b: {  	[sflag:s13] =	ssyncset.done $0x0  }
0x6c: {  	s1 =	sadd.s32 s9, s1;
	[sflag:s13] =	ssyncadd.s32 $0xFFFFFEC0  }
0x6d: {  	[tilespmem:s16], [sflag:$0x5] =	stream.linear.gather [hbm4b:s1+s26], $0x140, $0x38;
	[tilespmem:$0x19580] =	vst v63  }
0x6e: {  	_ =	swait.ge [sflag:s13], $0x140  }
0x6f: {  	[sflag:s13] =	ssyncset.done $0x0  }
0x70: {  	[sflag:s13] =	ssyncadd.s32 $0xFFFFFEC0  }
0x71: {  	v2 =	vld [tilespmem:$0x0]  }
0x72: {  	v3 =	vld [tilespmem:$0x10]  }
0x73: {  	v4 =	vld [tilespmem:$0x20]  }
0x74: {  	v5 =	vld [tilespmem:$0x30]  }
0x75: {  	v6 =	vld [tilespmem:$0x40]  }
0x76: {  	v7 =	vld [tilespmem:$0x50];
	v2 =	vadd.s32 v0, v2  }
0x77: {  	[tilespmem:$0x0] =	vst v2;
	v2 =	vadd.s32 v0, v3;
	v3 =	vld [tilespmem:$0x60]  }
0x78: {  	v53 =	vld [tilespmem:$0x70];
	[tilespmem:$0x10] =	vst v2;
	v2 =	vadd.s32 v0, v4  }
0x79: {  	v54 =	vld [tilespmem:$0x80];
	[tilespmem:$0x20] =	vst v2;
	v2 =	vadd.s32 v0, v5  }
0x7a: {  	v55 =	vld [tilespmem:$0x90];
	[tilespmem:$0x30] =	vst v2;
	v2 =	vadd.s32 v0, v6  }
0x7b: {  	v56 =	vld [tilespmem:$0xA0];
	[tilespmem:$0x40] =	vst v2;
	v2 =	vadd.s32 v0, v7  }
0x7c: {  	[tilespmem:$0x50] =	vst v2;
	v2 =	vadd.s32 v0, v3;
	v3 =	vld [tilespmem:$0xB0]  }
0x7d: {  	v57 =	vld [tilespmem:$0xC0];
	[tilespmem:$0x60] =	vst v2;
	v2 =	vadd.s32 v0, v53  }
0x7e: {  	v58 =	vld [tilespmem:$0xD0];
	[tilespmem:$0x70] =	vst v2;
	v2 =	vadd.s32 v0, v54  }
0x7f: {  	v59 =	vld [tilespmem:$0xE0];
	[tilespmem:$0x80] =	vst v2;
	v2 =	vadd.s32 v0, v55  }
0x80: {  	v60 =	vld [tilespmem:$0xF0];
	[tilespmem:$0x90] =	vst v2;
	v2 =	vadd.s32 v0, v56  }
0x81: {  	[tilespmem:$0xA0] =	vst v2;
	v2 =	vadd.s32 v0, v3;
	v3 =	vld [tilespmem:$0x100]  }
0x82: {  	v61 =	vld [tilespmem:$0x110];
	[tilespmem:$0xB0] =	vst v2;
	v2 =	vadd.s32 v0, v57  }
0x83: {  	v62 =	vld [tilespmem:$0x120];
	[tilespmem:$0xC0] =	vst v2;
	v2 =	vadd.s32 v0, v58  }
0x84: {  	v63 =	vld [tilespmem:$0x130];
	[tilespmem:$0xD0] =	vst v2;
	v2 =	vadd.s32 v0, v59  }
0x85: {  	[tilespmem:$0xE0] =	vst v2;
	v2 =	vadd.s32 v0, v60  }
0x86: {  	[tilespmem:$0xF0] =	vst v2;
	v2 =	vadd.s32 v0, v3  }
0x87: {  	[tilespmem:$0x100] =	vst v2;
	v2 =	vadd.s32 v0, v61  }
0x88: {  	[tilespmem:$0x110] =	vst v2;
	v2 =	vadd.s32 v0, v62  }
0x89: {  	[tilespmem:$0x120] =	vst v2;
	v2 =	vadd.s32 v0, v63  }
0x8a: {  	p2 =	por $0x1, $0x1;
	p3 =	por $0x0, $0x0;
	s31 =	simm.s32 $0x0;
	[tilespmem:$0x130] =	vst v2  }
.LBB2_7:
0x8b: {  	s1 =	simm.s32 @p3 $0x3  }
0x8c: {  	_ =	swait.ge @p3 [sflag:s1], $0x2800  }
0x8d: {  	s11 =	simm.s32 @p3 $0xA0;
	[sflag:s1] =	ssyncset.done @p3 $0x0  }
0x8e: {  	s22 =	simm.s32 @p3 $0x500;
	[sflag:s1] =	ssyncadd.s32 @p3 $0xFFFFD800;
	s1 =	simm.s32 @p3 $0x50  }
0x8f: {  	[tilespmem:s22], [sflag:$0x1] =	stream.indirect.gather @p3 [hbm4b:s2+s1], $0x80, s11, s1, $0xb8;
	[tilespmem:$0x19580] =	vst v63  }
0x90: {  	s30 =	simm.s32 @!p3 $0x0;
	s1 =	simm.s32 @p3 $0x4  }
0x91: {  	s30 =	simm.s32 @p3 $0xA0;
	_ =	swait.ge @p3 [sflag:s1], $0x2800  }
0x92: {  	s23 =	sadd.s32 $0x0, s30;
	s11 =	simm.s32 @!p3 $0x50;
	[sflag:s1] =	ssyncset.done @p3 $0x0  }
0x93: {  	s22 =	simm.s32 @!p3 $0x500;
	[sflag:s1] =	ssyncadd.s32 @p3 $0xFFFFD800;
	s1 =	sshra.s32 @!p3 s31, $0x2  }
0x94: {  	v2 =	vmov s23;
	[tilespmem:s22], [sflag:$0x1] =	stream.indirect.gather @!p3 [hbm4b:s2+s11], $0x80, s1, s11, $0xb8;
	[tilespmem:$0x19580] =	vst v63  }
0x95: {  	s29 =	sor.u32 $0x50, s30;
	v2 =	vand.u32 $0xFFFFFFFE, v2  }
0x96: {  	v2 =	vbroadcast v2, $0x0;
	[tilespmem:s18], [sflag:$0x2] =	stream.indirect.gather [hbm4b:s2+s17], $0x80, s29, s17, $0xb8;
	[tilespmem:$0x19580] =	vst v63  }
0x97: {  	_ =	swait.ge [sflag:s19], $0x2800  }
0x98: {  	[sflag:s19] =	ssyncset.done $0x0  }
0x99: {  	s1 =	simm.s32 $0x580;
	[sflag:s19] =	ssyncadd.s32 $0xFFFFD800  }
0x9a: {  	v3 =	vld [tilespmem:s1+$0xFFFFFF90]  }
0x9b: {  	v4 =	vld [tilespmem:s1+$0xFFFFFF80]  }
0x9c: {  	v5 =	vld.idx.msk [tilespmem:v2+s15+$0x0], $0xffff  }
0x9d: {  	v6 =	vld.idx.msk [tilespmem:v2+s16+$0x0], $0xffff  }
0x9e: {  	v2 =	vld [tilespmem:s1+$0xFFFFFFC0]  }
0x9f: {  	v7 =	vld [tilespmem:s1+$0xFFFFFFB0]  }
0xa0: {  	v8 =	vld [tilespmem:s1+$0xFFFFFFA0]  }
0xa1: {  	v9 =	vld [tilespmem:s1+$0xFFFFFFF0];
	v4 =	vmul.f32 v4, v5  }
0xa2: {  	v10 =	vld [tilespmem:s1+$0xFFFFFFD0];
	v3 =	vmul.f32 v3, v5  }
0xa3: {  	v11 =	vld [tilespmem:s1+$0xFFFFFFE0];
	v2 =	vmul.f32 v2, v6;
	[tilespmem:s1+$0xFFFFFF80] =	vst v4  }
0xa4: {  	v4 =	vmul.f32 v7, v5;
	[tilespmem:s1+$0xFFFFFF90] =	vst v3  }
0xa5: {  	s23 =	sadd.s32 $0x1, s23;
	v5 =	vmul.f32 v8, v5;
	[tilespmem:s1+$0xFFFFFFC0] =	vst v2  }
0xa6: {  	v2 =	vld [tilespmem:s1+$0x0];
	v7 =	vmul.f32 v9, v6;
	v8 =	vmov s23;
	[tilespmem:s1+$0xFFFFFFB0] =	vst v4  }
0xa7: {  	v3 =	vld [tilespmem:s1+$0x10];
	v9 =	vmul.f32 v10, v6;
	[tilespmem:s1+$0xFFFFFFA0] =	vst v5  }
0xa8: {  	v5 =	vmul.f32 v11, v6;
	[tilespmem:s1+$0xFFFFFFF0] =	vst v7;
	v4 =	vld [tilespmem:s1+$0x50]  }
0xa9: {  	[tilespmem:s1+$0xFFFFFFD0] =	vst v9;
	v7 =	vld [tilespmem:s1+$0x40]  }
0xaa: {  	v6 =	vld [tilespmem:s1+$0x30];
	[tilespmem:s1+$0xFFFFFFE0] =	vst v5  }
0xab: {  	p1 =	por p2, p2;
	s22 =	simm.s32 $0x2;
	s11 =	simm.s32 $0x580;
	v5 =	vld.idx.msk [tilespmem:v8+s15+$0x0], $0xffff  }
.LBB2_8:
0xac: {  	p2 =	sne.s32 s22, $0x4E  }
0xad: {  	v8 =	vld.idx.msk [tilespmem:v8+s16+$0x0], $0xffff;
	s1 =	sadd.s32 $0x100, s1;
	s23 =	smov.u32 s22;
	s22 =	sadd.s32 $0x2, s22  }
0xae: {  	v9 =	vld [tilespmem:s11+$0x60]  }
0xaf: {  	v10 =	vld [tilespmem:s11+$0x20]  }
0xb0: {  	v11 =	vld [tilespmem:s11+$0x70];
	_ =	sdelay $0x1  }
0xb1: {  	v2 =	vmul.f32 v2, v5;
	v3 =	vmul.f32 v3, v5  }
0xb2: {  	s23 =	sadd.s32 s23, s30;
	v7 =	vmul.f32 v7, v8;
	v9 =	vmul.f32 v9, v8  }
0xb3: {  	v12 =	vmov s23;
	s23 =	sadd.s32 $0x1, s23;
	v4 =	vmul.f32 v4, v8;
	[tilespmem:s11+$0x0] =	vst v2;
	v10 =	vmul.f32 v10, v5  }
0xb4: {  	v12 =	vand.u32 $0xFFFFFFFE, v12;
	v5 =	vmul.f32 v6, v5;
	v2 =	vld [tilespmem:s1+$0x0];
	[tilespmem:s11+$0x40] =	vst v7;
	v6 =	vmul.f32 v11, v8  }
0xb5: {  	v7 =	vbroadcast v12, $0x0;
	[tilespmem:s11+$0x50] =	vst v4  }
0xb6: {  	v4 =	vld [tilespmem:s1+$0xFFFFFFA0];
	[tilespmem:s11+$0x30] =	vst v5  }
0xb7: {  	v5 =	vld [tilespmem:s1+$0xFFFFFFF0];
	[tilespmem:s11+$0x60] =	vst v9  }
0xb8: {  	v8 =	vld [tilespmem:s1+$0xFFFFFFB0];
	[tilespmem:s11+$0x10] =	vst v3  }
0xb9: {  	v9 =	vld [tilespmem:s1+$0xFFFFFF90];
	[tilespmem:s11+$0x20] =	vst v10  }
0xba: {  	v10 =	vld [tilespmem:s1+$0xFFFFFF80];
	[tilespmem:s11+$0x70] =	vst v6;
	s11 =	smov.u32 s1  }
0xbb: {  	v6 =	vld.idx.msk [tilespmem:v7+s15+$0x0], $0xffff  }
0xbc: {  	v7 =	vld.idx.msk [tilespmem:v7+s16+$0x0], $0xffff  }
0xbd: {  	v11 =	vld [tilespmem:s1+$0xFFFFFFC0]  }
0xbe: {  	v12 =	vld [tilespmem:s1+$0xFFFFFFE0]  }
0xbf: {  	v13 =	vld [tilespmem:s1+$0xFFFFFFD0]  }
0xc0: {  	v3 =	vld [tilespmem:s1+$0x10]  }
0xc1: {  	v10 =	vmul.f32 v10, v6;
	v9 =	vmul.f32 v9, v6  }
0xc2: {  	v8 =	vmul.f32 v8, v6;
	v11 =	vmul.f32 v11, v7  }
0xc3: {  	v5 =	vmul.f32 v5, v7;
	[tilespmem:s1+$0xFFFFFF80] =	vst v10;
	v10 =	vmul.f32 v12, v7  }
0xc4: {  	v4 =	vmul.f32 v4, v6;
	[tilespmem:s1+$0xFFFFFF90] =	vst v9;
	v7 =	vmul.f32 v13, v7  }
0xc5: {  	[tilespmem:s1+$0xFFFFFFC0] =	vst v11  }
0xc6: {  	[tilespmem:s1+$0xFFFFFFB0] =	vst v8;
	v8 =	vmov s23  }
.Ltmp2:
0xc7: {  	[tilespmem:s1+$0xFFFFFFA0] =	vst v4;
	(pc) =	sbr.rel @p2 .LBB2_8-.Ltmp2, $4  }
0xc8: {  	[tilespmem:s1+$0xFFFFFFF0] =	vst v5;
	v4 =	vld [tilespmem:s1+$0x50]  }
0xc9: {  	[tilespmem:s1+$0xFFFFFFD0] =	vst v7;
	v7 =	vld [tilespmem:s1+$0x40]  }
0xca: {  	[tilespmem:s1+$0xFFFFFFE0] =	vst v10;
	v6 =	vld [tilespmem:s1+$0x30]  }
0xcb: {  	v5 =	vld.idx.msk [tilespmem:v8+s15+$0x0], $0xffff  }
0xcc: {  	_ =	sdelay $0x3  }
0xcd: {  	v8 =	vld.idx.msk [tilespmem:v8+s16+$0x0], $0xffff;
	_ =	sdelay $0x2  }
0xce: {  	v9 =	vld [tilespmem:s11+$0x60]  }
0xcf: {  	v2 =	vmul.f32 v2, v5  }
0xd0: {  	v10 =	vld [tilespmem:s11+$0x20];
	v7 =	vmul.f32 v7, v8  }
0xd1: {  	v11 =	vld [tilespmem:s11+$0x70];
	[tilespmem:s11+$0x0] =	vst v2;
	v2 =	vmul.f32 v4, v8  }
0xd2: {  	v4 =	vmul.f32 v6, v5;
	[tilespmem:s11+$0x40] =	vst v7  }
0xd3: {  	v6 =	vmul.f32 v9, v8;
	[tilespmem:s11+$0x50] =	vst v2  }
0xd4: {  	v2 =	vmul.f32 v3, v5;
	[tilespmem:s11+$0x30] =	vst v4  }
0xd5: {  	s22 =	sadd.s32 $0xFFFFFFB0, s30;
	v3 =	vmul.f32 v10, v5;
	[tilespmem:s11+$0x60] =	vst v6  }
0xd6: {  	s1 =	sadd.s32 $0xA0, s22;
	v4 =	vmul.f32 v11, v8;
	[tilespmem:s11+$0x10] =	vst v2  }
0xd7: {  	s23 =	sshra.s32 s31, $0x2;
	[tilespmem:s11+$0x20] =	vst v3;
	v2 =	vmov s1  }
0xd8: {  	[tilespmem:s11+$0x70] =	vst v4;
	s11 =	sadd.s32 $0x140, s23;
	v2 =	vand.u32 $0xFFFFFFFE, v2  }
0xd9: {  	[spmem:s3] =	stream.indirect.scatter.add.f32 [tilespmem:s20], [sflag:$0x3], $0x80, s11, s17, $0xb8;
	v2 =	vbroadcast v2, $0x0;
	[tilespmem:$0x19580] =	vst v63  }
0xda: {  	_ =	swait.ge [sflag:s21], $0x2800  }
0xdb: {  	[sflag:s21] =	ssyncset.done $0x0  }
0xdc: {  	s1 =	simm.s32 $0x2D80;
	[sflag:s21] =	ssyncadd.s32 $0xFFFFD800  }
0xdd: {  	v3 =	vld [tilespmem:s1+$0xFFFFFF90]  }
0xde: {  	v4 =	vld [tilespmem:s1+$0xFFFFFF80]  }
0xdf: {  	v5 =	vld.idx.msk [tilespmem:v2+s15+$0x0], $0xffff  }
0xe0: {  	v6 =	vld.idx.msk [tilespmem:v2+s16+$0x0], $0xffff  }
0xe1: {  	v2 =	vld [tilespmem:s1+$0xFFFFFFC0]  }
0xe2: {  	v7 =	vld [tilespmem:s1+$0xFFFFFFB0]  }
0xe3: {  	v8 =	vld [tilespmem:s1+$0xFFFFFFA0]  }
0xe4: {  	v9 =	vld [tilespmem:s1+$0xFFFFFFF0];
	v4 =	vmul.f32 v4, v5  }
0xe5: {  	v10 =	vld [tilespmem:s1+$0xFFFFFFD0];
	v3 =	vmul.f32 v3, v5  }
0xe6: {  	v11 =	vld [tilespmem:s1+$0xFFFFFFE0];
	v2 =	vmul.f32 v2, v6;
	[tilespmem:s1+$0xFFFFFF80] =	vst v4  }
0xe7: {  	v4 =	vmul.f32 v7, v5;
	[tilespmem:s1+$0xFFFFFF90] =	vst v3  }
0xe8: {  	s23 =	sadd.s32 $0xA1, s22;
	v5 =	vmul.f32 v8, v5;
	[tilespmem:s1+$0xFFFFFFC0] =	vst v2  }
0xe9: {  	v2 =	vld [tilespmem:s1+$0x0];
	v7 =	vmul.f32 v9, v6;
	v8 =	vmov s23;
	[tilespmem:s1+$0xFFFFFFB0] =	vst v4  }
0xea: {  	v3 =	vld [tilespmem:s1+$0x10];
	v9 =	vmul.f32 v10, v6;
	[tilespmem:s1+$0xFFFFFFA0] =	vst v5  }
0xeb: {  	v5 =	vmul.f32 v11, v6;
	[tilespmem:s1+$0xFFFFFFF0] =	vst v7;
	v4 =	vld [tilespmem:s1+$0x50]  }
0xec: {  	[tilespmem:s1+$0xFFFFFFD0] =	vst v9;
	v7 =	vld [tilespmem:s1+$0x40]  }
0xed: {  	v6 =	vld [tilespmem:s1+$0x30];
	[tilespmem:s1+$0xFFFFFFE0] =	vst v5  }
0xee: {  	s31 =	simm.s32 $0xFFFFFFB2;
	s11 =	simm.s32 $0x2D80;
	v5 =	vld.idx.msk [tilespmem:v8+s15+$0x0], $0xffff  }
.LBB2_10:
0xef: {  	p2 =	sne.s32 s31, $0xFFFFFFFE  }
0xf0: {  	v8 =	vld.idx.msk [tilespmem:v8+s16+$0x0], $0xffff;
	s1 =	sadd.s32 $0x100, s1;
	s22 =	smov.u32 s31;
	s31 =	sadd.s32 $0x2, s31  }
0xf1: {  	v9 =	vld [tilespmem:s11+$0x60]  }
0xf2: {  	v10 =	vld [tilespmem:s11+$0x20]  }
0xf3: {  	v11 =	vld [tilespmem:s11+$0x70];
	_ =	sdelay $0x1  }
0xf4: {  	s22 =	sadd.s32 s22, s30;
	v2 =	vmul.f32 v2, v5;
	v3 =	vmul.f32 v3, v5  }
0xf5: {  	s23 =	sadd.s32 $0xA0, s22;
	s22 =	sadd.s32 $0xA1, s22;
	v7 =	vmul.f32 v7, v8;
	v9 =	vmul.f32 v9, v8  }
0xf6: {  	v12 =	vmov s23;
	v4 =	vmul.f32 v4, v8;
	[tilespmem:s11+$0x0] =	vst v2;
	v10 =	vmul.f32 v10, v5  }
0xf7: {  	v12 =	vand.u32 $0xFFFFFFFE, v12;
	v5 =	vmul.f32 v6, v5;
	v2 =	vld [tilespmem:s1+$0x0];
	[tilespmem:s11+$0x40] =	vst v7;
	v6 =	vmul.f32 v11, v8  }
0xf8: {  	v7 =	vbroadcast v12, $0x0;
	[tilespmem:s11+$0x50] =	vst v4  }
0xf9: {  	v4 =	vld [tilespmem:s1+$0xFFFFFFA0];
	[tilespmem:s11+$0x30] =	vst v5  }
0xfa: {  	v5 =	vld [tilespmem:s1+$0xFFFFFFF0];
	[tilespmem:s11+$0x60] =	vst v9  }
0xfb: {  	v8 =	vld [tilespmem:s1+$0xFFFFFFB0];
	[tilespmem:s11+$0x10] =	vst v3  }
0xfc: {  	v9 =	vld [tilespmem:s1+$0xFFFFFF90];
	[tilespmem:s11+$0x20] =	vst v10  }
0xfd: {  	v10 =	vld [tilespmem:s1+$0xFFFFFF80];
	[tilespmem:s11+$0x70] =	vst v6;
	s11 =	smov.u32 s1  }
0xfe: {  	v6 =	vld.idx.msk [tilespmem:v7+s15+$0x0], $0xffff  }
0xff: {  	v7 =	vld.idx.msk [tilespmem:v7+s16+$0x0], $0xffff  }
0x100: {  	v11 =	vld [tilespmem:s1+$0xFFFFFFC0]  }
0x101: {  	v12 =	vld [tilespmem:s1+$0xFFFFFFE0]  }
0x102: {  	v13 =	vld [tilespmem:s1+$0xFFFFFFD0]  }
0x103: {  	v3 =	vld [tilespmem:s1+$0x10]  }
0x104: {  	v10 =	vmul.f32 v10, v6;
	v9 =	vmul.f32 v9, v6  }
0x105: {  	v8 =	vmul.f32 v8, v6;
	v11 =	vmul.f32 v11, v7  }
0x106: {  	v5 =	vmul.f32 v5, v7;
	[tilespmem:s1+$0xFFFFFF80] =	vst v10;
	v10 =	vmul.f32 v12, v7  }
0x107: {  	v4 =	vmul.f32 v4, v6;
	[tilespmem:s1+$0xFFFFFF90] =	vst v9;
	v7 =	vmul.f32 v13, v7  }
0x108: {  	[tilespmem:s1+$0xFFFFFFC0] =	vst v11  }
0x109: {  	[tilespmem:s1+$0xFFFFFFB0] =	vst v8;
	v8 =	vmov s22  }
.Ltmp3:
0x10a: {  	[tilespmem:s1+$0xFFFFFFA0] =	vst v4;
	(pc) =	sbr.rel @p2 .LBB2_10-.Ltmp3, $4  }
0x10b: {  	[tilespmem:s1+$0xFFFFFFF0] =	vst v5;
	v4 =	vld [tilespmem:s1+$0x50]  }
0x10c: {  	[tilespmem:s1+$0xFFFFFFD0] =	vst v7;
	v7 =	vld [tilespmem:s1+$0x40]  }
0x10d: {  	[tilespmem:s1+$0xFFFFFFE0] =	vst v10;
	v6 =	vld [tilespmem:s1+$0x30]  }
0x10e: {  	v5 =	vld.idx.msk [tilespmem:v8+s15+$0x0], $0xffff  }
0x10f: {  	_ =	sdelay $0x3  }
0x110: {  	v8 =	vld.idx.msk [tilespmem:v8+s16+$0x0], $0xffff  }
0x111: {  	v9 =	vld [tilespmem:s11+$0x60];
	_ =	sdelay $0x1  }
0x112: {  	v11 =	vld [tilespmem:s11+$0x70];
	v2 =	vmul.f32 v2, v5  }
0x113: {  	v61 =	vmul.f32 v6, v5  }
0x114: {  	v10 =	vld [tilespmem:s11+$0x20];
	v7 =	vmul.f32 v7, v8;
	[tilespmem:s11+$0x0] =	vst v2  }
0x115: {  	v62 =	vmul.f32 v9, v8;
	[tilespmem:s11+$0x30] =	vst v61  }
0x116: {  	v2 =	vmul.f32 v4, v8;
	[tilespmem:s11+$0x40] =	vst v7  }
0x117: {  	v63 =	vmul.f32 v11, v8;
	[tilespmem:s11+$0x60] =	vst v62  }
.Ltmp4:
0x118: {  	[tilespmem:s11+$0x50] =	vst v2;
	v2 =	vmul.f32 v3, v5;
	(pc) =	sbr.rel @p1 .LBB2_7-.Ltmp4, $4  }
0x119: {  	[tilespmem:s11+$0x70] =	vst v63;
	v3 =	vmul.f32 v10, v5  }
0x11a: {  	s1 =	sadd.s32 $0x140, s29;
	[tilespmem:s11+$0x10] =	vst v2  }
0x11b: {  	s31 =	simm.s32 $0x280;
	p2 =	por $0x0, $0x0;
	p3 =	por $0x1, $0x1;
	[tilespmem:s11+$0x20] =	vst v3  }
0x11c: {  	[spmem:s3] =	stream.indirect.scatter.add.f32 [tilespmem:s18], [sflag:$0x4], $0x80, s1, s17, $0xb8;
	[tilespmem:$0x19580] =	vst v63  }
0x11d: {  	s28 =	sadd.s32 $0x1, s28  }
0x11e: {  	p1 =	sne.s32 s28, $0x1F  }
.Ltmp5:
0x11f: {  	_ = 	snop;
	(pc) =	sbr.rel @p1 .LBB2_6-.Ltmp5, $1  }
0x120: {  	_ =	sdelay $0x3  }
0x121: {  	s1 =	simm.s32 $0x3  }
0x122: {  	_ =	swait.ge [sflag:s1], $0x2800  }
0x123: {  	[sflag:s1] =	ssyncset.done $0x0  }
0x124: {  	s23 =	simm.s32 $0x4;
	[sflag:s1] =	ssyncadd.s32 $0xFFFFD800  }
0x125: {  	_ =	swait.ge [sflag:s23], $0x2800  }
0x126: {  	[sflag:s23] =	ssyncset.done $0x0  }
0x127: {  	s26 =	rddreg [dreg:$0x4];
	[sflag:s23] =	ssyncadd.s32 $0xFFFFD800  }
0x128: {  	[tilespmem:s5], [sflag:$0x5] =	stream.linear.gather [hbm4b:s26+s5], $0x50, $0x38;
	[tilespmem:$0x19580] =	vst v63  }
0x129: {  	_ =	swait.ge [sflag:s13], $0x50  }
0x12a: {  	[sflag:s13] =	ssyncset.done $0x0  }
0x12b: {  	s28 =	rddreg [dreg:$0x5];
	[sflag:s13] =	ssyncadd.s32 $0xFFFFFFB0  }
0x12c: {  	[tilespmem:s14], [sflag:$0x5] =	stream.linear.gather [hbm4b:s28+s5], $0x50, $0x38;
	[tilespmem:$0x19580] =	vst v63  }
0x12d: {  	_ =	swait.ge [sflag:s13], $0x50  }
0x12e: {  	[sflag:s13] =	ssyncset.done $0x0  }
0x12f: {  	s29 =	rddreg [dreg:$0xe];
	[sflag:s13] =	ssyncadd.s32 $0xFFFFFFB0  }
0x130: {  	[tilespmem:s15], [sflag:$0x5] =	stream.linear.gather [hbm4b:s29+s5], $0x50, $0x38;
	[tilespmem:$0x19580] =	vst v63  }
0x131: {  	_ =	swait.ge [sflag:s13], $0x50  }
0x132: {  	[sflag:s13] =	ssyncset.done $0x0  }
0x133: {  	s30 =	rddreg [dreg:$0xf];
	[sflag:s13] =	ssyncadd.s32 $0xFFFFFFB0  }
0x134: {  	[tilespmem:s16], [sflag:$0x5] =	stream.linear.gather [hbm4b:s30+s5], $0x50, $0x38;
	[tilespmem:$0x19580] =	vst v63  }
0x135: {  	_ =	swait.ge [sflag:s13], $0x50  }
0x136: {  	[sflag:s13] =	ssyncset.done $0x0  }
0x137: {  	[sflag:s13] =	ssyncadd.s32 $0xFFFFFFB0  }
0x138: {  	v2 =	vld [tilespmem:$0x0]  }
0x139: {  	v3 =	vld [tilespmem:$0x10]  }
0x13a: {  	v4 =	vld [tilespmem:$0x20]  }
0x13b: {  	v5 =	vld [tilespmem:$0x30]  }
0x13c: {  	v6 =	vld [tilespmem:$0x40]  }
0x13d: {  	v2 =	vadd.s32 v0, v2  }
0x13e: {  	[tilespmem:$0x0] =	vst v2;
	v2 =	vadd.s32 v0, v3  }
0x13f: {  	[tilespmem:$0x10] =	vst v2;
	v2 =	vadd.s32 v0, v4  }
0x140: {  	[tilespmem:$0x20] =	vst v2;
	v2 =	vadd.s32 v0, v5  }
0x141: {  	s31 =	simm.s32 $0x0;
	[tilespmem:$0x30] =	vst v2;
	v2 =	vadd.s32 v0, v6  }
0x142: {  	[tilespmem:$0x40] =	vst v2;
	v2 =	vmov s31  }
0x143: {  	s11 =	simm.s32 $0x1;
	v2 =	vand.u32 $0xFFFFFFFE, v2  }
0x144: {  	[tilespmem:s20], [sflag:$0x1] =	stream.indirect.gather [hbm4b:s2+s17], $0x80, s5, s17, $0xb8;
	v2 =	vbroadcast v2, $0x0;
	[tilespmem:$0x19580] =	vst v63  }
0x145: {  	_ =	swait.ge [sflag:s11], $0x2800  }
0x146: {  	[sflag:s11] =	ssyncset.done $0x0  }
0x147: {  	s1 =	simm.s32 $0x580;
	[sflag:s11] =	ssyncadd.s32 $0xFFFFD800  }
0x148: {  	v3 =	vld [tilespmem:s1+$0xFFFFFF90]  }
0x149: {  	v4 =	vld [tilespmem:s1+$0xFFFFFF80]  }
0x14a: {  	v5 =	vld.idx.msk [tilespmem:v2+s15+$0x0], $0xffff  }
0x14b: {  	v6 =	vld.idx.msk [tilespmem:v2+s16+$0x0], $0xffff  }
0x14c: {  	v2 =	vld [tilespmem:s1+$0xFFFFFFC0]  }
0x14d: {  	v7 =	vld [tilespmem:s1+$0xFFFFFFB0]  }
0x14e: {  	v8 =	vld [tilespmem:s1+$0xFFFFFFA0]  }
0x14f: {  	v9 =	vld [tilespmem:s1+$0xFFFFFFF0];
	v4 =	vmul.f32 v4, v5  }
0x150: {  	v10 =	vld [tilespmem:s1+$0xFFFFFFD0];
	v3 =	vmul.f32 v3, v5  }
0x151: {  	v11 =	vld [tilespmem:s1+$0xFFFFFFE0];
	v2 =	vmul.f32 v2, v6;
	[tilespmem:s1+$0xFFFFFF80] =	vst v4  }
0x152: {  	v4 =	vmul.f32 v7, v5;
	[tilespmem:s1+$0xFFFFFF90] =	vst v3  }
0x153: {  	v5 =	vmul.f32 v8, v5;
	[tilespmem:s1+$0xFFFFFFC0] =	vst v2  }
0x154: {  	v2 =	vld [tilespmem:s1+$0x0];
	v7 =	vmul.f32 v9, v6;
	v8 =	vmov s11;
	[tilespmem:s1+$0xFFFFFFB0] =	vst v4  }
0x155: {  	v3 =	vld [tilespmem:s1+$0x10];
	v4 =	vmul.f32 v10, v6;
	[tilespmem:s1+$0xFFFFFFA0] =	vst v5  }
0x156: {  	v5 =	vmul.f32 v11, v6;
	[tilespmem:s1+$0xFFFFFFF0] =	vst v7;
	v6 =	vld [tilespmem:s1+$0x70]  }
0x157: {  	v7 =	vld [tilespmem:s1+$0x40];
	[tilespmem:s1+$0xFFFFFFD0] =	vst v4  }
0x158: {  	[tilespmem:s1+$0xFFFFFFE0] =	vst v5;
	v5 =	vld [tilespmem:s1+$0x30]  }
0x159: {  	s22 =	simm.s32 $0x3;
	s11 =	simm.s32 $0x580;
	v4 =	vld.idx.msk [tilespmem:v8+s15+$0x0], $0xffff  }
.LBB2_14:
0x15a: {  	p1 =	sne.s32 s22, $0x4F  }
0x15b: {  	v8 =	vld.idx.msk [tilespmem:v8+s16+$0x0], $0xffff;
	s1 =	sadd.s32 $0x100, s1;
	s26 =	smov.u32 s22;
	s22 =	sadd.s32 $0x2, s22  }
0x15c: {  	v9 =	vld [tilespmem:s11+$0x50]  }
0x15d: {  	v10 =	vld [tilespmem:s11+$0x60]  }
0x15e: {  	v11 =	vld [tilespmem:s11+$0x20];
	_ =	sdelay $0x1  }
0x15f: {  	v2 =	vmul.f32 v2, v4;
	v3 =	vmul.f32 v3, v4  }
0x160: {  	s23 =	sadd.s32 $0xFFFFFFFF, s26;
	v7 =	vmul.f32 v7, v8;
	v9 =	vmul.f32 v9, v8  }
0x161: {  	v12 =	vmov s23;
	v6 =	vmul.f32 v6, v8;
	[tilespmem:s11+$0x0] =	vst v2;
	v10 =	vmul.f32 v10, v8  }
0x162: {  	v8 =	vand.u32 $0xFFFFFFFE, v12;
	v2 =	vld [tilespmem:s1+$0x0];
	[tilespmem:s11+$0x40] =	vst v7;
	v7 =	vmul.f32 v11, v4;
	v4 =	vmul.f32 v5, v4  }
0x163: {  	v5 =	vbroadcast v8, $0x0;
	v8 =	vld [tilespmem:s1+$0xFFFFFFA0];
	[tilespmem:s11+$0x70] =	vst v6  }
0x164: {  	v6 =	vld [tilespmem:s1+$0xFFFFFFD0];
	[tilespmem:s11+$0x60] =	vst v10  }
0x165: {  	v10 =	vld [tilespmem:s1+$0xFFFFFFF0];
	[tilespmem:s11+$0x50] =	vst v9  }
0x166: {  	v9 =	vld [tilespmem:s1+$0xFFFFFFB0];
	[tilespmem:s11+$0x30] =	vst v4  }
0x167: {  	v4 =	vld [tilespmem:s1+$0xFFFFFF90];
	[tilespmem:s11+$0x10] =	vst v3  }
0x168: {  	v11 =	vld [tilespmem:s1+$0xFFFFFF80];
	[tilespmem:s11+$0x20] =	vst v7;
	s11 =	smov.u32 s1  }
0x169: {  	v7 =	vld.idx.msk [tilespmem:v5+s15+$0x0], $0xffff  }
0x16a: {  	v5 =	vld.idx.msk [tilespmem:v5+s16+$0x0], $0xffff  }
0x16b: {  	v12 =	vld [tilespmem:s1+$0xFFFFFFC0]  }
0x16c: {  	v13 =	vld [tilespmem:s1+$0xFFFFFFE0]  }
0x16d: {  	v3 =	vld [tilespmem:s1+$0x10];
	_ =	sdelay $0x1  }
0x16e: {  	v11 =	vmul.f32 v11, v7;
	v4 =	vmul.f32 v4, v7  }
0x16f: {  	v9 =	vmul.f32 v9, v7;
	v12 =	vmul.f32 v12, v5  }
0x170: {  	v10 =	vmul.f32 v10, v5;
	[tilespmem:s1+$0xFFFFFF80] =	vst v11;
	v11 =	vmul.f32 v13, v5  }
0x171: {  	[tilespmem:s1+$0xFFFFFF90] =	vst v4;
	v4 =	vmul.f32 v6, v5;
	v5 =	vmul.f32 v8, v7  }
0x172: {  	[tilespmem:s1+$0xFFFFFFC0] =	vst v12  }
0x173: {  	v8 =	vmov s26;
	[tilespmem:s1+$0xFFFFFFB0] =	vst v9  }
.Ltmp6:
0x174: {  	[tilespmem:s1+$0xFFFFFFA0] =	vst v5;
	(pc) =	sbr.rel @p1 .LBB2_14-.Ltmp6, $4  }
0x175: {  	[tilespmem:s1+$0xFFFFFFF0] =	vst v10;
	v6 =	vld [tilespmem:s1+$0x70]  }
0x176: {  	[tilespmem:s1+$0xFFFFFFD0] =	vst v4;
	v7 =	vld [tilespmem:s1+$0x40]  }
0x177: {  	[tilespmem:s1+$0xFFFFFFE0] =	vst v11;
	v5 =	vld [tilespmem:s1+$0x30]  }
0x178: {  	v4 =	vld.idx.msk [tilespmem:v8+s15+$0x0], $0xffff  }
0x179: {  	_ =	sdelay $0x3  }
0x17a: {  	v8 =	vld.idx.msk [tilespmem:v8+s16+$0x0], $0xffff  }
0x17b: {  	v9 =	vld [tilespmem:s11+$0x60]  }
0x17c: {  	v10 =	vld [tilespmem:s11+$0x50]  }
0x17d: {  	v2 =	vmul.f32 v2, v4  }
0x17e: {  	v11 =	vld [tilespmem:s11+$0x20];
	v3 =	vmul.f32 v3, v4  }
0x17f: {  	v7 =	vmul.f32 v7, v8;
	[tilespmem:s11+$0x0] =	vst v2  }
0x180: {  	v61 =	vmul.f32 v9, v8;
	[tilespmem:s11+$0x10] =	vst v3  }
0x181: {  	v62 =	vmul.f32 v10, v8;
	[tilespmem:s11+$0x40] =	vst v7  }
0x182: {  	v2 =	vmul.f32 v6, v8;
	[tilespmem:s11+$0x60] =	vst v61  }
0x183: {  	v63 =	vmul.f32 v11, v4;
	[tilespmem:s11+$0x50] =	vst v62  }
0x184: {  	[tilespmem:s11+$0x70] =	vst v2;
	v2 =	vmul.f32 v5, v4  }
0x185: {  	[tilespmem:s11+$0x20] =	vst v63  }
0x186: {  	[tilespmem:s11+$0x30] =	vst v2  }
0x187: {  	[spmem:s3] =	stream.indirect.scatter.add.f32 [tilespmem:s20], [sflag:$0x5], $0x80, s14, s17, $0xb8;
	[tilespmem:$0x19580] =	vst v63  }
0x188: {  	_ =	swait.ge [sflag:s13], $0x2800  }
0x189: {  	[sflag:s13] =	ssyncset.done $0x0  }
0x18a: {  	[sflag:s13] =	ssyncadd.s32 $0xFFFFD800  }
0x18b: {  	[bflag:$0x0] =	sbarrier.arrive $0xFFFF  }
0x18c: {  	s1 =	sshll.u32 @!p0 s0, $0x6;
	s11 =	rddreg [dreg:$0x6]  }
0x18d: {  	s1 =	sadd.s32 @!p0 $0x1C05, s1;
	s22 =	rddreg [dreg:$0x11]  }
0x18e: {  	[hbm:s11], [sflag:s1] =	dma.local @!p0 [spmem:s22], $0x500  }
0x18f: {  	s1 =	simm.s32 @!p0 $0x5  }
0x190: {  	_ =	swait.ge @!p0 [sflag:s1], $0x500  }
0x191: {  	s26 =	sld [smem:$0x7FA];
	_ =	sdelay $0x2  }
0x192: {  	p1 =	seq.s32 s26, $0x1  }
0x193: {  	[sflag:s1] =	ssyncset.done @!p0 $0x0;
	s22 =	rddreg [dreg:$0x12];
	s11 =	sshll.u32 @!p1 s0, $0x6  }
0x194: {  	[sflag:s1] =	ssyncadd.s32 @!p0 $0xFFFFFB00;
	s1 =	sadd.s32 @!p1 $0x1C05, s11;
	s11 =	rddreg [dreg:$0x7]  }
0x195: {  	[hbm:s11], [sflag:s1] =	dma.local @!p1 [spmem:s22], $0x500  }
0x196: {  	s1 =	simm.s32 @!p1 $0x5  }
0x197: {  	_ =	swait.ge @!p1 [sflag:s1], $0x500  }
0x198: {  	s28 =	sld [smem:$0x7FB];
	_ =	sdelay $0x2  }
0x199: {  	p2 =	seq.s32 s28, $0x1  }
0x19a: {  	[sflag:s1] =	ssyncset.done @!p1 $0x0;
	s22 =	rddreg [dreg:$0x13];
	s11 =	sshll.u32 @!p2 s0, $0x6  }
0x19b: {  	[sflag:s1] =	ssyncadd.s32 @!p1 $0xFFFFFB00;
	s1 =	sadd.s32 @!p2 $0x1C05, s11;
	s11 =	rddreg [dreg:$0x8]  }
0x19c: {  	[hbm:s11], [sflag:s1] =	dma.local @!p2 [spmem:s22], $0x500  }
0x19d: {  	s1 =	simm.s32 @!p2 $0x5  }
0x19e: {  	_ =	swait.ge @!p2 [sflag:s1], $0x500  }
0x19f: {  	s29 =	sld [smem:$0x7FC];
	_ =	sdelay $0x2  }
0x1a0: {  	p1 =	seq.s32 s29, $0x1  }
0x1a1: {  	[sflag:s1] =	ssyncset.done @!p2 $0x0;
	s22 =	rddreg [dreg:$0x14];
	s11 =	sshll.u32 @!p1 s0, $0x6  }
0x1a2: {  	[sflag:s1] =	ssyncadd.s32 @!p2 $0xFFFFFB00;
	s1 =	sadd.s32 @!p1 $0x1C05, s11;
	s11 =	rddreg [dreg:$0x9]  }
0x1a3: {  	[hbm:s11], [sflag:s1] =	dma.local @!p1 [spmem:s22], $0x500  }
0x1a4: {  	s1 =	simm.s32 @!p1 $0x5  }
0x1a5: {  	_ =	swait.ge @!p1 [sflag:s1], $0x500  }
0x1a6: {  	s30 =	sld [smem:$0x7FD];
	_ =	sdelay $0x2  }
0x1a7: {  	p2 =	seq.s32 s30, $0x1  }
0x1a8: {  	[sflag:s1] =	ssyncset.done @!p1 $0x0;
	s22 =	rddreg [dreg:$0x15];
	s11 =	sshll.u32 @!p2 s0, $0x6  }
0x1a9: {  	[sflag:s1] =	ssyncadd.s32 @!p1 $0xFFFFFB00;
	s1 =	sadd.s32 @!p2 $0x1C05, s11;
	s11 =	rddreg [dreg:$0xa]  }
0x1aa: {  	[hbm:s11], [sflag:s1] =	dma.local @!p2 [spmem:s22], $0x500  }
0x1ab: {  	s1 =	simm.s32 @!p2 $0x5  }
0x1ac: {  	_ =	swait.ge @!p2 [sflag:s1], $0x500  }
0x1ad: {  	s11 =	sshll.u32 @!p4 s0, $0x6;
	[sflag:s1] =	ssyncset.done @!p2 $0x0;
	s22 =	rddreg [dreg:$0x16]  }
0x1ae: {  	[sflag:s1] =	ssyncadd.s32 @!p2 $0xFFFFFB00;
	s1 =	sadd.s32 @!p4 $0x1C05, s11;
	s11 =	rddreg [dreg:$0xb]  }
0x1af: {  	[hbm:s11], [sflag:s1] =	dma.local @!p4 [spmem:s22], $0x500  }
0x1b0: {  	s1 =	simm.s32 @!p4 $0x5  }
0x1b1: {  	_ =	swait.ge @!p4 [sflag:s1], $0x500  }
0x1b2: {  	s11 =	sshll.u32 @!p5 s0, $0x6;
	[sflag:s1] =	ssyncset.done @!p4 $0x0;
	s22 =	rddreg [dreg:$0x17]  }
0x1b3: {  	[sflag:s1] =	ssyncadd.s32 @!p4 $0xFFFFFB00;
	s1 =	sadd.s32 @!p5 $0x1C05, s11;
	s11 =	rddreg [dreg:$0xc]  }
0x1b4: {  	[hbm:s11], [sflag:s1] =	dma.local @!p5 [spmem:s22], $0x500  }
0x1b5: {  	s1 =	simm.s32 @!p5 $0x5  }
0x1b6: {  	_ =	swait.ge @!p5 [sflag:s1], $0x500  }
0x1b7: {  	s11 =	sshll.u32 @!p6 s0, $0x6;
	[sflag:s1] =	ssyncset.done @!p5 $0x0;
	s22 =	rddreg [dreg:$0x18]  }
0x1b8: {  	[sflag:s1] =	ssyncadd.s32 @!p5 $0xFFFFFB00;
	s1 =	sadd.s32 @!p6 $0x1C05, s11;
	s11 =	rddreg [dreg:$0xd]  }
0x1b9: {  	[hbm:s11], [sflag:s1] =	dma.local @!p6 [spmem:s22], $0x500  }
0x1ba: {  	s1 =	simm.s32 @!p6 $0x5  }
0x1bb: {  	_ =	swait.ge @!p6 [sflag:s1], $0x500  }
0x1bc: {  	s25 =	sadd.s32 $0x1, s25;
	s31 =	rddreg [dreg:$0x10]  }
0x1bd: {  	p1 =	sne.s32 s25, s31  }
.Ltmp7:
0x1be: {  	_ = 	snop;
	(pc) =	sbr.rel @p1 .LBB2_1-.Ltmp7, $3  }
0x1bf: {  	_ =	sdelay $0x1  }
0x1c0: {  	[sflag:s1] =	ssyncset.done @!p6 $0x0  }
0x1c1: {  	[sflag:s1] =	ssyncadd.s32 @!p6 $0xFFFFFB00  }
0x1c2: {  	_ =	sfence.sel $0x180000  }
0x1c3: {  	[bflag:$0x0] =	sbarrier.arrive $0xFFFF  }
0x1c4: {  	_ =	strace $0x9000004A  }
0x1c5: {  	[bflag:$0x2] =	sbarrier.arrive $0xFFFF  }
0x1c6: {  	p0 =	sne.s32 s0, $0x0;
	s0 =	rddreg [dreg:$0x3]  }
0x1c7: {  	s0 =	sadd.s32 @!p0 $0x100000, s0  }
0x1c8: {  	[sflag:s0] =	ssyncadd.tile.s32 @!p0 $0x1;
	_ =	shalt  }
.Lfunc_end2:
_tile_overlayer_lowered:
.L_overlay_start_2:
0x1c9: {  	(tag) =	ssettag $0x2  }
0x1ca: {  	s0 =	rddreg [dreg:$0x0];
	s2 =	stileid.u32  }
0x1cb: {  	s1 =	rddreg [dreg:$0x1];
	p0 =	sne.s32 s2, $0x0  }
0x1cc: {  	s3 =	rddreg [dreg:$0x2];
	[bflag:$0x3] =	sbarrier.arrive $0xFFFF;
	s2 =	simm.s32 @!p0 $0x1C05  }
0x1cd: {  	[timem:s3], [sflag:s2] =	dma.local @!p0 [hbm:s0], s1  }
0x1ce: {  	s0 =	simm.s32 @!p0 $0x5  }
0x1cf: {  	_ =	swait.ge @!p0 [sflag:s0], s1  }
0x1d0: {  	s1 =	ssub.s32 @!p0 $0x0, s1;
	[sflag:s0] =	ssyncset.done @!p0 $0x0  }
0x1d1: {  	[sflag:s0] =	ssyncadd.s32 @!p0 s1  }
0x1d2: {  	[bflag:$0x3] =	sbarrier.arrive $0xFFFF  }
0x1d3: {  	_ =	shalt  }

// kernel: kernel.7.cloned.1.call-start
scs
__scs_entry_jumppad:
0x0: {  	(pc) =	sbr.rel $0x88, $3  }
0x1: {  	(tag) =	ssettag $0x0;
	lr =	simm.s32 $0x1  }
0x2: {  	[smem:$0x3F9D] =	sst lr;
	_ =	strace $0xD0000000  }
0x3: {  	_ = 	snop  }
0x4: {  	_ = 	snop  }
0x5: {  	_ = 	snop  }
0x6: {  	_ = 	snop  }
0x7: {  	_ = 	snop  }
__scs_overlays_trampoline_lowered:
0x8: {  	[smem:$0x3FAC] =	sst s0  }
0x9: {  	[smem:$0x3FAD] =	sst s1  }
0xa: {  	[smem:$0x3FAE] =	sst s2  }
0xb: {  	[smem:$0x3FAF] =	sst s3  }
0xc: {  	[smem:$0x3FB0] =	sst s4  }
0xd: {  	[smem:$0x3FB1] =	sst s5  }
0xe: {  	[smem:$0x3FB2] =	sst s6  }
0xf: {  	[smem:$0x3FB3] =	sst s7  }
0x10: {  	[smem:$0x3FB4] =	sst s8  }
0x11: {  	[smem:$0x3FB5] =	sst s9;
	s0 =	simm.s32 @!p0 $0x0  }
0x12: {  	s1 =	sld [smem:$0x3F9B];
	s0 =	simm.s32 @p0 $0x1  }
0x13: {  	[smem:$0x3FB6] =	sst s0;
	s0 =	simm.s32 @!p1 $0x0  }
0x14: {  	s2 =	sld [smem:$0x3F9A];
	s0 =	simm.s32 @p1 $0x1  }
0x15: {  	[smem:$0x3FB7] =	sst s0;
	s0 =	simm.s32 @!p2 $0x0  }
0x16: {  	s3 =	sld [smem:$0x3FDB];
	s0 =	simm.s32 @p2 $0x1  }
0x17: {  	s4 =	simm.s32 $0x1BF5;
	[smem:$0x3FB9] =	sst s0  }
0x18: {  	s0 =	sld [smem:$0x3F9C];
	_ =	swait.ge [sflag:s4], $0x0  }
0x19: {  	s7 =	sld [smem:$0x3F9D]  }
0x1a: {  	s8 =	sadd.s32 $0xFFFFE003, lr  }
0x1b: {  	s9 =	sadd.s32 $0xFFFFFEF7, lr;
	s5 =	simm.s32 $0xFFFFFFFF;
	p2 =	slt.u32 s8, $0xFFFFF086  }
0x1c: {  	p1 =	slt.u32 s9, $0xF7A;
	s5 =	simm.s32 @!p2 $0x0  }
0x1d: {  	s5 =	simm.s32 @p1 $0x1;
	p0 =	seq.s32 s7, s2  }
0x1e: {  	s7 =	smul.u32 @!p0 $0xF7A, s2;
	p2 =	seq.s32 @!p0 s5, $0x0  }
0x1f: {  	s9 =	smul.u32 $0xF7A, s1;
	s8 =	simm.s32 @!p0 $0x1BF5;
	p2 =	por !p2, p0  }
0x20: {  	[sflag:s8] =	ssyncset.s32 @!p0 $0xFFFFF086;
	s6 =	sadd.s32 @!p0 s3, s7;
	s7 =	simm.s32 @!p0 $0x108  }
0x21: {  	s3 =	sadd.s32 s3, s9;
	s6 =	sadd.s32 @!p0 $0x88, s6;
	s7 =	simm.s32 @p2 $0x1082  }
0x22: {  	[simem:s7], [sflag:s8] =	dma.local @!p0 [hbm:s6], $0xF7A  }
0x23: {  	s9 =	sor.u32 $0xD0000000, s2;
	s6 =	simm.s32 $0x108;
	_ =	swait.ge @!p0 [sflag:s8], $0x0  }
0x24: {  	s3 =	sadd.s32 $0x88, s3;
	s6 =	simm.s32 @!p1 $0x1082;
	[sflag:s4] =	ssyncset.s32 $0xFFFFF086  }
0x25: {  	[simem:s6], [sflag:s4] =	dma.local [hbm:s3], $0xF7A  }
0x26: {  	[smem:$0x3F9D] =	sst s1;
	(tag) =	ssettag s2;
	_ =	strace s9  }
0x27: {  	s1 =	sld [smem:$0x3FAD]  }
0x28: {  	s2 =	sld [smem:$0x3FAE]  }
0x29: {  	s4 =	sld [smem:$0x3FB0]  }
0x2a: {  	p0 =	seq.s32 s5, $0x0;
	s5 =	sld [smem:$0x3FB1]  }
0x2b: {  	s6 =	sld [smem:$0x3FB2]  }
0x2c: {  	s7 =	sld [smem:$0x3FB3]  }
0x2d: {  	s3 =	simm.s32 $0x108;
	s8 =	sld [smem:$0x3FB4]  }
0x2e: {  	s3 =	simm.s32 @!p0 $0x1082;
	s9 =	sld [smem:$0x3FB5]  }
0x2f: {  	lr =	sadd.s32 s0, s3;
	s0 =	sld [smem:$0x3FAC]  }
0x30: {  	s3 =	sld [smem:$0x3FAF]  }
0x31: {  	[smem:$0x3FB8] =	sst s10  }
0x32: {  	s10 =	sld [smem:$0x3FB6];
	_ =	sdelay $0x3  }
0x33: {  	p0 =	seq.s32 s10, $0x1;
	s10 =	sld [smem:$0x3FB8];
	_ =	sdelay $0x3  }
0x34: {  	[smem:$0x3FB8] =	sst s10  }
0x35: {  	s10 =	sld [smem:$0x3FB7];
	_ =	sdelay $0x3  }
0x36: {  	p1 =	seq.s32 s10, $0x1;
	s10 =	sld [smem:$0x3FB8];
	_ =	sdelay $0x3  }
0x37: {  	[smem:$0x3FB8] =	sst s10  }
0x38: {  	s10 =	sld [smem:$0x3FB9]  }
0x39: {  	_ = 	snop;
	(pc) =	sbr.ind lr, $3  }
0x3a: {  	_ = 	snop  }
0x3b: {  	_ = 	snop  }
0x3c: {  	p2 =	seq.s32 s10, $0x1;
	s10 =	sld [smem:$0x3FB8]  }
0x3d: {  	_ =	shalt  }
0x3e: {  	_ =	shalt  }
0x3f: {  	_ =	shalt  }
0x40: {  	_ =	shalt  }
0x41: {  	_ =	shalt  }
0x42: {  	_ =	shalt  }
0x43: {  	_ =	shalt  }
0x44: {  	_ =	shalt  }
0x45: {  	_ =	shalt  }
0x46: {  	_ =	shalt  }
0x47: {  	_ =	shalt  }
0x48: {  	_ =	shalt  }
0x49: {  	_ =	shalt  }
0x4a: {  	_ =	shalt  }
0x4b: {  	_ =	shalt  }
0x4c: {  	_ =	shalt  }
0x4d: {  	_ =	shalt  }
0x4e: {  	_ =	shalt  }
0x4f: {  	_ =	shalt  }
0x50: {  	_ =	shalt  }
0x51: {  	_ =	shalt  }
0x52: {  	_ =	shalt  }
0x53: {  	_ =	shalt  }
0x54: {  	_ =	shalt  }
0x55: {  	_ =	shalt  }
0x56: {  	_ =	shalt  }
0x57: {  	_ =	shalt  }
0x58: {  	_ =	shalt  }
0x59: {  	_ =	shalt  }
0x5a: {  	_ =	shalt  }
0x5b: {  	_ =	shalt  }
0x5c: {  	_ =	shalt  }
0x5d: {  	_ =	shalt  }
0x5e: {  	_ =	shalt  }
0x5f: {  	_ =	shalt  }
0x60: {  	_ =	shalt  }
0x61: {  	_ =	shalt  }
0x62: {  	_ =	shalt  }
0x63: {  	_ =	shalt  }
0x64: {  	_ =	shalt  }
0x65: {  	_ =	shalt  }
0x66: {  	_ =	shalt  }
0x67: {  	_ =	shalt  }
0x68: {  	_ =	shalt  }
0x69: {  	_ =	shalt  }
0x6a: {  	_ =	shalt  }
0x6b: {  	_ =	shalt  }
0x6c: {  	_ =	shalt  }
0x6d: {  	_ =	shalt  }
0x6e: {  	_ =	shalt  }
0x6f: {  	_ =	shalt  }
0x70: {  	_ =	shalt  }
0x71: {  	_ =	shalt  }
0x72: {  	_ =	shalt  }
0x73: {  	_ =	shalt  }
0x74: {  	_ =	shalt  }
0x75: {  	_ =	shalt  }
0x76: {  	_ =	shalt  }
0x77: {  	_ =	shalt  }
0x78: {  	_ =	shalt  }
0x79: {  	_ =	shalt  }
0x7a: {  	_ =	shalt  }
0x7b: {  	_ =	shalt  }
0x7c: {  	_ =	shalt  }
0x7d: {  	_ =	shalt  }
0x7e: {  	_ =	shalt  }
0x7f: {  	_ =	shalt  }
0x80: {  	_ =	shalt  }
0x81: {  	_ =	shalt  }
0x82: {  	_ =	shalt  }
0x83: {  	_ =	shalt  }
0x84: {  	_ =	shalt  }
0x85: {  	_ =	shalt  }
0x86: {  	_ =	shalt  }
0x87: {  	_ =	shalt  }
.Lfunc_end0:
.L_simem_size_0:
called_computation_lowered:
.L_overlay_start_0:
0x88: {  	s2 =	sld [smem:$0x3FD9]  }
0x89: {  	s3 =	sld [smem:$0x3FFE];
	_ =	sdelay $0x1  }
0x8a: {  	s1 =	srdreg.scid  }
0x8b: {  	s0 =	sand.u32 $0x1, s1  }
0x8c: {  	s16 =	sshll.u32 s0, $0xA;
	s2 =	sadd.s32 s3, s2  }
0x8d: {  	s2 =	sadd.s32 s2, s16  }
0x8e: {  	[smem:$0x3FC4] =	sst s2  }
0x8f: {  	_ = 	snop  }
0x90: {  	(tm) =	ssettm $0x1  }
0x91: {  	s17 =	sld [smem:$0x3FFB];
	_ =	sdelay $0x3  }
0x92: {  	_ =	strace s17  }
0x93: {  	s2 =	sld [smem:$0x3FFC];
	_ =	sdelay $0x3  }
0x94: {  	_ =	strace s2  }
0x95: {  	s2 =	sld [smem:$0x3FFD];
	_ =	sdelay $0x3  }
0x96: {  	_ =	strace s2  }
0x97: {  	_ =	strace $0x8FFFFFFF  }
0x98: {  	s18 =	sld [smem:$0x3FDB];
	_ =	sdelay $0x1  }
0x99: {  	s19 =	simm.s32 $_scs_section_size  }
0x9a: {  	s4 =	simm.s32 $_size__tile_overlayer_lowered;
	s5 =	simm.s32 $_tile_overlayer_lowered  }
0x9b: {  	s22 =	simm.s32 $0x1BFF;
	s21 =	sshll.u32 s5, $0x1;
	s2 =	sadd.s32 s19, s18  }
0x9c: {  	s6 =	simm.s32 $0x0;
	s20 =	sshll.u32 s4, $0x1;
	s4 =	sadd.s32 s21, s2  }
0x9d: {  	[timem:s6], [sflag:s22] =	dma.local [hbm:s4], s20  }
0x9e: {  	_ =	swait.ge [sflag:s22], s20  }
0x9f: {  	s3 =	ssub.s32 $0x0, s20;
	[sflag:s22] =	ssyncset.done $0x0  }
0xa0: {  	[sflag:s22] =	ssyncadd.s32 s3;
	_ =	sdelay $0x1  }
0xa1: {  	s23 =	simm.s32 $0x1B8B  }
0xa2: {  	_ =	swait.ge [sflag:s23], $0x1  }
0xa3: {  	[sflag:s23] =	ssyncset.done $0x0  }
0xa4: {  	s25 =	simm.s32 $0x1B8E;
	s24 =	sld [smem:$0x3FFE];
	[sflag:s23] =	ssyncadd.s32 $0xFFFFFFFF  }
0xa5: {  	s26 =	simm.s32 $execute0_lowered;
	[smem:$0x3FD2] =	sst s25  }
0xa6: {  	s4 =	sshll.u32 s26, $0x1;
	_ =	strace $0x80000046;
	[dreg:$0x1] =	wrdreg $0xFFFFFFFF  }
0xa7: {  	s28 =	simm.s32 $_size_execute0_lowered;
	s2 =	sadd.s32 s2, s4;
	[dreg:$0x0] =	wrdreg $0x0  }
0xa8: {  	s4 =	sshll.u32 s28, $0x1;
	[dreg:$0x2] =	wrdreg s2  }
0xa9: {  	[dreg:$0x3] =	wrdreg s4  }
0xaa: {  	[dreg:$0x4] =	wrdreg $0xC0  }
0xab: {  	_ =	task [dreg:s6], $0x5FFFF  }
0xac: {  	[dreg:$0x1] =	wrdreg $0xFFFFFFFF  }
0xad: {  	[dreg:$0x0] =	wrdreg $0x60  }
0xae: {  	[dreg:$0x2] =	wrdreg s24  }
0xaf: {  	[dreg:$0x3] =	wrdreg $0x158C00  }
0xb0: {  	[dreg:$0x4] =	wrdreg $0x9  }
0xb1: {  	_ =	task.clear_ibuf [dreg:s6], $0x5FFFF;
	_ =	strace $0x90000046  }
0xb2: {  	s29 =	simm.s32 $0x9;
	_ =	strace $0x80000048  }
0xb3: {  	_ =	swait.ge [sflag:s29], $0x1  }
0xb4: {  	[sflag:s29] =	ssyncadd.s32 $0xFFFFFFFF  }
0xb5: {  	_ =	strace $0x90000048  }
0xb6: {  	_ =	sfence  }
0xb7: {  	s30 =	sld [smem:$0x0];
	_ =	sdelay $0x2  }
0xb8: {  	s31 =	sshll.u32 s1, $0xD;
	s1 =	sshrl.u32 s1, $0x2  }
0xb9: {  	s3 =	sand.u32 $0x4000, s31;
	s1 =	sadd.s32 s1, s30  }
0xba: {  	s0 =	sor.u32 s3, s0;
	s1 =	sshll.u32 s1, $0x11  }
0xbb: {  	s0 =	sor.u32 s1, s0  }
0xbc: {  	s0 =	sadd.s32 $0x8F2B, s0  }
0xbd: {  	[sflag:s0] =	ssyncadd.remote.s32 $0x1  }
0xbe: {  	_ =	sfence.sel $0xFFFF  }
0xbf: {  	[dreg:$0x0] =	wrdreg $0xFFFFFFFF;
	(pc) =	sbr.abs _section_cstart, $3  }
0xc0: {  	[dreg:$0x1] =	wrdreg $0xFFFFFFFF  }
0xc1: {  	_ =	task.clear_ibuf [dreg:s6], $0x2FFFF;
	_ =	strace $0x9FFFFFFF  }
0xc2: {  	(tm) =	ssettm $0x7FFFFFFF  }
0xc3: {  	_ =	shalt  }
tec
execute0_lowered:
.L_overlay_start_1:
0x0: {  	(tag) =	ssettag $0x1  }
0x1: {  	s3 =	srdreg.scid  }
0x2: {  	s6 =	sand.u32 $0x1, s3  }
0x3: {  	s3 =	stileid.u32;
	s7 =	smul.u32 $0x2710, s6  }
0x4: {  	s8 =	smul.u32 $0x50, s3  }
0x5: {  	s0 =	rddreg [dreg:$0x0];
	s16 =	ssub.s32 $0x2, s6;
	s6 =	smul.u32 $0x7D0, s6  }
0x6: {  	s1 =	rddreg [dreg:$0x1];
	s9 =	sor.u32 $0x10, s3;
	s29 =	smul.u32 $0x7D, s3  }
0x7: {  	s2 =	simm.s32 $0x0;
	s11 =	sor.u32 $0x20, s3;
	s10 =	smul.u32 $0x50, s9  }
0x8: {  	s30 =	simm.s32 $0x1;
	s13 =	sor.u32 $0x30, s3;
	s12 =	smul.u32 $0x50, s11  }
0x9: {  	s31 =	simm.s32 $0x13880;
	s17 =	sor.u32 $0x40, s3;
	s15 =	smul.u32 $0x50, s13  }
0xa: {  	[smem:$0x7FF] =	sst s2;
	s19 =	sor.u32 $0x50, s3;
	s18 =	smul.u32 $0x50, s17  }
0xb: {  	s4 =	sadd.s32 $0x7200, s0;
	s22 =	sor.u32 $0x60, s3;
	s21 =	smul.u32 $0x50, s19  }
0xc: {  	s5 =	sadd.s32 $0x2200, s0;
	s23 =	sor.u32 $0x70, s3;
	s26 =	smul.u32 $0x50, s22  }
0xd: {  	_ =	strace $0x80000047;
	s20 =	sshrl.u32 s16, $0x1;
	s24 =	smul.u32 $0x50, s23  }
0xe: {  	s22 =	smul.u32 $0x1400, s22;
	p0 =	sgt.u32 s23, $0x7C;
	s14 =	sadd.s32 s7, s0  }
0xf: {  	s20 =	ssub.s32 s16, s20;
	s8 =	sadd.s32 s7, s8;
	s10 =	sadd.s32 s7, s10  }
0x10: {  	s12 =	sadd.s32 s7, s12;
	s15 =	sadd.s32 s7, s15;
	s18 =	sadd.s32 s7, s18  }
0x11: {  	s21 =	sadd.s32 s7, s21;
	s16 =	sadd.s32 s7, s26;
	s7 =	sadd.s32 s7, s24  }
0x12: {  	s24 =	sadd.s32 $0x11200, s0;
	s8 =	sshll.u32 s8, $0x1;
	s10 =	sshll.u32 s10, $0x1  }
0x13: {  	s8 =	sadd.s32 s24, s8;
	s25 =	sshll.u32 s12, $0x1;
	s26 =	sshll.u32 s15, $0x1  }
0x14: {  	s15 =	sshll.u32 s18, $0x1;
	s18 =	sshll.u32 s21, $0x1;
	s21 =	sshll.u32 s16, $0x1  }
0x15: {  	s7 =	sshll.u32 s7, $0x1;
	[dreg:$0x3] =	wrdreg s8;
	s10 =	sadd.s32 s24, s10  }
0x16: {  	s8 =	smul.u32 $0x1400, s9;
	s9 =	sadd.s32 s24, s25;
	[dreg:$0x4] =	wrdreg s10  }
0x17: {  	s16 =	sadd.s32 $0x24E00, s0;
	s12 =	sadd.s32 s24, s26;
	[dreg:$0x5] =	wrdreg s9  }
0x18: {  	s25 =	sadd.s32 s24, s21;
	s26 =	smul.u32 $0x1400, s3;
	[dreg:$0x6] =	wrdreg s12  }
0x19: {  	s7 =	sadd.s32 s24, s7;
	s21 =	smul.u32 $0x1400, s19;
	[dreg:$0x9] =	wrdreg s25  }
0x1a: {  	s9 =	sadd.s32 s24, s15;
	[dreg:$0xa] =	wrdreg s7;
	s15 =	sadd.s32 $0x1B000, s0  }
0x1b: {  	s10 =	sadd.s32 $0xC200, s14;
	s12 =	smul.u32 $0x1400, s11;
	[dreg:$0x7] =	wrdreg s9  }
0x1c: {  	s14 =	smax.u32 s20, $0x1;
	s20 =	smul.u32 $0x1400, s17;
	[dreg:$0xb] =	wrdreg s10  }
0x1d: {  	s25 =	sshll.u32 s3, $0x8;
	s9 =	sadd.s32 s24, s18;
	[dreg:$0xc] =	wrdreg s14  }
0x1e: {  	s7 =	sshrl.u32 s26, $0x2;
	s18 =	smul.u32 $0x1400, s13;
	s8 =	sshrl.u32 s8, $0x2  }
0x1f: {  	s24 =	smul.u32 $0x1400, s23;
	s11 =	sshrl.u32 s21, $0x2;
	s19 =	sadd.s32 s25, s1  }
0x20: {  	[dreg:$0x8] =	wrdreg s9;
	s7 =	sadd.s32 s7, s1;
	s8 =	sadd.s32 s8, s1  }
0x21: {  	s0 =	sshrl.u32 s12, $0x2;
	s10 =	sshrl.u32 s20, $0x2;
	s11 =	sadd.s32 s11, s1  }
0x22: {  	s12 =	sshrl.u32 s22, $0x2;
	s0 =	sadd.s32 s0, s1;
	s9 =	sshrl.u32 s18, $0x2  }
0x23: {  	s10 =	sadd.s32 s10, s1;
	s13 =	sshrl.u32 s24, $0x2;
	s12 =	sadd.s32 s12, s1  }
0x24: {  	v0 =	vlaneseq.u32;
	s7 =	sshrl.u32 s7, $0x3;
	s26 =	sshrl.u32 s8, $0x3;
	s25 =	sshrl.u32 s11, $0x3  }
0x25: {  	v0 =	vmul.u32 $0x10, v0;
	s8 =	simm.s32 $0x50;
	s11 =	simm.s32 $0x0;
	[dreg:$0xd] =	wrdreg s7  }
0x26: {  	v1 =	vimm.f32 $0.0e+00;
	s9 =	sadd.s32 s9, s1;
	s13 =	sadd.s32 s13, s1;
	[dreg:$0xe] =	wrdreg s26  }
0x27: {  	v2 =	vor.u32 $0x1, v0;
	v3 =	vor.u32 $0x100, v0;
	v4 =	vor.u32 $0x101, v0;
	s22 =	sshrl.u32 s0, $0x3;
	s24 =	sshrl.u32 s10, $0x3;
	s26 =	sshrl.u32 s12, $0x3  }
0x28: {  	v5 =	vor.u32 $0x200, v0;
	v6 =	vor.u32 $0x201, v0;
	v7 =	vor.u32 $0x300, v0;
	s0 =	simm.s32 $0x13A10;
	s7 =	simm.s32 $0x13EC0;
	s10 =	simm.s32 $0x13D30  }
0x29: {  	v8 =	vor.u32 $0x301, v0;
	v9 =	vor.u32 $0x400, v0;
	v10 =	vor.u32 $0x401, v0;
	s23 =	sshrl.u32 s9, $0x3;
	s28 =	sshrl.u32 @!p0 s13, $0x3;
	s9 =	simm.s32 $0x13BA0  }
.LBB2_1:
0x2a: {  	s12 =	rddreg [dreg:$0xb]  }
0x2b: {  	[tilespmem:s2], [sflag:$0x1] =	stream.linear.gather [hbm4b:s12+s2], $0x13880, $0x38;
	[tilespmem:$0x17FD0] =	vst v63  }
0x2c: {  	_ =	swait.ge [sflag:s30], $0x13880  }
0x2d: {  	[sflag:s30] =	ssyncset.done $0x0  }
0x2e: {  	s13 =	simm.s32 $0x0;
	s12 =	simm.s32 $0x40;
	[sflag:s30] =	ssyncadd.s32 $0xFFFEC780  }
.LBB2_2:
0x2f: {  	p1 =	sne.s32 s12, $0x13C0;
	[tilespmem:s13+$0x13EC0] =	vst v1;
	s13 =	smov.u32 s12;
	s12 =	sadd.s32 $0x40, s12  }
.Ltmp0:
0x30: {  	(pc) =	sbr.rel @p1 .LBB2_2-.Ltmp0, $2  }
0x31: {  	_ =	sdelay $0x2  }
0x32: {  	s13 =	sshra.s32 s13, $0x2  }
0x33: {  	[tilespmem:s13+$0x13EC0] =	vst v1;
	s12 =	simm.s32 $0x40;
	s13 =	simm.s32 $0x0  }
.LBB2_4:
0x34: {  	p1 =	sne.s32 s12, $0x13C0;
	[tilespmem:s13+$0x143C0] =	vst v1;
	s13 =	smov.u32 s12;
	s12 =	sadd.s32 $0x40, s12  }
.Ltmp1:
0x35: {  	(pc) =	sbr.rel @p1 .LBB2_4-.Ltmp1, $2  }
0x36: {  	_ =	sdelay $0x2  }
0x37: {  	s13 =	sshra.s32 s13, $0x2  }
0x38: {  	[tilespmem:s13+$0x143C0] =	vst v1;
	s12 =	simm.s32 $0x40;
	s13 =	simm.s32 $0x0  }
.LBB2_6:
0x39: {  	p1 =	sne.s32 s12, $0x13C0;
	[tilespmem:s13+$0x148C0] =	vst v1;
	s13 =	smov.u32 s12;
	s12 =	sadd.s32 $0x40, s12  }
.Ltmp2:
0x3a: {  	(pc) =	sbr.rel @p1 .LBB2_6-.Ltmp2, $2  }
0x3b: {  	_ =	sdelay $0x2  }
0x3c: {  	s13 =	sshra.s32 s13, $0x2  }
0x3d: {  	[tilespmem:s13+$0x148C0] =	vst v1;
	s12 =	simm.s32 $0x40;
	s13 =	simm.s32 $0x0  }
.LBB2_8:
0x3e: {  	p1 =	sne.s32 s12, $0x13C0;
	[tilespmem:s13+$0x14DC0] =	vst v1;
	s13 =	smov.u32 s12;
	s12 =	sadd.s32 $0x40, s12  }
.Ltmp3:
0x3f: {  	(pc) =	sbr.rel @p1 .LBB2_8-.Ltmp3, $2  }
0x40: {  	_ =	sdelay $0x2  }
0x41: {  	s13 =	sshra.s32 s13, $0x2  }
0x42: {  	[tilespmem:s13+$0x14DC0] =	vst v1;
	s12 =	simm.s32 $0x40;
	s13 =	simm.s32 $0x0  }
.LBB2_10:
0x43: {  	p1 =	sne.s32 s12, $0x13C0;
	[tilespmem:s13+$0x152C0] =	vst v1;
	s13 =	smov.u32 s12;
	s12 =	sadd.s32 $0x40, s12  }
.Ltmp4:
0x44: {  	(pc) =	sbr.rel @p1 .LBB2_10-.Ltmp4, $2  }
0x45: {  	_ =	sdelay $0x2  }
0x46: {  	s13 =	sshra.s32 s13, $0x2  }
0x47: {  	[tilespmem:s13+$0x152C0] =	vst v1  }
0x48: {  	[tilespmem:$0x157C0] =	vst v1  }
0x49: {  	[tilespmem:$0x157D0] =	vst v1  }
0x4a: {  	[tilespmem:$0x157E0] =	vst v1  }
0x4b: {  	[tilespmem:$0x157F0] =	vst v1  }
0x4c: {  	[tilespmem:$0x15800] =	vst v1  }
0x4d: {  	[tilespmem:$0x15810] =	vst v1  }
0x4e: {  	[tilespmem:$0x15820] =	vst v1  }
0x4f: {  	[tilespmem:$0x15830] =	vst v1  }
0x50: {  	[tilespmem:$0x15840] =	vst v1  }
0x51: {  	[tilespmem:$0x15850] =	vst v1  }
0x52: {  	[tilespmem:$0x15860] =	vst v1  }
0x53: {  	[tilespmem:$0x15870] =	vst v1  }
0x54: {  	[tilespmem:$0x15880] =	vst v1  }
0x55: {  	s12 =	sadd.s32 $0x0, s3;
	[tilespmem:$0x15890] =	vst v1  }
0x56: {  	[tilespmem:$0x158A0] =	vst v1;
	p1 =	sgt.u32 s12, $0x270  }
0x57: {  	[tilespmem:$0x158B0] =	vst v1;
	s12 =	simm.s32 @!p1 $0x157C0;
	s17 =	simm.s32 @!p1 $0x1  }
0x58: {  	[spmem:s19] =	stream.linear.scatter @!p1 [tilespmem:s12], [sflag:$0x1], $0x100, $0x38;
	[tilespmem:$0x17FD0] =	vst v63  }
0x59: {  	s13 =	simm.s32 $0x10;
	_ =	swait.ge @!p1 [sflag:s17], $0x100  }
0x5a: {  	s14 =	simm.s32 $0x20;
	s12 =	sadd.s32 $0x1000, s19;
	[sflag:s17] =	ssyncset.done @!p1 $0x0  }
.LBB2_12:
0x5b: {  	s18 =	sadd.s32 s13, s3;
	s13 =	smov.u32 s14;
	s14 =	sadd.s32 $0x10, s14  }
0x5c: {  	[sflag:s17] =	ssyncadd.s32 @!p1 $0xFFFFFF00;
	p2 =	sne.s32 s14, $0x280  }
.Ltmp5:
0x5d: {  	p1 =	sgt.u32 s18, $0x270;
	(pc) =	sbr.rel @p2 .LBB2_12-.Ltmp5, $4  }
0x5e: {  	s18 =	simm.s32 @!p1 $0x157C0;
	s17 =	simm.s32 @!p1 $0x1  }
0x5f: {  	[spmem:s12] =	stream.linear.scatter @!p1 [tilespmem:s18], [sflag:$0x1], $0x100, $0x38;
	[tilespmem:$0x17FD0] =	vst v63  }
0x60: {  	_ =	swait.ge @!p1 [sflag:s17], $0x100  }
0x61: {  	s12 =	sadd.s32 $0x1000, s12;
	[sflag:s17] =	ssyncset.done @!p1 $0x0  }
0x62: {  	s13 =	sadd.s32 s13, s3  }
0x63: {  	p2 =	sgt.u32 s13, $0x270  }
0x64: {  	[sflag:s17] =	ssyncadd.s32 @!p1 $0xFFFFFF00;
	s13 =	simm.s32 @!p2 $0x157C0;
	s14 =	simm.s32 @!p2 $0x1  }
0x65: {  	[spmem:s12] =	stream.linear.scatter @!p2 [tilespmem:s13], [sflag:$0x1], $0x100, $0x38;
	[tilespmem:$0x17FD0] =	vst v63  }
0x66: {  	_ =	swait.ge @!p2 [sflag:s14], $0x100  }
0x67: {  	[sflag:s14] =	ssyncset.done @!p2 $0x0  }
0x68: {  	[sflag:s14] =	ssyncadd.s32 @!p2 $0xFFFFFF00  }
0x69: {  	s12 =	simm.s32 $0x0;
	s13 =	simm.s32 $0x0;
	[bflag:$0x0] =	sbarrier.arrive $0xFFFF  }
.LBB2_14:
0x6a: {  	s14 =	smul.u32 $0x5, s13;
	_ =	sdelay $0x1  }
0x6b: {  	s14 =	sadd.s32 s29, s14  }
0x6c: {  	s17 =	smul.u32 $0xA, s14;
	_ =	sdelay $0x1  }
0x6d: {  	s18 =	sadd.s32 s4, s17  }
0x6e: {  	[tilespmem:s31], [sflag:$0x1] =	stream.linear.gather [hbm4b:s18+s12], $0x190, $0x38;
	[tilespmem:$0x17FD0] =	vst v63  }
0x6f: {  	_ =	swait.ge [sflag:s30], $0x190  }
0x70: {  	[sflag:s30] =	ssyncset.done $0x0  }
0x71: {  	s17 =	sadd.s32 s5, s17;
	[sflag:s30] =	ssyncadd.s32 $0xFFFFFE70  }
0x72: {  	[tilespmem:s0], [sflag:$0x1] =	stream.linear.gather [hbm4b:s17+s12], $0x190, $0x38;
	[tilespmem:$0x17FD0] =	vst v63  }
0x73: {  	_ =	swait.ge [sflag:s30], $0x190  }
0x74: {  	s20 =	simm.s32 $0x0;
	[sflag:s30] =	ssyncset.done $0x0  }
0x75: {  	s18 =	simm.s32 $0x0;
	s17 =	simm.s32 $0x13EC0;
	[sflag:s30] =	ssyncadd.s32 $0xFFFFFE70  }
.LBB2_15:
0x76: {  	s21 =	sshra.s32 s18, $0x2  }
0x77: {  	v11 =	vld [tilespmem:s21+$0x13880]  }
0x78: {  	v12 =	vld [tilespmem:s21+$0x13A10];
	_ =	sdelay $0x4  }
0x79: {  	v11 =	vshll.u32 v11, $0x3;
	v12 =	vshll.u32 v12, $0x3  }
0x7a: {  	v13 =	vor.u32 $0x2, v12  }
0x7b: {  	v14 =	vor.u32 $0x1, v11  }
0x7c: {  	v12 =	vor.u32 $0x3, v12;
	_ =	sdelay $0x1  }
0x7d: {  	v11 =	vld.idx.msk [tilespmem:v11+s2+$0x0], $0xffff  }
0x7e: {  	v13 =	vld.idx.msk [tilespmem:v13+s2+$0x0], $0xffff  }
0x7f: {  	v14 =	vld.idx.msk [tilespmem:v14+s2+$0x0], $0xffff  }
0x80: {  	v12 =	vld.idx.msk [tilespmem:v12+s2+$0x0], $0xffff;
	_ =	sdelay $0x3  }
0x81: {  	v11 =	vadd.f32 v13, v11  }
0x82: {  	v12 =	vadd.f32 v12, v14  }
0x83: {  	v13 =	vmul.f32 $2.000000030e-01, v11  }
0x84: {  	v14 =	vmul.f32 $2.000000030e-01, v12  }
0x85: {  	v11 =	vmax.f32 v11, v13  }
0x86: {  	v12 =	vmax.f32 v12, v14;
	v11 =	vmul.f32 $1.442695020e+00, v11  }
0x87: {  	v12 =	vmul.f32 $1.442695020e+00, v12  }
0x88: {  	(erf) = vpow2.f32 v11  }
0x89: {  	(erf) = vpow2.f32 v12  }
0x8a: {  	v11 =	vmov s20  }
0x8b: {  	v11 =	vmul.u32 $0x500, v11;
	_ =	sdelay $0x1  }
0x8c: {  	v11 =	vbroadcast v11, $0x0;
	_ =	sdelay $0x1  }
0x8d: {  	v38 =	vor.u32 v0, v11  }
0x8e: {  	v39 =	vor.u32 v2, v11  }
0x8f: {  	v40 =	vpop (erf)  }
0x90: {  	v15 =	vpop (erf);
	[tilespmem:s21+$0x13BA0] =	vst v40  }
0x91: {  	[tilespmem:s21+$0x13D30] =	vst v15  }
0x92: {  	[tilespmem:v38+s7+$0x0] =	vst.idx.msk $0xffff, v40  }
0x93: {  	[tilespmem:v39+s7+$0x0] =	vst.idx.msk $0xffff, v15  }
0x94: {  	v12 =	vld [tilespmem:s21+$0x13890]  }
0x95: {  	v13 =	vld [tilespmem:s21+$0x13A20];
	_ =	sdelay $0x4  }
0x96: {  	v12 =	vshll.u32 v12, $0x3;
	v13 =	vshll.u32 v13, $0x3  }
0x97: {  	v41 =	vor.u32 $0x2, v13  }
0x98: {  	v42 =	vor.u32 $0x1, v12  }
0x99: {  	v13 =	vor.u32 $0x3, v13;
	_ =	sdelay $0x1  }
0x9a: {  	v12 =	vld.idx.msk [tilespmem:v12+s2+$0x0], $0xffff  }
0x9b: {  	v14 =	vld.idx.msk [tilespmem:v41+s2+$0x0], $0xffff  }
0x9c: {  	v15 =	vld.idx.msk [tilespmem:v42+s2+$0x0], $0xffff  }
0x9d: {  	v13 =	vld.idx.msk [tilespmem:v13+s2+$0x0], $0xffff;
	_ =	sdelay $0x3  }
0x9e: {  	v12 =	vadd.f32 v14, v12  }
0x9f: {  	v13 =	vadd.f32 v13, v15  }
0xa0: {  	v14 =	vmul.f32 $2.000000030e-01, v12  }
0xa1: {  	v15 =	vmul.f32 $2.000000030e-01, v13  }
0xa2: {  	v12 =	vmax.f32 v12, v14  }
0xa3: {  	v13 =	vmax.f32 v13, v15;
	v12 =	vmul.f32 $1.442695020e+00, v12  }
0xa4: {  	v13 =	vmul.f32 $1.442695020e+00, v13  }
0xa5: {  	(erf) = vpow2.f32 v12  }
0xa6: {  	(erf) = vpow2.f32 v13;
	_ =	sdelay $0x5  }
0xa7: {  	v43 =	vadd.s32 v3, v11  }
0xa8: {  	v44 =	vadd.s32 v4, v11  }
0xa9: {  	v45 =	vpop (erf)  }
0xaa: {  	v46 =	vpop (erf);
	[tilespmem:s21+$0x13BB0] =	vst v45  }
0xab: {  	[tilespmem:s21+$0x13D40] =	vst v46  }
0xac: {  	[tilespmem:v43+s7+$0x0] =	vst.idx.msk $0xffff, v45  }
0xad: {  	[tilespmem:v44+s7+$0x0] =	vst.idx.msk $0xffff, v46  }
0xae: {  	v12 =	vld [tilespmem:s21+$0x138A0]  }
0xaf: {  	v13 =	vld [tilespmem:s21+$0x13A30];
	_ =	sdelay $0x4  }
0xb0: {  	v12 =	vshll.u32 v12, $0x3;
	v13 =	vshll.u32 v13, $0x3  }
0xb1: {  	v47 =	vor.u32 $0x2, v13  }
0xb2: {  	v48 =	vor.u32 $0x1, v12  }
0xb3: {  	v13 =	vor.u32 $0x3, v13;
	_ =	sdelay $0x1  }
0xb4: {  	v12 =	vld.idx.msk [tilespmem:v12+s2+$0x0], $0xffff  }
0xb5: {  	v14 =	vld.idx.msk [tilespmem:v47+s2+$0x0], $0xffff  }
0xb6: {  	v15 =	vld.idx.msk [tilespmem:v48+s2+$0x0], $0xffff  }
0xb7: {  	v13 =	vld.idx.msk [tilespmem:v13+s2+$0x0], $0xffff;
	_ =	sdelay $0x3  }
0xb8: {  	v12 =	vadd.f32 v14, v12  }
0xb9: {  	v13 =	vadd.f32 v13, v15  }
0xba: {  	v14 =	vmul.f32 $2.000000030e-01, v12  }
0xbb: {  	v15 =	vmul.f32 $2.000000030e-01, v13  }
0xbc: {  	v12 =	vmax.f32 v12, v14  }
0xbd: {  	v13 =	vmax.f32 v13, v15;
	v12 =	vmul.f32 $1.442695020e+00, v12  }
0xbe: {  	v13 =	vmul.f32 $1.442695020e+00, v13  }
0xbf: {  	(erf) = vpow2.f32 v12  }
0xc0: {  	(erf) = vpow2.f32 v13;
	_ =	sdelay $0x5  }
0xc1: {  	v49 =	vadd.s32 v5, v11  }
0xc2: {  	v50 =	vadd.s32 v6, v11  }
0xc3: {  	v51 =	vpop (erf)  }
0xc4: {  	v52 =	vpop (erf);
	[tilespmem:s21+$0x13BC0] =	vst v51  }
0xc5: {  	[tilespmem:s21+$0x13D50] =	vst v52  }
0xc6: {  	[tilespmem:v49+s7+$0x0] =	vst.idx.msk $0xffff, v51  }
0xc7: {  	[tilespmem:v50+s7+$0x0] =	vst.idx.msk $0xffff, v52  }
0xc8: {  	v12 =	vld [tilespmem:s21+$0x138B0]  }
0xc9: {  	v13 =	vld [tilespmem:s21+$0x13A40];
	_ =	sdelay $0x4  }
0xca: {  	v12 =	vshll.u32 v12, $0x3;
	v13 =	vshll.u32 v13, $0x3  }
0xcb: {  	v53 =	vor.u32 $0x2, v13  }
0xcc: {  	v54 =	vor.u32 $0x1, v12  }
0xcd: {  	v13 =	vor.u32 $0x3, v13;
	_ =	sdelay $0x1  }
0xce: {  	v12 =	vld.idx.msk [tilespmem:v12+s2+$0x0], $0xffff  }
0xcf: {  	v14 =	vld.idx.msk [tilespmem:v53+s2+$0x0], $0xffff  }
0xd0: {  	v15 =	vld.idx.msk [tilespmem:v54+s2+$0x0], $0xffff  }
0xd1: {  	v13 =	vld.idx.msk [tilespmem:v13+s2+$0x0], $0xffff;
	_ =	sdelay $0x3  }
0xd2: {  	v12 =	vadd.f32 v14, v12  }
0xd3: {  	v13 =	vadd.f32 v13, v15  }
0xd4: {  	v14 =	vmul.f32 $2.000000030e-01, v12  }
0xd5: {  	v15 =	vmul.f32 $2.000000030e-01, v13  }
0xd6: {  	v12 =	vmax.f32 v12, v14  }
0xd7: {  	v13 =	vmax.f32 v13, v15;
	v12 =	vmul.f32 $1.442695020e+00, v12  }
0xd8: {  	v13 =	vmul.f32 $1.442695020e+00, v13  }
0xd9: {  	(erf) = vpow2.f32 v12  }
0xda: {  	(erf) = vpow2.f32 v13;
	_ =	sdelay $0x5  }
0xdb: {  	v55 =	vadd.s32 v7, v11  }
0xdc: {  	v56 =	vadd.s32 v8, v11  }
0xdd: {  	v57 =	vpop (erf)  }
0xde: {  	v58 =	vpop (erf);
	[tilespmem:s21+$0x13BD0] =	vst v57  }
0xdf: {  	[tilespmem:s21+$0x13D60] =	vst v58  }
0xe0: {  	[tilespmem:v55+s7+$0x0] =	vst.idx.msk $0xffff, v57  }
0xe1: {  	[tilespmem:v56+s7+$0x0] =	vst.idx.msk $0xffff, v58  }
0xe2: {  	v12 =	vld [tilespmem:s21+$0x138C0]  }
0xe3: {  	v13 =	vld [tilespmem:s21+$0x13A50];
	_ =	sdelay $0x4  }
0xe4: {  	v12 =	vshll.u32 v12, $0x3;
	v13 =	vshll.u32 v13, $0x3  }
0xe5: {  	v59 =	vor.u32 $0x2, v13  }
0xe6: {  	v60 =	vor.u32 $0x1, v12  }
0xe7: {  	v13 =	vor.u32 $0x3, v13;
	_ =	sdelay $0x1  }
0xe8: {  	v12 =	vld.idx.msk [tilespmem:v12+s2+$0x0], $0xffff  }
0xe9: {  	v14 =	vld.idx.msk [tilespmem:v59+s2+$0x0], $0xffff  }
0xea: {  	v15 =	vld.idx.msk [tilespmem:v60+s2+$0x0], $0xffff  }
0xeb: {  	v13 =	vld.idx.msk [tilespmem:v13+s2+$0x0], $0xffff;
	_ =	sdelay $0x3  }
0xec: {  	v12 =	vadd.f32 v14, v12  }
0xed: {  	v13 =	vadd.f32 v13, v15  }
0xee: {  	v14 =	vmul.f32 $2.000000030e-01, v12  }
0xef: {  	v15 =	vmul.f32 $2.000000030e-01, v13  }
0xf0: {  	v12 =	vmax.f32 v12, v14  }
0xf1: {  	v13 =	vmax.f32 v13, v15;
	v12 =	vmul.f32 $1.442695020e+00, v12  }
0xf2: {  	v13 =	vmul.f32 $1.442695020e+00, v13  }
0xf3: {  	(erf) = vpow2.f32 v12  }
0xf4: {  	(erf) = vpow2.f32 v13;
	_ =	sdelay $0x5  }
0xf5: {  	v61 =	vadd.s32 v9, v11  }
0xf6: {  	v11 =	vadd.s32 v10, v11  }
0xf7: {  	v62 =	vpop (erf)  }
0xf8: {  	v63 =	vpop (erf);
	[tilespmem:s21+$0x13BE0] =	vst v62  }
0xf9: {  	[tilespmem:s21+$0x13D70] =	vst v63  }
0xfa: {  	p1 =	sne.s32 s18, $0x500;
	[tilespmem:v61+s7+$0x0] =	vst.idx.msk $0xffff, v62  }
.Ltmp6:
0xfb: {  	s21 =	sadd.s32 $0x13A10, s21;
	[tilespmem:v11+s7+$0x0] =	vst.idx.msk $0xffff, v63;
	(pc) =	sbr.rel @p1 .LBB2_15-.Ltmp6, $4  }
0xfc: {  	[spmem:s1] =	stream.indirect.scatter.add.f32 [tilespmem:s17], [sflag:$0x1], $0x10, s21, s8, $0xb8;
	[tilespmem:$0x17FD0] =	vst v63  }
0xfd: {  	_ =	swait.ge [sflag:s30], $0x500  }
0xfe: {  	s18 =	sadd.s32 $0x140, s18;
	[sflag:s30] =	ssyncset.done $0x0  }
0xff: {  	s20 =	sadd.s32 $0x1, s20;
	s17 =	sadd.s32 $0x500, s17;
	[sflag:s30] =	ssyncadd.s32 $0xFFFFFB00  }
0x100: {  	s14 =	sadd.s32 s6, s14  }
0x101: {  	s14 =	smul.u32 $0xA, s14;
	_ =	sdelay $0x1  }
0x102: {  	s17 =	sadd.s32 s15, s14  }
0x103: {  	[hbm4b:s17+s2] =	stream.linear.scatter [tilespmem:s9], [sflag:$0x1], $0x190, $0x38;
	[tilespmem:$0x17FD0] =	vst v63  }
0x104: {  	s13 =	sadd.s32 $0x1, s13;
	_ =	swait.ge [sflag:s30], $0x190  }
0x105: {  	p1 =	sne.s32 s13, $0x19;
	[sflag:s30] =	ssyncset.done $0x0  }
.Ltmp7:
0x106: {  	s14 =	sadd.s32 s16, s14;
	[sflag:s30] =	ssyncadd.s32 $0xFFFFFE70;
	(pc) =	sbr.rel @p1 .LBB2_14-.Ltmp7, $4  }
0x107: {  	[hbm4b:s14+s2] =	stream.linear.scatter [tilespmem:s10], [sflag:$0x1], $0x190, $0x38;
	[tilespmem:$0x17FD0] =	vst v63  }
0x108: {  	_ =	swait.ge [sflag:s30], $0x190  }
0x109: {  	[sflag:s30] =	ssyncset.done $0x0  }
0x10a: {  	[sflag:s30] =	ssyncadd.s32 $0xFFFFFE70  }
0x10b: {  	[bflag:$0x0] =	sbarrier.arrive $0xFFFF  }
0x10c: {  	s12 =	sshll.u32 s3, $0x6;
	s13 =	rddreg [dreg:$0x3]  }
0x10d: {  	s12 =	sor.u32 $0x1C01, s12;
	s14 =	rddreg [dreg:$0xd]  }
0x10e: {  	[hbm:s13], [sflag:s12] =	dma.local [spmem:s14], $0xA0  }
0x10f: {  	_ =	swait.ge [sflag:s30], $0xA0  }
0x110: {  	[sflag:s30] =	ssyncset.done $0x0;
	s18 =	rddreg [dreg:$0x4]  }
0x111: {  	s20 =	rddreg [dreg:$0xe];
	[sflag:s30] =	ssyncadd.s32 $0xFFFFFF60  }
0x112: {  	[hbm:s18], [sflag:s12] =	dma.local [spmem:s20], $0xA0  }
0x113: {  	_ =	swait.ge [sflag:s30], $0xA0  }
0x114: {  	[sflag:s30] =	ssyncset.done $0x0  }
0x115: {  	s21 =	rddreg [dreg:$0x5];
	[sflag:s30] =	ssyncadd.s32 $0xFFFFFF60  }
0x116: {  	[hbm:s21], [sflag:s12] =	dma.local [spmem:s22], $0xA0  }
0x117: {  	_ =	swait.ge [sflag:s30], $0xA0  }
0x118: {  	[sflag:s30] =	ssyncset.done $0x0  }
0x119: {  	s14 =	rddreg [dreg:$0x6];
	[sflag:s30] =	ssyncadd.s32 $0xFFFFFF60  }
0x11a: {  	[hbm:s14], [sflag:s12] =	dma.local [spmem:s23], $0xA0  }
0x11b: {  	_ =	swait.ge [sflag:s30], $0xA0  }
0x11c: {  	[sflag:s30] =	ssyncset.done $0x0  }
0x11d: {  	s17 =	rddreg [dreg:$0x7];
	[sflag:s30] =	ssyncadd.s32 $0xFFFFFF60  }
0x11e: {  	[hbm:s17], [sflag:s12] =	dma.local [spmem:s24], $0xA0  }
0x11f: {  	_ =	swait.ge [sflag:s30], $0xA0  }
0x120: {  	[sflag:s30] =	ssyncset.done $0x0  }
0x121: {  	s18 =	rddreg [dreg:$0x8];
	[sflag:s30] =	ssyncadd.s32 $0xFFFFFF60  }
0x122: {  	[hbm:s18], [sflag:s12] =	dma.local [spmem:s25], $0xA0  }
0x123: {  	_ =	swait.ge [sflag:s30], $0xA0  }
0x124: {  	[sflag:s30] =	ssyncset.done $0x0  }
0x125: {  	s20 =	rddreg [dreg:$0x9];
	[sflag:s30] =	ssyncadd.s32 $0xFFFFFF60  }
0x126: {  	[hbm:s20], [sflag:s12] =	dma.local [spmem:s26], $0xA0  }
0x127: {  	_ =	swait.ge [sflag:s30], $0xA0  }
0x128: {  	[sflag:s30] =	ssyncset.done $0x0  }
0x129: {  	s13 =	rddreg [dreg:$0xa];
	[sflag:s30] =	ssyncadd.s32 $0xFFFFFF60  }
0x12a: {  	[hbm:s13], [sflag:s12] =	dma.local @!p0 [spmem:s28], $0xA0  }
0x12b: {  	s12 =	simm.s32 @!p0 $0x1  }
0x12c: {  	_ =	swait.ge @!p0 [sflag:s12], $0xA0  }
0x12d: {  	s11 =	sadd.s32 $0x1, s11;
	s21 =	rddreg [dreg:$0xc]  }
0x12e: {  	p1 =	sne.s32 s11, s21  }
.Ltmp8:
0x12f: {  	_ = 	snop;
	(pc) =	sbr.rel @p1 .LBB2_1-.Ltmp8, $3  }
0x130: {  	_ =	sdelay $0x1  }
0x131: {  	[sflag:s12] =	ssyncset.done @!p0 $0x0  }
0x132: {  	[sflag:s12] =	ssyncadd.s32 @!p0 $0xFFFFFF60  }
0x133: {  	_ =	sfence.sel $0x180000  }
0x134: {  	[bflag:$0x0] =	sbarrier.arrive $0xFFFF  }
0x135: {  	_ =	strace $0x90000047  }
0x136: {  	[bflag:$0x2] =	sbarrier.arrive $0xFFFF  }
0x137: {  	p0 =	sne.s32 s3, $0x0;
	s0 =	rddreg [dreg:$0x2]  }
0x138: {  	s0 =	sadd.s32 @!p0 $0x100000, s0  }
0x139: {  	[sflag:s0] =	ssyncadd.tile.s32 @!p0 $0x1;
	_ =	shalt  }
.Lfunc_end2:
_tile_overlayer_lowered:
.L_overlay_start_2:
0x13a: {  	(tag) =	ssettag $0x2  }
0x13b: {  	s0 =	rddreg [dreg:$0x0];
	s2 =	stileid.u32  }
0x13c: {  	s1 =	rddreg [dreg:$0x1];
	p0 =	sne.s32 s2, $0x0  }
0x13d: {  	s3 =	rddreg [dreg:$0x2];
	[bflag:$0x3] =	sbarrier.arrive $0xFFFF;
	s2 =	simm.s32 @!p0 $0x1C01  }
0x13e: {  	[timem:s3], [sflag:s2] =	dma.local @!p0 [hbm:s0], s1  }
0x13f: {  	s0 =	simm.s32 @!p0 $0x1  }
0x140: {  	_ =	swait.ge @!p0 [sflag:s0], s1  }
0x141: {  	s1 =	ssub.s32 @!p0 $0x0, s1;
	[sflag:s0] =	ssyncset.done @!p0 $0x0  }
0x142: {  	[sflag:s0] =	ssyncadd.s32 @!p0 s1  }
0x143: {  	[bflag:$0x3] =	sbarrier.arrive $0xFFFF  }
0x144: {  	_ =	shalt  }

</sc_bundles>
